<compile_context>
chip_gen: v7x
topology: tpu7x:2x2x1
jax: 0.10.2.dev20260603
libtpu: 0.0.44.dev20260713+nightly
codegen_flags: <defaults>
</compile_context>

<pallas_src>
import functools

import jax
import jax.numpy as jnp
from jax import lax
from jax.experimental import pallas as pl
from jax.experimental.pallas import tpu as pltpu
from jax.experimental.pallas import tpu_sc as plsc

_B, _U, _H, _W, _E, _HEADS = 4, 8192, 64, 64, 128, 8
_S = _H * _W
_NP = _B * _U
_NG = _B * _S
_DH = _E // _HEADS
_SCALE = 0.25

def _mm(a, b):
    return lax.dot_general(a, b, (((1,), (0,)), ((), ())),
                           precision=jax.lax.Precision.DEFAULT,
                           preferred_element_type=jnp.float32)


def _gsum():
    return (lax.broadcasted_iota(jnp.int32, (_E, _E), 0) // _DH
            == lax.broadcasted_iota(jnp.int32, (_E, _E), 1) // _DH
            ).astype(jnp.float32)



def _cells_body(x0_ref, x1_ref, a0_ref, a1_ref, cf_ref, cl_ref):
    pi = pl.program_id(0)

    def nearest(x, a, n):
        d = jnp.abs(x[:, None, :] - a[None, :, :])
        m = jnp.min(d, axis=1, keepdims=True)
        ii = lax.broadcasted_iota(jnp.int32, d.shape, 1)
        return jnp.min(jnp.where(d == m, ii, n), axis=1)

    i0 = nearest(x0_ref[...], a0_ref[...], _H)
    i1 = nearest(x1_ref[...], a1_ref[...], _W)
    cell = i0 * _W + i1
    b = pi // 8
    cf_ref[...] = cell
    cl_ref[...] = cell + (b % 2) * _S


def _cells(x0, x1, a0b, a1b):
    return pl.pallas_call(
        _cells_body,
        grid=(32,),
        in_specs=[pl.BlockSpec((8, 128), lambda i: (i, 0)),
                  pl.BlockSpec((8, 128), lambda i: (i, 0)),
                  pl.BlockSpec((_H, 128), lambda i: (0, 0)),
                  pl.BlockSpec((_W, 128), lambda i: (0, 0))],
        out_specs=[pl.BlockSpec((8, 128), lambda i: (i, 0)),
                   pl.BlockSpec((8, 128), lambda i: (i, 0))],
        out_shape=[jax.ShapeDtypeStruct((_NP // 128, 128), jnp.int32),
                   jax.ShapeDtypeStruct((_NP // 128, 128), jnp.int32)],
    )(x0, x1, a0b, a1b)



def _qtab_body(lat_ref, wq_ref, q_ref):
    q_ref[...] = _mm(lat_ref[...], wq_ref[...])


def _qtab(lat, wq):
    return pl.pallas_call(
        _qtab_body,
        grid=(_S // 512,),
        in_specs=[pl.BlockSpec((512, _E), lambda i: (i, 0)),
                  pl.BlockSpec((_E, _E), lambda i: (0, 0))],
        out_specs=pl.BlockSpec((512, _E), lambda i: (i, 0)),
        out_shape=jax.ShapeDtypeStruct((_S, _E), jnp.float32),
    )(lat, wq)



_MESH = plsc.VectorSubcoreMesh(core_axis_name="c", subcore_axis_name="s")
_NW = 32
_TPW = _NP // _NW
_CH = 128
_NCH = _TPW // _CH


@functools.partial(
    pl.kernel, mesh=_MESH,
    out_type=jax.ShapeDtypeStruct((_NP, _E), jnp.float32),
    scratch_types=[
        pltpu.VMEM((_NCH, _CH), jnp.int32),
        pltpu.VMEM((_CH, _E), jnp.float32),
        pltpu.VMEM((_CH, _E), jnp.float32),
        pltpu.SemaphoreType.DMA,
        pltpu.SemaphoreType.DMA,
    ],
)
def _sc_gather(qtab_hbm, idx2_hbm, out_hbm, idx2_v, rows_a, rows_b, sg, so):
    wid = lax.axis_index("c") * 16 + lax.axis_index("s")
    base = wid * _TPW
    pltpu.sync_copy(idx2_hbm.at[pl.ds(wid * _NCH, _NCH)], idx2_v)
    bufs = (rows_a, rows_b)
    h_g = pltpu.async_copy(qtab_hbm.at[idx2_v.at[0]], bufs[0], sg)
    h_st = None
    for j in range(_NCH):
        cur = bufs[j % 2]
        h_g.wait()
        if j + 1 < _NCH:
            if h_st is not None:
                h_st.wait()
            h_g = pltpu.async_copy(qtab_hbm.at[idx2_v.at[j + 1]],
                                   bufs[(j + 1) % 2], sg)
        nh = pltpu.async_copy(cur, out_hbm.at[pl.ds(base + j * _CH, _CH)], so)
        if h_st is not None and j + 1 >= _NCH:
            h_st.wait()
        h_st = nh
    h_st.wait()



def _pay_body(qt_ref, z_ref, wk_ref, wv_ref, pa_ref, pb_ref):
    q = qt_ref[...]
    z = z_ref[...]
    k = _mm(z, wk_ref[...])
    v = _mm(z, wv_ref[...])
    wx = jnp.exp(_mm(q * k, _gsum()) * _SCALE)
    pa_ref[...] = wx * v
    pb_ref[...] = wx


def _payload(qtok, z, wk, wv):
    return pl.pallas_call(
        _pay_body,
        grid=(_NP // 1024,),
        in_specs=[pl.BlockSpec((1024, _E), lambda i: (i, 0)),
                  pl.BlockSpec((1024, _E), lambda i: (i, 0)),
                  pl.BlockSpec((_E, _E), lambda i: (0, 0)),
                  pl.BlockSpec((_E, _E), lambda i: (0, 0))],
        out_specs=[pl.BlockSpec((1024, _E), lambda i: (i, 0)),
                   pl.BlockSpec((1024, _E), lambda i: (i, 0))],
        out_shape=[jax.ShapeDtypeStruct((_NP, _E), jnp.float32),
                   jax.ShapeDtypeStruct((_NP, _E), jnp.float32)],
    )(qtok, z, wk, wv)



_HALF = _NG // 2


@functools.partial(
    pl.kernel, mesh=_MESH,
    out_type=[jax.ShapeDtypeStruct((_NG, _E), jnp.float32),
              jax.ShapeDtypeStruct((_NG, _E), jnp.float32)],
    scratch_types=[
        pltpu.VMEM((_NCH, _CH), jnp.int32),
        pltpu.VMEM((_CH, _E), jnp.float32),
        pltpu.VMEM((_CH, _E), jnp.float32),
        pltpu.VMEM((_CH, _E), jnp.float32),
        pltpu.VMEM_SHARED((_HALF, _E), jnp.float32),
        pltpu.SemaphoreType.DMA,
        pltpu.SemaphoreType.DMA,
    ],
)
def _sc_scatter(pa_hbm, pb_hbm, idx2_hbm, zero_hbm, outa_hbm, outb_hbm,
                idx2_v, pay_a, pay_b, zero_v, acc_sh, sl, sa):
    c = lax.axis_index("c")
    s = lax.axis_index("s")
    hbase = c * _HALF + s * 512
    wid = c * 16 + s
    base = wid * _TPW
    pltpu.sync_copy(idx2_hbm.at[pl.ds(wid * _NCH, _NCH)], idx2_v)
    pltpu.sync_copy(zero_hbm, zero_v)
    bufs = (pay_a, pay_b)
    for phase, (pay_hbm, out_hbm) in enumerate(((pa_hbm, outa_hbm),
                                                (pb_hbm, outb_hbm))):
        if phase == 0:
            for t in range(4):
                pltpu.sync_copy(zero_v, acc_sh_rows(acc_sh, s, t))
        plsc.subcore_barrier()
        h_ld = pltpu.async_copy(pay_hbm.at[pl.ds(base, _CH)], bufs[0], sl)
        h_sc = None
        for j in range(_NCH):
            cur = bufs[j % 2]
            h_ld.wait()
            nh = pltpu.async_copy(cur, acc_sh.at[idx2_v.at[j]], sa, add=True)
            if j + 1 < _NCH:
                if h_sc is not None:
                    h_sc.wait()
                h_ld = pltpu.async_copy(pay_hbm.at[pl.ds(base + (j + 1) * _CH, _CH)],
                                        bufs[(j + 1) % 2], sl)
            elif h_sc is not None:
                h_sc.wait()
            h_sc = nh
        h_sc.wait()
        plsc.subcore_barrier()
        for t in range(4):
            pltpu.sync_copy(acc_sh_rows(acc_sh, s, t), bufs[t % 2])
            pltpu.sync_copy(bufs[t % 2], out_hbm.at[pl.ds(hbase + t * _CH, _CH)])
            if phase == 0:
                pltpu.sync_copy(zero_v, acc_sh_rows(acc_sh, s, t))


def acc_sh_rows(acc_sh, s, t):
    return acc_sh.at[pl.ds(s * 512 + t * _CH, _CH)]



def _pre_body(lat_ref, zon_ref, wq_ref, wk_ref, wv_ref, ea_ref, eb_ref):
    q = _mm(lat_ref[...], wq_ref[...])
    zon = zon_ref[...]
    kon = _mm(zon, wk_ref[...])
    von = _mm(zon, wv_ref[...])
    eson = jnp.exp(_mm(q * kon, _gsum()) * _SCALE)
    ea_ref[...] = eson * von
    eb_ref[...] = eson


def _pre(lat, zon, wq, wk, wv):
    return pl.pallas_call(
        _pre_body,
        grid=(_NG // 1024,),
        in_specs=[pl.BlockSpec((1024, _E), lambda i: (i % (_S // 1024), 0)),
                  pl.BlockSpec((1024, _E), lambda i: (i, 0)),
                  pl.BlockSpec((_E, _E), lambda i: (0, 0)),
                  pl.BlockSpec((_E, _E), lambda i: (0, 0)),
                  pl.BlockSpec((_E, _E), lambda i: (0, 0))],
        out_specs=[pl.BlockSpec((1024, _E), lambda i: (i, 0)),
                   pl.BlockSpec((1024, _E), lambda i: (i, 0))],
        out_shape=[jax.ShapeDtypeStruct((_NG, _E), jnp.float32),
                   jax.ShapeDtypeStruct((_NG, _E), jnp.float32)],
    )(lat, zon, wq, wk, wv)



def _fin_body(sa_ref, sb_ref, ea_ref, eb_ref, wo_ref, o_ref):
    numer = sa_ref[...] + ea_ref[...]
    denom = sb_ref[...] + eb_ref[...]
    o_ref[...] = _mm(numer / denom, wo_ref[...])


def _fin(sum_a, sum_b, ea, eb, wo):
    return pl.pallas_call(
        _fin_body,
        grid=(_NG // 1024,),
        in_specs=[pl.BlockSpec((1024, _E), lambda i: (i, 0)),
                  pl.BlockSpec((1024, _E), lambda i: (i, 0)),
                  pl.BlockSpec((1024, _E), lambda i: (i, 0)),
                  pl.BlockSpec((1024, _E), lambda i: (i, 0)),
                  pl.BlockSpec((_E, _E), lambda i: (0, 0))],
        out_specs=pl.BlockSpec((1024, _E), lambda i: (i, 0)),
        out_shape=jax.ShapeDtypeStruct((_NG, _E), jnp.float32),
    )(sum_a, sum_b, ea, eb, wo)



def kernel(xc_off_grid, xc_on_grid, zc_off_grid, zc_on_grid, latents, Wq, Wk, Wv, Wo):
    x0 = xc_off_grid[..., 0].reshape(_NP // 128, 128)
    x1 = xc_off_grid[..., 1].reshape(_NP // 128, 128)
    a0b = jnp.broadcast_to(xc_on_grid[0, :, 0, 0][:, None], (_H, 128))
    a1b = jnp.broadcast_to(xc_on_grid[0, 0, :, 1][:, None], (_W, 128))
    cs2, cl2 = _cells(x0, x1, a0b, a1b)

    qtab = _qtab(latents.reshape(_S, _E), Wq)
    qtok = _sc_gather(qtab, cs2)
    pay_a, pay_b = _payload(qtok, zc_off_grid.reshape(_NP, _E), Wk, Wv)
    zero = jnp.zeros((_CH, _E), jnp.float32)
    ea, eb = _pre(latents.reshape(_S, _E), zc_on_grid.reshape(_NG, _E),
                  Wq, Wk, Wv)
    sum_a, sum_b = _sc_scatter(pay_a, pay_b, cl2, zero)
    z = _fin(sum_a, sum_b, ea, eb, Wo)
    return (xc_on_grid, z.reshape(_B, _H, _W, _E))

# --- scband reference (transcript-rebuilt; emitter-appended) ---
"""Pipeline reference for scband-pseudo-token-grid-encoder-25194278159165 (READ-ONLY COPY).

The authoritative reference and input builder live on the scoring server;
editing this copy changes nothing except your own understanding.
"""

import jax, jax.numpy as jnp
import numpy as np

B, U, H, W, E, HEADS = 4, 8192, 64, 64, 128, 8


def setup_inputs(seed: int = 0):
    key = jax.random.key(seed)
    ks = jax.random.split(key, 9)
    ax0 = jnp.linspace(-1.0, 1.0, H)
    ax1 = jnp.linspace(-1.0, 1.0, W)
    g0, g1 = jnp.meshgrid(ax0, ax1, indexing='ij')
    xc_on_grid = jnp.broadcast_to(jnp.stack([g0, g1], axis=-1)[None], (B, H, W, 2)).astype(jnp.float32)
    xc_off_grid = jax.random.uniform(ks[0], (B, U, 2), minval=-1.0, maxval=1.0, dtype=jnp.float32)
    zc_off_grid = jax.random.normal(ks[1], (B, U, E), dtype=jnp.float32)
    zc_on_grid = jax.random.normal(ks[2], (B, H, W, E), dtype=jnp.float32)
    latents = jax.random.normal(ks[3], (H, W, E), dtype=jnp.float32)
    sc = 1.0 / np.sqrt(E)
    Wq = jax.random.normal(ks[4], (E, E), dtype=jnp.float32) * sc
    Wk = jax.random.normal(ks[5], (E, E), dtype=jnp.float32) * sc
    Wv = jax.random.normal(ks[6], (E, E), dtype=jnp.float32) * sc
    Wo = jax.random.normal(ks[7], (E, E), dtype=jnp.float32) * sc
    return {"xc_off_grid": xc_off_grid, "xc_on_grid": xc_on_grid, "zc_off_grid": zc_off_grid,
            "zc_on_grid": zc_on_grid, "latents": latents, "Wq": Wq, "Wk": Wk, "Wv": Wv, "Wo": Wo}


def _indices(xc_off_grid, xc_on_grid):
    Bv, Uv = xc_off_grid.shape[0], xc_off_grid.shape[1]
    Hv, Wgr = xc_on_grid.shape[1], xc_on_grid.shape[2]
    S = Hv * Wgr
    # nearest gridded neighbour via per-dimension nearest axis value (regular grid)
    ax0 = xc_on_grid[0, :, 0, 0]
    ax1 = xc_on_grid[0, 0, :, 1]
    i0 = jnp.argmin(jnp.abs(xc_off_grid[..., 0][..., None] - ax0[None, None, :]), axis=-1)
    i1 = jnp.argmin(jnp.abs(xc_off_grid[..., 1][..., None] - ax1[None, None, :]), axis=-1)
    nearest_idx = i0 * Wgr + i1  # [B, U]
    # stable sort by cell id, cumcount within equal-cell runs (equivalent to the
    # complex-log associative_scan in the torch code, which computes a run-resetting counter)
    sorted_indices = jnp.argsort(nearest_idx, axis=1)  # jnp.argsort is stable
    sorted_vals = jnp.take_along_axis(nearest_idx, sorted_indices, axis=1)
    unsorted_indices = jnp.argsort(sorted_indices, axis=1)
    same = (sorted_vals == jnp.roll(sorted_vals, 1, axis=1)).astype(jnp.int32)
    same = same.at[:, 0].set(0)
    pos = jnp.broadcast_to(jnp.arange(Uv)[None, :], same.shape)
    reset_pos = jax.lax.cummax(jnp.where(same == 0, pos, jnp.zeros_like(pos)), axis=1)
    run_count = pos - reset_pos
    cumcount_idx = jnp.take_along_axis(run_count, unsorted_indices, axis=1)
    max_patch = Uv + 1
    rows = nearest_idx.reshape(-1) + jnp.repeat(jnp.arange(Bv) * S, Uv)
    cols = cumcount_idx.reshape(-1)
    written = jnp.zeros((Bv * S, max_patch), dtype=jnp.int32).at[rows, cols].set(1).at[:, -1].set(1)
    mask = written > 0  # [B*S, max_patch]
    return rows, cols, mask, max_patch, S


def reference(xc_off_grid, xc_on_grid, zc_off_grid, zc_on_grid, latents, Wq, Wk, Wv, Wo):
    # used_modality = BOTH: z_grid slot filled from zc_on_grid, no fake embedding
    Bv, Uv, Ev = zc_off_grid.shape
    Hv, Wgr = xc_on_grid.shape[1], xc_on_grid.shape[2]
    rows, cols, mask, max_patch, S = _indices(xc_off_grid, xc_on_grid)
    NP = Bv * Uv
    NG = Bv * S
    data = jnp.concatenate([zc_off_grid.reshape(NP, Ev), zc_on_grid.reshape(NG, Ev),
                            jnp.zeros((1, Ev), dtype=zc_off_grid.dtype)], axis=0)
    table = jnp.full((NG, max_patch), NP + NG, dtype=jnp.int32)
    table = table.at[rows, cols].set(jnp.arange(NP, dtype=jnp.int32))
    table = table.at[:, -1].set(NP + jnp.arange(NG, dtype=jnp.int32))
    lat = jnp.broadcast_to(latents[None], (Bv, Hv, Wgr, Ev)).reshape(NG, 1, Ev)
    dh = Ev // HEADS
    q = (lat @ Wq).reshape(NG, 1, HEADS, dh).transpose(0, 2, 1, 3)
    C = 64
    nch = NG // C

    def _attend(args):
        q_c, table_c, mask_c = args
        grid_stacked = data[table_c]
        k = (grid_stacked @ Wk).reshape(C, max_patch, HEADS, dh).transpose(0, 2, 1, 3)
        v = (grid_stacked @ Wv).reshape(C, max_patch, HEADS, dh).transpose(0, 2, 1, 3)
        scores = (q_c @ k.transpose(0, 1, 3, 2)) / np.sqrt(dh)
        scores = jnp.where(mask_c[:, None, None, :], scores, -1e30)
        attn = jax.nn.softmax(scores, axis=-1)
        return (attn @ v).transpose(0, 2, 1, 3).reshape(C, 1, Ev) @ Wo

    out = jax.lax.map(_attend, (q.reshape(nch, C, HEADS, 1, dh),
                                table.reshape(nch, C, max_patch),
                                mask.reshape(nch, C, max_patch)))
    out = out.reshape(NG, 1, Ev)
    z_grid = out.reshape(Bv, Hv, Wgr, Ev)
    return (xc_on_grid, z_grid)

if __name__ == "__main__":
    import jax
    _d = setup_inputs()
    print(jax.jit(kernel)(*tuple(_d.values())))

</pallas_src>

<mosaic_0001>
#map = affine_map<(d0, d1) -> (0, 0)>
module attributes {stable_mosaic.version = 14 : i64} {
  func.func @_sc_scatter(%arg0: i32, %arg1: i32, %arg2: memref<32768x128xf32, #tpu.memory_space<hbm>>, %arg3: memref<32768x128xf32, #tpu.memory_space<hbm>>, %arg4: memref<256x128xi32, #tpu.memory_space<hbm>>, %arg5: memref<128x128xf32, #tpu.memory_space<hbm>>, %arg6: memref<16384x128xf32, #tpu.memory_space<hbm>>, %arg7: memref<16384x128xf32, #tpu.memory_space<hbm>>, %arg8: memref<8x128xi32, #tpu.memory_space<vmem>>, %arg9: memref<128x128xf32, #tpu.memory_space<vmem>>, %arg10: memref<128x128xf32, #tpu.memory_space<vmem>>, %arg11: memref<128x128xf32, #tpu.memory_space<vmem>>, %arg12: memref<8192x128xf32, #tpu.memory_space<vmem_shared>>, %arg13: memref<!tpu.dma_semaphore, #tpu.memory_space<semaphore_mem>>, %arg14: memref<!tpu.dma_semaphore, #tpu.memory_space<semaphore_mem>>) attributes {dimension_semantics = [#tpu.dimension_semantics<core_parallel>, #tpu.dimension_semantics<subcore_parallel>], iteration_bounds = array<i64: 2, 16>, scalar_prefetch = 0 : i64, scratch_operands = 7 : i64, tpu.core_type = #tpu.core_type<sc_vector_subcore>, window_params = [{transform_indices = #map}, {transform_indices = #map}, {transform_indices = #map}, {transform_indices = #map}, {transform_indices = #map}, {transform_indices = #map}]} {
    %mul3A = arith.constant 8192 : i32
    %mul3A_0 = arith.muli %arg0, %mul3A : i32
    %mul3A_1 = arith.constant 512 : i32
    %mul3A_2 = arith.muli %arg1, %mul3A_1 : i32
    %add3A = arith.addi %mul3A_0, %mul3A_2 : i32
    %mul3A_3 = arith.constant 16 : i32
    %mul3A_4 = arith.muli %arg0, %mul3A_3 : i32
    %add3A_5 = arith.addi %mul3A_4, %arg1 : i32
    %mul3A_6 = arith.constant 1024 : i32
    %mul3A_7 = arith.muli %add3A_5, %mul3A_6 : i32
    %mul3A_8 = arith.constant 8 : i32
    %mul3A_9 = arith.muli %add3A_5, %mul3A_8 : i32
    "tpu.region"() ({
      %run_scoped3A = tpu.sem_alloc : memref<!tpu.dma_semaphore, #tpu.memory_space<semaphore_mem>>
      %dma_start3A_471 = arith.constant 0 : i32
      %dma_start3A_472 = tpu.memref_slice %arg4[%mul3A_9, %dma_start3A_471] : memref<256x128xi32, #tpu.memory_space<hbm>> -> memref<8x128xi32, #tpu.memory_space<hbm>>
      %dma_start3A_473 = arith.constant 0 : i32
      %dma_start3A_474 = tpu.memref_slice %arg4[%mul3A_9, %dma_start3A_473] : memref<256x128xi32, #tpu.memory_space<hbm>> -> memref<8x128xi32, #tpu.memory_space<hbm>>
      tpu.enqueue_dma source(%dma_start3A_474 : memref<8x128xi32, #tpu.memory_space<hbm>>) target(%arg8 : memref<8x128xi32, #tpu.memory_space<vmem>>) target_semaphore(%run_scoped3A : memref<!tpu.dma_semaphore, #tpu.memory_space<semaphore_mem>>)
      %dma_wait3A_475 = arith.constant 0 : i32
      %dma_wait3A_476 = tpu.memref_slice %arg4[%mul3A_9, %dma_wait3A_475] : memref<256x128xi32, #tpu.memory_space<hbm>> -> memref<8x128xi32, #tpu.memory_space<hbm>>
      %dma_wait3A_477 = arith.constant 0 : i32
      %dma_wait3A_478 = tpu.memref_slice %arg4[%mul3A_9, %dma_wait3A_477] : memref<256x128xi32, #tpu.memory_space<hbm>> -> memref<8x128xi32, #tpu.memory_space<hbm>>
      tpu.wait_dma2 semaphore(%run_scoped3A : memref<!tpu.dma_semaphore, #tpu.memory_space<semaphore_mem>>) src(%dma_wait3A_478 : memref<8x128xi32, #tpu.memory_space<hbm>>) dst(%arg8 : memref<8x128xi32, #tpu.memory_space<vmem>>)
      tpu.yield
    }) : () -> ()
    "tpu.region"() ({
      %run_scoped3A = tpu.sem_alloc : memref<!tpu.dma_semaphore, #tpu.memory_space<semaphore_mem>>
      tpu.enqueue_dma source(%arg5 : memref<128x128xf32, #tpu.memory_space<hbm>>) target(%arg11 : memref<128x128xf32, #tpu.memory_space<vmem>>) target_semaphore(%run_scoped3A : memref<!tpu.dma_semaphore, #tpu.memory_space<semaphore_mem>>)
      tpu.wait_dma2 semaphore(%run_scoped3A : memref<!tpu.dma_semaphore, #tpu.memory_space<semaphore_mem>>) src(%arg5 : memref<128x128xf32, #tpu.memory_space<hbm>>) dst(%arg11 : memref<128x128xf32, #tpu.memory_space<vmem>>)
      tpu.yield
    }) : () -> ()
    %mul3A_10 = arith.constant 512 : i32
    %mul3A_11 = arith.muli %arg1, %mul3A_10 : i32
    %add3A_12 = arith.constant 0 : i32
    %add3A_13 = arith.addi %mul3A_11, %add3A_12 : i32
    "tpu.region"() ({
      %run_scoped3A = tpu.sem_alloc : memref<!tpu.dma_semaphore, #tpu.memory_space<semaphore_mem>>
      %dma_start3A_471 = arith.constant 0 : i32
      %dma_start3A_472 = tpu.memref_slice %arg12[%add3A_13, %dma_start3A_471] : memref<8192x128xf32, #tpu.memory_space<vmem_shared>> -> memref<128x128xf32, #tpu.memory_space<vmem_shared>>
      %dma_start3A_473 = arith.constant 0 : i32
      %dma_start3A_474 = tpu.memref_slice %arg12[%add3A_13, %dma_start3A_473] : memref<8192x128xf32, #tpu.memory_space<vmem_shared>> -> memref<128x128xf32, #tpu.memory_space<vmem_shared>>
      tpu.enqueue_dma source(%arg11 : memref<128x128xf32, #tpu.memory_space<vmem>>) target(%dma_start3A_474 : memref<128x128xf32, #tpu.memory_space<vmem_shared>>) target_semaphore(%run_scoped3A : memref<!tpu.dma_semaphore, #tpu.memory_space<semaphore_mem>>)
      %dma_wait3A_475 = arith.constant 0 : i32
      %dma_wait3A_476 = tpu.memref_slice %arg12[%add3A_13, %dma_wait3A_475] : memref<8192x128xf32, #tpu.memory_space<vmem_shared>> -> memref<128x128xf32, #tpu.memory_space<vmem_shared>>
      %dma_wait3A_477 = arith.constant 0 : i32
      %dma_wait3A_478 = tpu.memref_slice %arg12[%add3A_13, %dma_wait3A_477] : memref<8192x128xf32, #tpu.memory_space<vmem_shared>> -> memref<128x128xf32, #tpu.memory_space<vmem_shared>>
      tpu.wait_dma2 semaphore(%run_scoped3A : memref<!tpu.dma_semaphore, #tpu.memory_space<semaphore_mem>>) src(%arg11 : memref<128x128xf32, #tpu.memory_space<vmem>>) dst(%dma_wait3A_478 : memref<128x128xf32, #tpu.memory_space<vmem_shared>>)
      tpu.yield
    }) : () -> ()
    %mul3A_14 = arith.constant 512 : i32
    %mul3A_15 = arith.muli %arg1, %mul3A_14 : i32
    %add3A_16 = arith.constant 128 : i32
    %add3A_17 = arith.addi %mul3A_15, %add3A_16 : i32
    "tpu.region"() ({
      %run_scoped3A = tpu.sem_alloc : memref<!tpu.dma_semaphore, #tpu.memory_space<semaphore_mem>>
      %dma_start3A_471 = arith.constant 0 : i32
      %dma_start3A_472 = tpu.memref_slice %arg12[%add3A_17, %dma_start3A_471] : memref<8192x128xf32, #tpu.memory_space<vmem_shared>> -> memref<128x128xf32, #tpu.memory_space<vmem_shared>>
      %dma_start3A_473 = arith.constant 0 : i32
      %dma_start3A_474 = tpu.memref_slice %arg12[%add3A_17, %dma_start3A_473] : memref<8192x128xf32, #tpu.memory_space<vmem_shared>> -> memref<128x128xf32, #tpu.memory_space<vmem_shared>>
      tpu.enqueue_dma source(%arg11 : memref<128x128xf32, #tpu.memory_space<vmem>>) target(%dma_start3A_474 : memref<128x128xf32, #tpu.memory_space<vmem_shared>>) target_semaphore(%run_scoped3A : memref<!tpu.dma_semaphore, #tpu.memory_space<semaphore_mem>>)
      %dma_wait3A_475 = arith.constant 0 : i32
      %dma_wait3A_476 = tpu.memref_slice %arg12[%add3A_17, %dma_wait3A_475] : memref<8192x128xf32, #tpu.memory_space<vmem_shared>> -> memref<128x128xf32, #tpu.memory_space<vmem_shared>>
      %dma_wait3A_477 = arith.constant 0 : i32
      %dma_wait3A_478 = tpu.memref_slice %arg12[%add3A_17, %dma_wait3A_477] : memref<8192x128xf32, #tpu.memory_space<vmem_shared>> -> memref<128x128xf32, #tpu.memory_space<vmem_shared>>
      tpu.wait_dma2 semaphore(%run_scoped3A : memref<!tpu.dma_semaphore, #tpu.memory_space<semaphore_mem>>) src(%arg11 : memref<128x128xf32, #tpu.memory_space<vmem>>) dst(%dma_wait3A_478 : memref<128x128xf32, #tpu.memory_space<vmem_shared>>)
      tpu.yield
    }) : () -> ()
    %mul3A_18 = arith.constant 512 : i32
    %mul3A_19 = arith.muli %arg1, %mul3A_18 : i32
    %add3A_20 = arith.constant 256 : i32
    %add3A_21 = arith.addi %mul3A_19, %add3A_20 : i32
    "tpu.region"() ({
      %run_scoped3A = tpu.sem_alloc : memref<!tpu.dma_semaphore, #tpu.memory_space<semaphore_mem>>
      %dma_start3A_471 = arith.constant 0 : i32
      %dma_start3A_472 = tpu.memref_slice %arg12[%add3A_21, %dma_start3A_471] : memref<8192x128xf32, #tpu.memory_space<vmem_shared>> -> memref<128x128xf32, #tpu.memory_space<vmem_shared>>
      %dma_start3A_473 = arith.constant 0 : i32
      %dma_start3A_474 = tpu.memref_slice %arg12[%add3A_21, %dma_start3A_473] : memref<8192x128xf32, #tpu.memory_space<vmem_shared>> -> memref<128x128xf32, #tpu.memory_space<vmem_shared>>
      tpu.enqueue_dma source(%arg11 : memref<128x128xf32, #tpu.memory_space<vmem>>) target(%dma_start3A_474 : memref<128x128xf32, #tpu.memory_space<vmem_shared>>) target_semaphore(%run_scoped3A : memref<!tpu.dma_semaphore, #tpu.memory_space<semaphore_mem>>)
      %dma_wait3A_475 = arith.constant 0 : i32
      %dma_wait3A_476 = tpu.memref_slice %arg12[%add3A_21, %dma_wait3A_475] : memref<8192x128xf32, #tpu.memory_space<vmem_shared>> -> memref<128x128xf32, #tpu.memory_space<vmem_shared>>
      %dma_wait3A_477 = arith.constant 0 : i32
      %dma_wait3A_478 = tpu.memref_slice %arg12[%add3A_21, %dma_wait3A_477] : memref<8192x128xf32, #tpu.memory_space<vmem_shared>> -> memref<128x128xf32, #tpu.memory_space<vmem_shared>>
      tpu.wait_dma2 semaphore(%run_scoped3A : memref<!tpu.dma_semaphore, #tpu.memory_space<semaphore_mem>>) src(%arg11 : memref<128x128xf32, #tpu.memory_space<vmem>>) dst(%dma_wait3A_478 : memref<128x128xf32, #tpu.memory_space<vmem_shared>>)
      tpu.yield
    }) : () -> ()
    %mul3A_22 = arith.constant 512 : i32
    %mul3A_23 = arith.muli %arg1, %mul3A_22 : i32
    %add3A_24 = arith.constant 384 : i32
    %add3A_25 = arith.addi %mul3A_23, %add3A_24 : i32
    "tpu.region"() ({
      %run_scoped3A = tpu.sem_alloc : memref<!tpu.dma_semaphore, #tpu.memory_space<semaphore_mem>>
      %dma_start3A_471 = arith.constant 0 : i32
      %dma_start3A_472 = tpu.memref_slice %arg12[%add3A_25, %dma_start3A_471] : memref<8192x128xf32, #tpu.memory_space<vmem_shared>> -> memref<128x128xf32, #tpu.memory_space<vmem_shared>>
      %dma_start3A_473 = arith.constant 0 : i32
      %dma_start3A_474 = tpu.memref_slice %arg12[%add3A_25, %dma_start3A_473] : memref<8192x128xf32, #tpu.memory_space<vmem_shared>> -> memref<128x128xf32, #tpu.memory_space<vmem_shared>>
      tpu.enqueue_dma source(%arg11 : memref<128x128xf32, #tpu.memory_space<vmem>>) target(%dma_start3A_474 : memref<128x128xf32, #tpu.memory_space<vmem_shared>>) target_semaphore(%run_scoped3A : memref<!tpu.dma_semaphore, #tpu.memory_space<semaphore_mem>>)
      %dma_wait3A_475 = arith.constant 0 : i32
      %dma_wait3A_476 = tpu.memref_slice %arg12[%add3A_25, %dma_wait3A_475] : memref<8192x128xf32, #tpu.memory_space<vmem_shared>> -> memref<128x128xf32, #tpu.memory_space<vmem_shared>>
      %dma_wait3A_477 = arith.constant 0 : i32
      %dma_wait3A_478 = tpu.memref_slice %arg12[%add3A_25, %dma_wait3A_477] : memref<8192x128xf32, #tpu.memory_space<vmem_shared>> -> memref<128x128xf32, #tpu.memory_space<vmem_shared>>
      tpu.wait_dma2 semaphore(%run_scoped3A : memref<!tpu.dma_semaphore, #tpu.memory_space<semaphore_mem>>) src(%arg11 : memref<128x128xf32, #tpu.memory_space<vmem>>) dst(%dma_wait3A_478 : memref<128x128xf32, #tpu.memory_space<vmem_shared>>)
      tpu.yield
    }) : () -> ()
    %barrier3A = arith.constant 0 : index
    tpu.barrier barrier_id(%barrier3A)
    %dma_start3A = arith.constant 0 : i32
    %dma_start3A_26 = tpu.memref_slice %arg2[%mul3A_7, %dma_start3A] : memref<32768x128xf32, #tpu.memory_space<hbm>> -> memref<128x128xf32, #tpu.memory_space<hbm>>
    %dma_start3A_27 = arith.constant 0 : i32
    %dma_start3A_28 = tpu.memref_slice %arg2[%mul3A_7, %dma_start3A_27] : memref<32768x128xf32, #tpu.memory_space<hbm>> -> memref<128x128xf32, #tpu.memory_space<hbm>>
    tpu.enqueue_dma source(%dma_start3A_28 : memref<128x128xf32, #tpu.memory_space<hbm>>) target(%arg9 : memref<128x128xf32, #tpu.memory_space<vmem>>) target_semaphore(%arg13 : memref<!tpu.dma_semaphore, #tpu.memory_space<semaphore_mem>>)
    %dma_wait3A = arith.constant 0 : i32
    %dma_wait3A_29 = tpu.memref_slice %arg2[%mul3A_7, %dma_wait3A] : memref<32768x128xf32, #tpu.memory_space<hbm>> -> memref<128x128xf32, #tpu.memory_space<hbm>>
    %dma_wait3A_30 = arith.constant 0 : i32
    %dma_wait3A_31 = tpu.memref_slice %arg2[%mul3A_7, %dma_wait3A_30] : memref<32768x128xf32, #tpu.memory_space<hbm>> -> memref<128x128xf32, #tpu.memory_space<hbm>>
    tpu.wait_dma2 semaphore(%arg13 : memref<!tpu.dma_semaphore, #tpu.memory_space<semaphore_mem>>) src(%dma_wait3A_31 : memref<128x128xf32, #tpu.memory_space<hbm>>) dst(%arg9 : memref<128x128xf32, #tpu.memory_space<vmem>>)
    %dma_start3A_32 = arith.constant 0 : i32
    %dma_start3A_33 = arith.constant 0 : i32
    %dma_start3A_34 = tpu.memref_slice %arg8[%dma_start3A_32, %dma_start3A_33] : memref<8x128xi32, #tpu.memory_space<vmem>> -> memref<1x128xi32, #tpu.memory_space<vmem>>
    %dma_start3A_35 = tpu.memref_squeeze %dma_start3A_34 : memref<1x128xi32, #tpu.memory_space<vmem>> -> memref<128xi32, #tpu.memory_space<vmem>>
    %dma_start3A_36 = arith.constant 0 : i32
    %dma_start3A_37 = arith.constant 0 : i32
    %dma_start3A_38 = tpu.memref_slice %arg12[%dma_start3A_36, %dma_start3A_37] : memref<8192x128xf32, #tpu.memory_space<vmem_shared>> -> memref<8192x128xf32, #tpu.memory_space<vmem_shared>>
    tpu.enqueue_indirect_dma source(%arg9 : memref<128x128xf32, #tpu.memory_space<vmem>>) target(%dma_start3A_38 : memref<8192x128xf32, #tpu.memory_space<vmem_shared>>) offsets(%dma_start3A_35 : memref<128xi32, #tpu.memory_space<vmem>>) semaphore(%arg14 : memref<!tpu.dma_semaphore, #tpu.memory_space<semaphore_mem>>) {add = true}
    %add3A_39 = arith.constant 128 : i32
    %add3A_40 = arith.addi %mul3A_7, %add3A_39 : i32
    %dma_start3A_41 = arith.constant 0 : i32
    %dma_start3A_42 = tpu.memref_slice %arg2[%add3A_40, %dma_start3A_41] : memref<32768x128xf32, #tpu.memory_space<hbm>> -> memref<128x128xf32, #tpu.memory_space<hbm>>
    %dma_start3A_43 = arith.constant 0 : i32
    %dma_start3A_44 = tpu.memref_slice %arg2[%add3A_40, %dma_start3A_43] : memref<32768x128xf32, #tpu.memory_space<hbm>> -> memref<128x128xf32, #tpu.memory_space<hbm>>
    tpu.enqueue_dma source(%dma_start3A_44 : memref<128x128xf32, #tpu.memory_space<hbm>>) target(%arg10 : memref<128x128xf32, #tpu.memory_space<vmem>>) target_semaphore(%arg13 : memref<!tpu.dma_semaphore, #tpu.memory_space<semaphore_mem>>)
    %dma_wait3A_45 = arith.constant 0 : i32
    %dma_wait3A_46 = tpu.memref_slice %arg2[%add3A_40, %dma_wait3A_45] : memref<32768x128xf32, #tpu.memory_space<hbm>> -> memref<128x128xf32, #tpu.memory_space<hbm>>
    %dma_wait3A_47 = arith.constant 0 : i32
    %dma_wait3A_48 = tpu.memref_slice %arg2[%add3A_40, %dma_wait3A_47] : memref<32768x128xf32, #tpu.memory_space<hbm>> -> memref<128x128xf32, #tpu.memory_space<hbm>>
    tpu.wait_dma2 semaphore(%arg13 : memref<!tpu.dma_semaphore, #tpu.memory_space<semaphore_mem>>) src(%dma_wait3A_48 : memref<128x128xf32, #tpu.memory_space<hbm>>) dst(%arg10 : memref<128x128xf32, #tpu.memory_space<vmem>>)
    %dma_start3A_49 = arith.constant 1 : i32
    %dma_start3A_50 = arith.constant 0 : i32
    %dma_start3A_51 = tpu.memref_slice %arg8[%dma_start3A_49, %dma_start3A_50] : memref<8x128xi32, #tpu.memory_space<vmem>> -> memref<1x128xi32, #tpu.memory_space<vmem>>
    %dma_start3A_52 = tpu.memref_squeeze %dma_start3A_51 : memref<1x128xi32, #tpu.memory_space<vmem>> -> memref<128xi32, #tpu.memory_space<vmem>>
    %dma_start3A_53 = arith.constant 0 : i32
    %dma_start3A_54 = arith.constant 0 : i32
    %dma_start3A_55 = tpu.memref_slice %arg12[%dma_start3A_53, %dma_start3A_54] : memref<8192x128xf32, #tpu.memory_space<vmem_shared>> -> memref<8192x128xf32, #tpu.memory_space<vmem_shared>>
    tpu.enqueue_indirect_dma source(%arg10 : memref<128x128xf32, #tpu.memory_space<vmem>>) target(%dma_start3A_55 : memref<8192x128xf32, #tpu.memory_space<vmem_shared>>) offsets(%dma_start3A_52 : memref<128xi32, #tpu.memory_space<vmem>>) semaphore(%arg14 : memref<!tpu.dma_semaphore, #tpu.memory_space<semaphore_mem>>) {add = true}
    %dma_wait3A_56 = arith.constant 0 : i32
    %dma_wait3A_57 = arith.constant 0 : i32
    %dma_wait3A_58 = tpu.memref_slice %arg8[%dma_wait3A_56, %dma_wait3A_57] : memref<8x128xi32, #tpu.memory_space<vmem>> -> memref<1x128xi32, #tpu.memory_space<vmem>>
    %dma_wait3A_59 = tpu.memref_squeeze %dma_wait3A_58 : memref<1x128xi32, #tpu.memory_space<vmem>> -> memref<128xi32, #tpu.memory_space<vmem>>
    %dma_wait3A_60 = arith.constant 0 : i32
    %dma_wait3A_61 = arith.constant 0 : i32
    %dma_wait3A_62 = tpu.memref_slice %arg12[%dma_wait3A_60, %dma_wait3A_61] : memref<8192x128xf32, #tpu.memory_space<vmem_shared>> -> memref<8192x128xf32, #tpu.memory_space<vmem_shared>>
    tpu.wait_indirect_dma semaphore(%arg14 : memref<!tpu.dma_semaphore, #tpu.memory_space<semaphore_mem>>) src(%arg9 : memref<128x128xf32, #tpu.memory_space<vmem>>) dst(%dma_wait3A_62 : memref<8192x128xf32, #tpu.memory_space<vmem_shared>>)
    %add3A_63 = arith.constant 256 : i32
    %add3A_64 = arith.addi %mul3A_7, %add3A_63 : i32
    %dma_start3A_65 = arith.constant 0 : i32
    %dma_start3A_66 = tpu.memref_slice %arg2[%add3A_64, %dma_start3A_65] : memref<32768x128xf32, #tpu.memory_space<hbm>> -> memref<128x128xf32, #tpu.memory_space<hbm>>
    %dma_start3A_67 = arith.constant 0 : i32
    %dma_start3A_68 = tpu.memref_slice %arg2[%add3A_64, %dma_start3A_67] : memref<32768x128xf32, #tpu.memory_space<hbm>> -> memref<128x128xf32, #tpu.memory_space<hbm>>
    tpu.enqueue_dma source(%dma_start3A_68 : memref<128x128xf32, #tpu.memory_space<hbm>>) target(%arg9 : memref<128x128xf32, #tpu.memory_space<vmem>>) target_semaphore(%arg13 : memref<!tpu.dma_semaphore, #tpu.memory_space<semaphore_mem>>)
    %dma_wait3A_69 = arith.constant 0 : i32
    %dma_wait3A_70 = tpu.memref_slice %arg2[%add3A_64, %dma_wait3A_69] : memref<32768x128xf32, #tpu.memory_space<hbm>> -> memref<128x128xf32, #tpu.memory_space<hbm>>
    %dma_wait3A_71 = arith.constant 0 : i32
    %dma_wait3A_72 = tpu.memref_slice %arg2[%add3A_64, %dma_wait3A_71] : memref<32768x128xf32, #tpu.memory_space<hbm>> -> memref<128x128xf32, #tpu.memory_space<hbm>>
    tpu.wait_dma2 semaphore(%arg13 : memref<!tpu.dma_semaphore, #tpu.memory_space<semaphore_mem>>) src(%dma_wait3A_72 : memref<128x128xf32, #tpu.memory_space<hbm>>) dst(%arg9 : memref<128x128xf32, #tpu.memory_space<vmem>>)
    %dma_start3A_73 = arith.constant 2 : i32
    %dma_start3A_74 = arith.constant 0 : i32
    %dma_start3A_75 = tpu.memref_slice %arg8[%dma_start3A_73, %dma_start3A_74] : memref<8x128xi32, #tpu.memory_space<vmem>> -> memref<1x128xi32, #tpu.memory_space<vmem>>
    %dma_start3A_76 = tpu.memref_squeeze %dma_start3A_75 : memref<1x128xi32, #tpu.memory_space<vmem>> -> memref<128xi32, #tpu.memory_space<vmem>>
    %dma_start3A_77 = arith.constant 0 : i32
    %dma_start3A_78 = arith.constant 0 : i32
    %dma_start3A_79 = tpu.memref_slice %arg12[%dma_start3A_77, %dma_start3A_78] : memref<8192x128xf32, #tpu.memory_space<vmem_shared>> -> memref<8192x128xf32, #tpu.memory_space<vmem_shared>>
    tpu.enqueue_indirect_dma source(%arg9 : memref<128x128xf32, #tpu.memory_space<vmem>>) target(%dma_start3A_79 : memref<8192x128xf32, #tpu.memory_space<vmem_shared>>) offsets(%dma_start3A_76 : memref<128xi32, #tpu.memory_space<vmem>>) semaphore(%arg14 : memref<!tpu.dma_semaphore, #tpu.memory_space<semaphore_mem>>) {add = true}
    %dma_wait3A_80 = arith.constant 1 : i32
    %dma_wait3A_81 = arith.constant 0 : i32
    %dma_wait3A_82 = tpu.memref_slice %arg8[%dma_wait3A_80, %dma_wait3A_81] : memref<8x128xi32, #tpu.memory_space<vmem>> -> memref<1x128xi32, #tpu.memory_space<vmem>>
    %dma_wait3A_83 = tpu.memref_squeeze %dma_wait3A_82 : memref<1x128xi32, #tpu.memory_space<vmem>> -> memref<128xi32, #tpu.memory_space<vmem>>
    %dma_wait3A_84 = arith.constant 0 : i32
    %dma_wait3A_85 = arith.constant 0 : i32
    %dma_wait3A_86 = tpu.memref_slice %arg12[%dma_wait3A_84, %dma_wait3A_85] : memref<8192x128xf32, #tpu.memory_space<vmem_shared>> -> memref<8192x128xf32, #tpu.memory_space<vmem_shared>>
    tpu.wait_indirect_dma semaphore(%arg14 : memref<!tpu.dma_semaphore, #tpu.memory_space<semaphore_mem>>) src(%arg10 : memref<128x128xf32, #tpu.memory_space<vmem>>) dst(%dma_wait3A_86 : memref<8192x128xf32, #tpu.memory_space<vmem_shared>>)
    %add3A_87 = arith.constant 384 : i32
    %add3A_88 = arith.addi %mul3A_7, %add3A_87 : i32
    %dma_start3A_89 = arith.constant 0 : i32
    %dma_start3A_90 = tpu.memref_slice %arg2[%add3A_88, %dma_start3A_89] : memref<32768x128xf32, #tpu.memory_space<hbm>> -> memref<128x128xf32, #tpu.memory_space<hbm>>
    %dma_start3A_91 = arith.constant 0 : i32
    %dma_start3A_92 = tpu.memref_slice %arg2[%add3A_88, %dma_start3A_91] : memref<32768x128xf32, #tpu.memory_space<hbm>> -> memref<128x128xf32, #tpu.memory_space<hbm>>
    tpu.enqueue_dma source(%dma_start3A_92 : memref<128x128xf32, #tpu.memory_space<hbm>>) target(%arg10 : memref<128x128xf32, #tpu.memory_space<vmem>>) target_semaphore(%arg13 : memref<!tpu.dma_semaphore, #tpu.memory_space<semaphore_mem>>)
    %dma_wait3A_93 = arith.constant 0 : i32
    %dma_wait3A_94 = tpu.memref_slice %arg2[%add3A_88, %dma_wait3A_93] : memref<32768x128xf32, #tpu.memory_space<hbm>> -> memref<128x128xf32, #tpu.memory_space<hbm>>
    %dma_wait3A_95 = arith.constant 0 : i32
    %dma_wait3A_96 = tpu.memref_slice %arg2[%add3A_88, %dma_wait3A_95] : memref<32768x128xf32, #tpu.memory_space<hbm>> -> memref<128x128xf32, #tpu.memory_space<hbm>>
    tpu.wait_dma2 semaphore(%arg13 : memref<!tpu.dma_semaphore, #tpu.memory_space<semaphore_mem>>) src(%dma_wait3A_96 : memref<128x128xf32, #tpu.memory_space<hbm>>) dst(%arg10 : memref<128x128xf32, #tpu.memory_space<vmem>>)
    %dma_start3A_97 = arith.constant 3 : i32
    %dma_start3A_98 = arith.constant 0 : i32
    %dma_start3A_99 = tpu.memref_slice %arg8[%dma_start3A_97, %dma_start3A_98] : memref<8x128xi32, #tpu.memory_space<vmem>> -> memref<1x128xi32, #tpu.memory_space<vmem>>
    %dma_start3A_100 = tpu.memref_squeeze %dma_start3A_99 : memref<1x128xi32, #tpu.memory_space<vmem>> -> memref<128xi32, #tpu.memory_space<vmem>>
    %dma_start3A_101 = arith.constant 0 : i32
    %dma_start3A_102 = arith.constant 0 : i32
    %dma_start3A_103 = tpu.memref_slice %arg12[%dma_start3A_101, %dma_start3A_102] : memref<8192x128xf32, #tpu.memory_space<vmem_shared>> -> memref<8192x128xf32, #tpu.memory_space<vmem_shared>>
    tpu.enqueue_indirect_dma source(%arg10 : memref<128x128xf32, #tpu.memory_space<vmem>>) target(%dma_start3A_103 : memref<8192x128xf32, #tpu.memory_space<vmem_shared>>) offsets(%dma_start3A_100 : memref<128xi32, #tpu.memory_space<vmem>>) semaphore(%arg14 : memref<!tpu.dma_semaphore, #tpu.memory_space<semaphore_mem>>) {add = true}
    %dma_wait3A_104 = arith.constant 2 : i32
    %dma_wait3A_105 = arith.constant 0 : i32
    %dma_wait3A_106 = tpu.memref_slice %arg8[%dma_wait3A_104, %dma_wait3A_105] : memref<8x128xi32, #tpu.memory_space<vmem>> -> memref<1x128xi32, #tpu.memory_space<vmem>>
    %dma_wait3A_107 = tpu.memref_squeeze %dma_wait3A_106 : memref<1x128xi32, #tpu.memory_space<vmem>> -> memref<128xi32, #tpu.memory_space<vmem>>
    %dma_wait3A_108 = arith.constant 0 : i32
    %dma_wait3A_109 = arith.constant 0 : i32
    %dma_wait3A_110 = tpu.memref_slice %arg12[%dma_wait3A_108, %dma_wait3A_109] : memref<8192x128xf32, #tpu.memory_space<vmem_shared>> -> memref<8192x128xf32, #tpu.memory_space<vmem_shared>>
    tpu.wait_indirect_dma semaphore(%arg14 : memref<!tpu.dma_semaphore, #tpu.memory_space<semaphore_mem>>) src(%arg9 : memref<128x128xf32, #tpu.memory_space<vmem>>) dst(%dma_wait3A_110 : memref<8192x128xf32, #tpu.memory_space<vmem_shared>>)
    %add3A_111 = arith.constant 512 : i32
    %add3A_112 = arith.addi %mul3A_7, %add3A_111 : i32
    %dma_start3A_113 = arith.constant 0 : i32
    %dma_start3A_114 = tpu.memref_slice %arg2[%add3A_112, %dma_start3A_113] : memref<32768x128xf32, #tpu.memory_space<hbm>> -> memref<128x128xf32, #tpu.memory_space<hbm>>
    %dma_start3A_115 = arith.constant 0 : i32
    %dma_start3A_116 = tpu.memref_slice %arg2[%add3A_112, %dma_start3A_115] : memref<32768x128xf32, #tpu.memory_space<hbm>> -> memref<128x128xf32, #tpu.memory_space<hbm>>
    tpu.enqueue_dma source(%dma_start3A_116 : memref<128x128xf32, #tpu.memory_space<hbm>>) target(%arg9 : memref<128x128xf32, #tpu.memory_space<vmem>>) target_semaphore(%arg13 : memref<!tpu.dma_semaphore, #tpu.memory_space<semaphore_mem>>)
    %dma_wait3A_117 = arith.constant 0 : i32
    %dma_wait3A_118 = tpu.memref_slice %arg2[%add3A_112, %dma_wait3A_117] : memref<32768x128xf32, #tpu.memory_space<hbm>> -> memref<128x128xf32, #tpu.memory_space<hbm>>
    %dma_wait3A_119 = arith.constant 0 : i32
    %dma_wait3A_120 = tpu.memref_slice %arg2[%add3A_112, %dma_wait3A_119] : memref<32768x128xf32, #tpu.memory_space<hbm>> -> memref<128x128xf32, #tpu.memory_space<hbm>>
    tpu.wait_dma2 semaphore(%arg13 : memref<!tpu.dma_semaphore, #tpu.memory_space<semaphore_mem>>) src(%dma_wait3A_120 : memref<128x128xf32, #tpu.memory_space<hbm>>) dst(%arg9 : memref<128x128xf32, #tpu.memory_space<vmem>>)
    %dma_start3A_121 = arith.constant 4 : i32
    %dma_start3A_122 = arith.constant 0 : i32
    %dma_start3A_123 = tpu.memref_slice %arg8[%dma_start3A_121, %dma_start3A_122] : memref<8x128xi32, #tpu.memory_space<vmem>> -> memref<1x128xi32, #tpu.memory_space<vmem>>
    %dma_start3A_124 = tpu.memref_squeeze %dma_start3A_123 : memref<1x128xi32, #tpu.memory_space<vmem>> -> memref<128xi32, #tpu.memory_space<vmem>>
    %dma_start3A_125 = arith.constant 0 : i32
    %dma_start3A_126 = arith.constant 0 : i32
    %dma_start3A_127 = tpu.memref_slice %arg12[%dma_start3A_125, %dma_start3A_126] : memref<8192x128xf32, #tpu.memory_space<vmem_shared>> -> memref<8192x128xf32, #tpu.memory_space<vmem_shared>>
    tpu.enqueue_indirect_dma source(%arg9 : memref<128x128xf32, #tpu.memory_space<vmem>>) target(%dma_start3A_127 : memref<8192x128xf32, #tpu.memory_space<vmem_shared>>) offsets(%dma_start3A_124 : memref<128xi32, #tpu.memory_space<vmem>>) semaphore(%arg14 : memref<!tpu.dma_semaphore, #tpu.memory_space<semaphore_mem>>) {add = true}
    %dma_wait3A_128 = arith.constant 3 : i32
    %dma_wait3A_129 = arith.constant 0 : i32
    %dma_wait3A_130 = tpu.memref_slice %arg8[%dma_wait3A_128, %dma_wait3A_129] : memref<8x128xi32, #tpu.memory_space<vmem>> -> memref<1x128xi32, #tpu.memory_space<vmem>>
    %dma_wait3A_131 = tpu.memref_squeeze %dma_wait3A_130 : memref<1x128xi32, #tpu.memory_space<vmem>> -> memref<128xi32, #tpu.memory_space<vmem>>
    %dma_wait3A_132 = arith.constant 0 : i32
    %dma_wait3A_133 = arith.constant 0 : i32
    %dma_wait3A_134 = tpu.memref_slice %arg12[%dma_wait3A_132, %dma_wait3A_133] : memref<8192x128xf32, #tpu.memory_space<vmem_shared>> -> memref<8192x128xf32, #tpu.memory_space<vmem_shared>>
    tpu.wait_indirect_dma semaphore(%arg14 : memref<!tpu.dma_semaphore, #tpu.memory_space<semaphore_mem>>) src(%arg10 : memref<128x128xf32, #tpu.memory_space<vmem>>) dst(%dma_wait3A_134 : memref<8192x128xf32, #tpu.memory_space<vmem_shared>>)
    %add3A_135 = arith.constant 640 : i32
    %add3A_136 = arith.addi %mul3A_7, %add3A_135 : i32
    %dma_start3A_137 = arith.constant 0 : i32
    %dma_start3A_138 = tpu.memref_slice %arg2[%add3A_136, %dma_start3A_137] : memref<32768x128xf32, #tpu.memory_space<hbm>> -> memref<128x128xf32, #tpu.memory_space<hbm>>
    %dma_start3A_139 = arith.constant 0 : i32
    %dma_start3A_140 = tpu.memref_slice %arg2[%add3A_136, %dma_start3A_139] : memref<32768x128xf32, #tpu.memory_space<hbm>> -> memref<128x128xf32, #tpu.memory_space<hbm>>
    tpu.enqueue_dma source(%dma_start3A_140 : memref<128x128xf32, #tpu.memory_space<hbm>>) target(%arg10 : memref<128x128xf32, #tpu.memory_space<vmem>>) target_semaphore(%arg13 : memref<!tpu.dma_semaphore, #tpu.memory_space<semaphore_mem>>)
    %dma_wait3A_141 = arith.constant 0 : i32
    %dma_wait3A_142 = tpu.memref_slice %arg2[%add3A_136, %dma_wait3A_141] : memref<32768x128xf32, #tpu.memory_space<hbm>> -> memref<128x128xf32, #tpu.memory_space<hbm>>
    %dma_wait3A_143 = arith.constant 0 : i32
    %dma_wait3A_144 = tpu.memref_slice %arg2[%add3A_136, %dma_wait3A_143] : memref<32768x128xf32, #tpu.memory_space<hbm>> -> memref<128x128xf32, #tpu.memory_space<hbm>>
    tpu.wait_dma2 semaphore(%arg13 : memref<!tpu.dma_semaphore, #tpu.memory_space<semaphore_mem>>) src(%dma_wait3A_144 : memref<128x128xf32, #tpu.memory_space<hbm>>) dst(%arg10 : memref<128x128xf32, #tpu.memory_space<vmem>>)
    %dma_start3A_145 = arith.constant 5 : i32
    %dma_start3A_146 = arith.constant 0 : i32
    %dma_start3A_147 = tpu.memref_slice %arg8[%dma_start3A_145, %dma_start3A_146] : memref<8x128xi32, #tpu.memory_space<vmem>> -> memref<1x128xi32, #tpu.memory_space<vmem>>
    %dma_start3A_148 = tpu.memref_squeeze %dma_start3A_147 : memref<1x128xi32, #tpu.memory_space<vmem>> -> memref<128xi32, #tpu.memory_space<vmem>>
    %dma_start3A_149 = arith.constant 0 : i32
    %dma_start3A_150 = arith.constant 0 : i32
    %dma_start3A_151 = tpu.memref_slice %arg12[%dma_start3A_149, %dma_start3A_150] : memref<8192x128xf32, #tpu.memory_space<vmem_shared>> -> memref<8192x128xf32, #tpu.memory_space<vmem_shared>>
    tpu.enqueue_indirect_dma source(%arg10 : memref<128x128xf32, #tpu.memory_space<vmem>>) target(%dma_start3A_151 : memref<8192x128xf32, #tpu.memory_space<vmem_shared>>) offsets(%dma_start3A_148 : memref<128xi32, #tpu.memory_space<vmem>>) semaphore(%arg14 : memref<!tpu.dma_semaphore, #tpu.memory_space<semaphore_mem>>) {add = true}
    %dma_wait3A_152 = arith.constant 4 : i32
    %dma_wait3A_153 = arith.constant 0 : i32
    %dma_wait3A_154 = tpu.memref_slice %arg8[%dma_wait3A_152, %dma_wait3A_153] : memref<8x128xi32, #tpu.memory_space<vmem>> -> memref<1x128xi32, #tpu.memory_space<vmem>>
    %dma_wait3A_155 = tpu.memref_squeeze %dma_wait3A_154 : memref<1x128xi32, #tpu.memory_space<vmem>> -> memref<128xi32, #tpu.memory_space<vmem>>
    %dma_wait3A_156 = arith.constant 0 : i32
    %dma_wait3A_157 = arith.constant 0 : i32
    %dma_wait3A_158 = tpu.memref_slice %arg12[%dma_wait3A_156, %dma_wait3A_157] : memref<8192x128xf32, #tpu.memory_space<vmem_shared>> -> memref<8192x128xf32, #tpu.memory_space<vmem_shared>>
    tpu.wait_indirect_dma semaphore(%arg14 : memref<!tpu.dma_semaphore, #tpu.memory_space<semaphore_mem>>) src(%arg9 : memref<128x128xf32, #tpu.memory_space<vmem>>) dst(%dma_wait3A_158 : memref<8192x128xf32, #tpu.memory_space<vmem_shared>>)
    %add3A_159 = arith.constant 768 : i32
    %add3A_160 = arith.addi %mul3A_7, %add3A_159 : i32
    %dma_start3A_161 = arith.constant 0 : i32
    %dma_start3A_162 = tpu.memref_slice %arg2[%add3A_160, %dma_start3A_161] : memref<32768x128xf32, #tpu.memory_space<hbm>> -> memref<128x128xf32, #tpu.memory_space<hbm>>
    %dma_start3A_163 = arith.constant 0 : i32
    %dma_start3A_164 = tpu.memref_slice %arg2[%add3A_160, %dma_start3A_163] : memref<32768x128xf32, #tpu.memory_space<hbm>> -> memref<128x128xf32, #tpu.memory_space<hbm>>
    tpu.enqueue_dma source(%dma_start3A_164 : memref<128x128xf32, #tpu.memory_space<hbm>>) target(%arg9 : memref<128x128xf32, #tpu.memory_space<vmem>>) target_semaphore(%arg13 : memref<!tpu.dma_semaphore, #tpu.memory_space<semaphore_mem>>)
    %dma_wait3A_165 = arith.constant 0 : i32
    %dma_wait3A_166 = tpu.memref_slice %arg2[%add3A_160, %dma_wait3A_165] : memref<32768x128xf32, #tpu.memory_space<hbm>> -> memref<128x128xf32, #tpu.memory_space<hbm>>
    %dma_wait3A_167 = arith.constant 0 : i32
    %dma_wait3A_168 = tpu.memref_slice %arg2[%add3A_160, %dma_wait3A_167] : memref<32768x128xf32, #tpu.memory_space<hbm>> -> memref<128x128xf32, #tpu.memory_space<hbm>>
    tpu.wait_dma2 semaphore(%arg13 : memref<!tpu.dma_semaphore, #tpu.memory_space<semaphore_mem>>) src(%dma_wait3A_168 : memref<128x128xf32, #tpu.memory_space<hbm>>) dst(%arg9 : memref<128x128xf32, #tpu.memory_space<vmem>>)
    %dma_start3A_169 = arith.constant 6 : i32
    %dma_start3A_170 = arith.constant 0 : i32
    %dma_start3A_171 = tpu.memref_slice %arg8[%dma_start3A_169, %dma_start3A_170] : memref<8x128xi32, #tpu.memory_space<vmem>> -> memref<1x128xi32, #tpu.memory_space<vmem>>
    %dma_start3A_172 = tpu.memref_squeeze %dma_start3A_171 : memref<1x128xi32, #tpu.memory_space<vmem>> -> memref<128xi32, #tpu.memory_space<vmem>>
    %dma_start3A_173 = arith.constant 0 : i32
    %dma_start3A_174 = arith.constant 0 : i32
    %dma_start3A_175 = tpu.memref_slice %arg12[%dma_start3A_173, %dma_start3A_174] : memref<8192x128xf32, #tpu.memory_space<vmem_shared>> -> memref<8192x128xf32, #tpu.memory_space<vmem_shared>>
    tpu.enqueue_indirect_dma source(%arg9 : memref<128x128xf32, #tpu.memory_space<vmem>>) target(%dma_start3A_175 : memref<8192x128xf32, #tpu.memory_space<vmem_shared>>) offsets(%dma_start3A_172 : memref<128xi32, #tpu.memory_space<vmem>>) semaphore(%arg14 : memref<!tpu.dma_semaphore, #tpu.memory_space<semaphore_mem>>) {add = true}
    %dma_wait3A_176 = arith.constant 5 : i32
    %dma_wait3A_177 = arith.constant 0 : i32
    %dma_wait3A_178 = tpu.memref_slice %arg8[%dma_wait3A_176, %dma_wait3A_177] : memref<8x128xi32, #tpu.memory_space<vmem>> -> memref<1x128xi32, #tpu.memory_space<vmem>>
    %dma_wait3A_179 = tpu.memref_squeeze %dma_wait3A_178 : memref<1x128xi32, #tpu.memory_space<vmem>> -> memref<128xi32, #tpu.memory_space<vmem>>
    %dma_wait3A_180 = arith.constant 0 : i32
    %dma_wait3A_181 = arith.constant 0 : i32
    %dma_wait3A_182 = tpu.memref_slice %arg12[%dma_wait3A_180, %dma_wait3A_181] : memref<8192x128xf32, #tpu.memory_space<vmem_shared>> -> memref<8192x128xf32, #tpu.memory_space<vmem_shared>>
    tpu.wait_indirect_dma semaphore(%arg14 : memref<!tpu.dma_semaphore, #tpu.memory_space<semaphore_mem>>) src(%arg10 : memref<128x128xf32, #tpu.memory_space<vmem>>) dst(%dma_wait3A_182 : memref<8192x128xf32, #tpu.memory_space<vmem_shared>>)
    %add3A_183 = arith.constant 896 : i32
    %add3A_184 = arith.addi %mul3A_7, %add3A_183 : i32
    %dma_start3A_185 = arith.constant 0 : i32
    %dma_start3A_186 = tpu.memref_slice %arg2[%add3A_184, %dma_start3A_185] : memref<32768x128xf32, #tpu.memory_space<hbm>> -> memref<128x128xf32, #tpu.memory_space<hbm>>
    %dma_start3A_187 = arith.constant 0 : i32
    %dma_start3A_188 = tpu.memref_slice %arg2[%add3A_184, %dma_start3A_187] : memref<32768x128xf32, #tpu.memory_space<hbm>> -> memref<128x128xf32, #tpu.memory_space<hbm>>
    tpu.enqueue_dma source(%dma_start3A_188 : memref<128x128xf32, #tpu.memory_space<hbm>>) target(%arg10 : memref<128x128xf32, #tpu.memory_space<vmem>>) target_semaphore(%arg13 : memref<!tpu.dma_semaphore, #tpu.memory_space<semaphore_mem>>)
    %dma_wait3A_189 = arith.constant 0 : i32
    %dma_wait3A_190 = tpu.memref_slice %arg2[%add3A_184, %dma_wait3A_189] : memref<32768x128xf32, #tpu.memory_space<hbm>> -> memref<128x128xf32, #tpu.memory_space<hbm>>
    %dma_wait3A_191 = arith.constant 0 : i32
    %dma_wait3A_192 = tpu.memref_slice %arg2[%add3A_184, %dma_wait3A_191] : memref<32768x128xf32, #tpu.memory_space<hbm>> -> memref<128x128xf32, #tpu.memory_space<hbm>>
    tpu.wait_dma2 semaphore(%arg13 : memref<!tpu.dma_semaphore, #tpu.memory_space<semaphore_mem>>) src(%dma_wait3A_192 : memref<128x128xf32, #tpu.memory_space<hbm>>) dst(%arg10 : memref<128x128xf32, #tpu.memory_space<vmem>>)
    %dma_start3A_193 = arith.constant 7 : i32
    %dma_start3A_194 = arith.constant 0 : i32
    %dma_start3A_195 = tpu.memref_slice %arg8[%dma_start3A_193, %dma_start3A_194] : memref<8x128xi32, #tpu.memory_space<vmem>> -> memref<1x128xi32, #tpu.memory_space<vmem>>
    %dma_start3A_196 = tpu.memref_squeeze %dma_start3A_195 : memref<1x128xi32, #tpu.memory_space<vmem>> -> memref<128xi32, #tpu.memory_space<vmem>>
    %dma_start3A_197 = arith.constant 0 : i32
    %dma_start3A_198 = arith.constant 0 : i32
    %dma_start3A_199 = tpu.memref_slice %arg12[%dma_start3A_197, %dma_start3A_198] : memref<8192x128xf32, #tpu.memory_space<vmem_shared>> -> memref<8192x128xf32, #tpu.memory_space<vmem_shared>>
    tpu.enqueue_indirect_dma source(%arg10 : memref<128x128xf32, #tpu.memory_space<vmem>>) target(%dma_start3A_199 : memref<8192x128xf32, #tpu.memory_space<vmem_shared>>) offsets(%dma_start3A_196 : memref<128xi32, #tpu.memory_space<vmem>>) semaphore(%arg14 : memref<!tpu.dma_semaphore, #tpu.memory_space<semaphore_mem>>) {add = true}
    %dma_wait3A_200 = arith.constant 6 : i32
    %dma_wait3A_201 = arith.constant 0 : i32
    %dma_wait3A_202 = tpu.memref_slice %arg8[%dma_wait3A_200, %dma_wait3A_201] : memref<8x128xi32, #tpu.memory_space<vmem>> -> memref<1x128xi32, #tpu.memory_space<vmem>>
    %dma_wait3A_203 = tpu.memref_squeeze %dma_wait3A_202 : memref<1x128xi32, #tpu.memory_space<vmem>> -> memref<128xi32, #tpu.memory_space<vmem>>
    %dma_wait3A_204 = arith.constant 0 : i32
    %dma_wait3A_205 = arith.constant 0 : i32
    %dma_wait3A_206 = tpu.memref_slice %arg12[%dma_wait3A_204, %dma_wait3A_205] : memref<8192x128xf32, #tpu.memory_space<vmem_shared>> -> memref<8192x128xf32, #tpu.memory_space<vmem_shared>>
    tpu.wait_indirect_dma semaphore(%arg14 : memref<!tpu.dma_semaphore, #tpu.memory_space<semaphore_mem>>) src(%arg9 : memref<128x128xf32, #tpu.memory_space<vmem>>) dst(%dma_wait3A_206 : memref<8192x128xf32, #tpu.memory_space<vmem_shared>>)
    %dma_wait3A_207 = arith.constant 7 : i32
    %dma_wait3A_208 = arith.constant 0 : i32
    %dma_wait3A_209 = tpu.memref_slice %arg8[%dma_wait3A_207, %dma_wait3A_208] : memref<8x128xi32, #tpu.memory_space<vmem>> -> memref<1x128xi32, #tpu.memory_space<vmem>>
    %dma_wait3A_210 = tpu.memref_squeeze %dma_wait3A_209 : memref<1x128xi32, #tpu.memory_space<vmem>> -> memref<128xi32, #tpu.memory_space<vmem>>
    %dma_wait3A_211 = arith.constant 0 : i32
    %dma_wait3A_212 = arith.constant 0 : i32
    %dma_wait3A_213 = tpu.memref_slice %arg12[%dma_wait3A_211, %dma_wait3A_212] : memref<8192x128xf32, #tpu.memory_space<vmem_shared>> -> memref<8192x128xf32, #tpu.memory_space<vmem_shared>>
    tpu.wait_indirect_dma semaphore(%arg14 : memref<!tpu.dma_semaphore, #tpu.memory_space<semaphore_mem>>) src(%arg10 : memref<128x128xf32, #tpu.memory_space<vmem>>) dst(%dma_wait3A_213 : memref<8192x128xf32, #tpu.memory_space<vmem_shared>>)
    %barrier3A_214 = arith.constant 0 : index
    tpu.barrier barrier_id(%barrier3A_214)
    %mul3A_215 = arith.constant 512 : i32
    %mul3A_216 = arith.muli %arg1, %mul3A_215 : i32
    %add3A_217 = arith.constant 0 : i32
    %add3A_218 = arith.addi %mul3A_216, %add3A_217 : i32
    "tpu.region"() ({
      %run_scoped3A = tpu.sem_alloc : memref<!tpu.dma_semaphore, #tpu.memory_space<semaphore_mem>>
      %dma_start3A_471 = arith.constant 0 : i32
      %dma_start3A_472 = tpu.memref_slice %arg12[%add3A_218, %dma_start3A_471] : memref<8192x128xf32, #tpu.memory_space<vmem_shared>> -> memref<128x128xf32, #tpu.memory_space<vmem_shared>>
      %dma_start3A_473 = arith.constant 0 : i32
      %dma_start3A_474 = tpu.memref_slice %arg12[%add3A_218, %dma_start3A_473] : memref<8192x128xf32, #tpu.memory_space<vmem_shared>> -> memref<128x128xf32, #tpu.memory_space<vmem_shared>>
      tpu.enqueue_dma source(%dma_start3A_474 : memref<128x128xf32, #tpu.memory_space<vmem_shared>>) target(%arg9 : memref<128x128xf32, #tpu.memory_space<vmem>>) target_semaphore(%run_scoped3A : memref<!tpu.dma_semaphore, #tpu.memory_space<semaphore_mem>>)
      %dma_wait3A_475 = arith.constant 0 : i32
      %dma_wait3A_476 = tpu.memref_slice %arg12[%add3A_218, %dma_wait3A_475] : memref<8192x128xf32, #tpu.memory_space<vmem_shared>> -> memref<128x128xf32, #tpu.memory_space<vmem_shared>>
      %dma_wait3A_477 = arith.constant 0 : i32
      %dma_wait3A_478 = tpu.memref_slice %arg12[%add3A_218, %dma_wait3A_477] : memref<8192x128xf32, #tpu.memory_space<vmem_shared>> -> memref<128x128xf32, #tpu.memory_space<vmem_shared>>
      tpu.wait_dma2 semaphore(%run_scoped3A : memref<!tpu.dma_semaphore, #tpu.memory_space<semaphore_mem>>) src(%dma_wait3A_478 : memref<128x128xf32, #tpu.memory_space<vmem_shared>>) dst(%arg9 : memref<128x128xf32, #tpu.memory_space<vmem>>)
      tpu.yield
    }) : () -> ()
    %add3A_219 = arith.constant 0 : i32
    %add3A_220 = arith.addi %add3A, %add3A_219 : i32
    "tpu.region"() ({
      %run_scoped3A = tpu.sem_alloc : memref<!tpu.dma_semaphore, #tpu.memory_space<semaphore_mem>>
      %dma_start3A_471 = arith.constant 0 : i32
      %dma_start3A_472 = tpu.memref_slice %arg6[%add3A_220, %dma_start3A_471] : memref<16384x128xf32, #tpu.memory_space<hbm>> -> memref<128x128xf32, #tpu.memory_space<hbm>>
      %dma_start3A_473 = arith.constant 0 : i32
      %dma_start3A_474 = tpu.memref_slice %arg6[%add3A_220, %dma_start3A_473] : memref<16384x128xf32, #tpu.memory_space<hbm>> -> memref<128x128xf32, #tpu.memory_space<hbm>>
      tpu.enqueue_dma source(%arg9 : memref<128x128xf32, #tpu.memory_space<vmem>>) target(%dma_start3A_474 : memref<128x128xf32, #tpu.memory_space<hbm>>) target_semaphore(%run_scoped3A : memref<!tpu.dma_semaphore, #tpu.memory_space<semaphore_mem>>)
      %dma_wait3A_475 = arith.constant 0 : i32
      %dma_wait3A_476 = tpu.memref_slice %arg6[%add3A_220, %dma_wait3A_475] : memref<16384x128xf32, #tpu.memory_space<hbm>> -> memref<128x128xf32, #tpu.memory_space<hbm>>
      %dma_wait3A_477 = arith.constant 0 : i32
      %dma_wait3A_478 = tpu.memref_slice %arg6[%add3A_220, %dma_wait3A_477] : memref<16384x128xf32, #tpu.memory_space<hbm>> -> memref<128x128xf32, #tpu.memory_space<hbm>>
      tpu.wait_dma2 semaphore(%run_scoped3A : memref<!tpu.dma_semaphore, #tpu.memory_space<semaphore_mem>>) src(%arg9 : memref<128x128xf32, #tpu.memory_space<vmem>>) dst(%dma_wait3A_478 : memref<128x128xf32, #tpu.memory_space<hbm>>)
      tpu.yield
    }) : () -> ()
    %mul3A_221 = arith.constant 512 : i32
    %mul3A_222 = arith.muli %arg1, %mul3A_221 : i32
    %add3A_223 = arith.constant 0 : i32
    %add3A_224 = arith.addi %mul3A_222, %add3A_223 : i32
    "tpu.region"() ({
      %run_scoped3A = tpu.sem_alloc : memref<!tpu.dma_semaphore, #tpu.memory_space<semaphore_mem>>
      %dma_start3A_471 = arith.constant 0 : i32
      %dma_start3A_472 = tpu.memref_slice %arg12[%add3A_224, %dma_start3A_471] : memref<8192x128xf32, #tpu.memory_space<vmem_shared>> -> memref<128x128xf32, #tpu.memory_space<vmem_shared>>
      %dma_start3A_473 = arith.constant 0 : i32
      %dma_start3A_474 = tpu.memref_slice %arg12[%add3A_224, %dma_start3A_473] : memref<8192x128xf32, #tpu.memory_space<vmem_shared>> -> memref<128x128xf32, #tpu.memory_space<vmem_shared>>
      tpu.enqueue_dma source(%arg11 : memref<128x128xf32, #tpu.memory_space<vmem>>) target(%dma_start3A_474 : memref<128x128xf32, #tpu.memory_space<vmem_shared>>) target_semaphore(%run_scoped3A : memref<!tpu.dma_semaphore, #tpu.memory_space<semaphore_mem>>)
      %dma_wait3A_475 = arith.constant 0 : i32
      %dma_wait3A_476 = tpu.memref_slice %arg12[%add3A_224, %dma_wait3A_475] : memref<8192x128xf32, #tpu.memory_space<vmem_shared>> -> memref<128x128xf32, #tpu.memory_space<vmem_shared>>
      %dma_wait3A_477 = arith.constant 0 : i32
      %dma_wait3A_478 = tpu.memref_slice %arg12[%add3A_224, %dma_wait3A_477] : memref<8192x128xf32, #tpu.memory_space<vmem_shared>> -> memref<128x128xf32, #tpu.memory_space<vmem_shared>>
      tpu.wait_dma2 semaphore(%run_scoped3A : memref<!tpu.dma_semaphore, #tpu.memory_space<semaphore_mem>>) src(%arg11 : memref<128x128xf32, #tpu.memory_space<vmem>>) dst(%dma_wait3A_478 : memref<128x128xf32, #tpu.memory_space<vmem_shared>>)
      tpu.yield
    }) : () -> ()
    %mul3A_225 = arith.constant 512 : i32
    %mul3A_226 = arith.muli %arg1, %mul3A_225 : i32
    %add3A_227 = arith.constant 128 : i32
    %add3A_228 = arith.addi %mul3A_226, %add3A_227 : i32
    "tpu.region"() ({
      %run_scoped3A = tpu.sem_alloc : memref<!tpu.dma_semaphore, #tpu.memory_space<semaphore_mem>>
      %dma_start3A_471 = arith.constant 0 : i32
      %dma_start3A_472 = tpu.memref_slice %arg12[%add3A_228, %dma_start3A_471] : memref<8192x128xf32, #tpu.memory_space<vmem_shared>> -> memref<128x128xf32, #tpu.memory_space<vmem_shared>>
      %dma_start3A_473 = arith.constant 0 : i32
      %dma_start3A_474 = tpu.memref_slice %arg12[%add3A_228, %dma_start3A_473] : memref<8192x128xf32, #tpu.memory_space<vmem_shared>> -> memref<128x128xf32, #tpu.memory_space<vmem_shared>>
      tpu.enqueue_dma source(%dma_start3A_474 : memref<128x128xf32, #tpu.memory_space<vmem_shared>>) target(%arg10 : memref<128x128xf32, #tpu.memory_space<vmem>>) target_semaphore(%run_scoped3A : memref<!tpu.dma_semaphore, #tpu.memory_space<semaphore_mem>>)
      %dma_wait3A_475 = arith.constant 0 : i32
      %dma_wait3A_476 = tpu.memref_slice %arg12[%add3A_228, %dma_wait3A_475] : memref<8192x128xf32, #tpu.memory_space<vmem_shared>> -> memref<128x128xf32, #tpu.memory_space<vmem_shared>>
      %dma_wait3A_477 = arith.constant 0 : i32
      %dma_wait3A_478 = tpu.memref_slice %arg12[%add3A_228, %dma_wait3A_477] : memref<8192x128xf32, #tpu.memory_space<vmem_shared>> -> memref<128x128xf32, #tpu.memory_space<vmem_shared>>
      tpu.wait_dma2 semaphore(%run_scoped3A : memref<!tpu.dma_semaphore, #tpu.memory_space<semaphore_mem>>) src(%dma_wait3A_478 : memref<128x128xf32, #tpu.memory_space<vmem_shared>>) dst(%arg10 : memref<128x128xf32, #tpu.memory_space<vmem>>)
      tpu.yield
    }) : () -> ()
    %add3A_229 = arith.constant 128 : i32
    %add3A_230 = arith.addi %add3A, %add3A_229 : i32
    "tpu.region"() ({
      %run_scoped3A = tpu.sem_alloc : memref<!tpu.dma_semaphore, #tpu.memory_space<semaphore_mem>>
      %dma_start3A_471 = arith.constant 0 : i32
      %dma_start3A_472 = tpu.memref_slice %arg6[%add3A_230, %dma_start3A_471] : memref<16384x128xf32, #tpu.memory_space<hbm>> -> memref<128x128xf32, #tpu.memory_space<hbm>>
      %dma_start3A_473 = arith.constant 0 : i32
      %dma_start3A_474 = tpu.memref_slice %arg6[%add3A_230, %dma_start3A_473] : memref<16384x128xf32, #tpu.memory_space<hbm>> -> memref<128x128xf32, #tpu.memory_space<hbm>>
      tpu.enqueue_dma source(%arg10 : memref<128x128xf32, #tpu.memory_space<vmem>>) target(%dma_start3A_474 : memref<128x128xf32, #tpu.memory_space<hbm>>) target_semaphore(%run_scoped3A : memref<!tpu.dma_semaphore, #tpu.memory_space<semaphore_mem>>)
      %dma_wait3A_475 = arith.constant 0 : i32
      %dma_wait3A_476 = tpu.memref_slice %arg6[%add3A_230, %dma_wait3A_475] : memref<16384x128xf32, #tpu.memory_space<hbm>> -> memref<128x128xf32, #tpu.memory_space<hbm>>
      %dma_wait3A_477 = arith.constant 0 : i32
      %dma_wait3A_478 = tpu.memref_slice %arg6[%add3A_230, %dma_wait3A_477] : memref<16384x128xf32, #tpu.memory_space<hbm>> -> memref<128x128xf32, #tpu.memory_space<hbm>>
      tpu.wait_dma2 semaphore(%run_scoped3A : memref<!tpu.dma_semaphore, #tpu.memory_space<semaphore_mem>>) src(%arg10 : memref<128x128xf32, #tpu.memory_space<vmem>>) dst(%dma_wait3A_478 : memref<128x128xf32, #tpu.memory_space<hbm>>)
      tpu.yield
    }) : () -> ()
    %mul3A_231 = arith.constant 512 : i32
    %mul3A_232 = arith.muli %arg1, %mul3A_231 : i32
    %add3A_233 = arith.constant 128 : i32
    %add3A_234 = arith.addi %mul3A_232, %add3A_233 : i32
    "tpu.region"() ({
      %run_scoped3A = tpu.sem_alloc : memref<!tpu.dma_semaphore, #tpu.memory_space<semaphore_mem>>
      %dma_start3A_471 = arith.constant 0 : i32
      %dma_start3A_472 = tpu.memref_slice %arg12[%add3A_234, %dma_start3A_471] : memref<8192x128xf32, #tpu.memory_space<vmem_shared>> -> memref<128x128xf32, #tpu.memory_space<vmem_shared>>
      %dma_start3A_473 = arith.constant 0 : i32
      %dma_start3A_474 = tpu.memref_slice %arg12[%add3A_234, %dma_start3A_473] : memref<8192x128xf32, #tpu.memory_space<vmem_shared>> -> memref<128x128xf32, #tpu.memory_space<vmem_shared>>
      tpu.enqueue_dma source(%arg11 : memref<128x128xf32, #tpu.memory_space<vmem>>) target(%dma_start3A_474 : memref<128x128xf32, #tpu.memory_space<vmem_shared>>) target_semaphore(%run_scoped3A : memref<!tpu.dma_semaphore, #tpu.memory_space<semaphore_mem>>)
      %dma_wait3A_475 = arith.constant 0 : i32
      %dma_wait3A_476 = tpu.memref_slice %arg12[%add3A_234, %dma_wait3A_475] : memref<8192x128xf32, #tpu.memory_space<vmem_shared>> -> memref<128x128xf32, #tpu.memory_space<vmem_shared>>
      %dma_wait3A_477 = arith.constant 0 : i32
      %dma_wait3A_478 = tpu.memref_slice %arg12[%add3A_234, %dma_wait3A_477] : memref<8192x128xf32, #tpu.memory_space<vmem_shared>> -> memref<128x128xf32, #tpu.memory_space<vmem_shared>>
      tpu.wait_dma2 semaphore(%run_scoped3A : memref<!tpu.dma_semaphore, #tpu.memory_space<semaphore_mem>>) src(%arg11 : memref<128x128xf32, #tpu.memory_space<vmem>>) dst(%dma_wait3A_478 : memref<128x128xf32, #tpu.memory_space<vmem_shared>>)
      tpu.yield
    }) : () -> ()
    %mul3A_235 = arith.constant 512 : i32
    %mul3A_236 = arith.muli %arg1, %mul3A_235 : i32
    %add3A_237 = arith.constant 256 : i32
    %add3A_238 = arith.addi %mul3A_236, %add3A_237 : i32
    "tpu.region"() ({
      %run_scoped3A = tpu.sem_alloc : memref<!tpu.dma_semaphore, #tpu.memory_space<semaphore_mem>>
      %dma_start3A_471 = arith.constant 0 : i32
      %dma_start3A_472 = tpu.memref_slice %arg12[%add3A_238, %dma_start3A_471] : memref<8192x128xf32, #tpu.memory_space<vmem_shared>> -> memref<128x128xf32, #tpu.memory_space<vmem_shared>>
      %dma_start3A_473 = arith.constant 0 : i32
      %dma_start3A_474 = tpu.memref_slice %arg12[%add3A_238, %dma_start3A_473] : memref<8192x128xf32, #tpu.memory_space<vmem_shared>> -> memref<128x128xf32, #tpu.memory_space<vmem_shared>>
      tpu.enqueue_dma source(%dma_start3A_474 : memref<128x128xf32, #tpu.memory_space<vmem_shared>>) target(%arg9 : memref<128x128xf32, #tpu.memory_space<vmem>>) target_semaphore(%run_scoped3A : memref<!tpu.dma_semaphore, #tpu.memory_space<semaphore_mem>>)
      %dma_wait3A_475 = arith.constant 0 : i32
      %dma_wait3A_476 = tpu.memref_slice %arg12[%add3A_238, %dma_wait3A_475] : memref<8192x128xf32, #tpu.memory_space<vmem_shared>> -> memref<128x128xf32, #tpu.memory_space<vmem_shared>>
      %dma_wait3A_477 = arith.constant 0 : i32
      %dma_wait3A_478 = tpu.memref_slice %arg12[%add3A_238, %dma_wait3A_477] : memref<8192x128xf32, #tpu.memory_space<vmem_shared>> -> memref<128x128xf32, #tpu.memory_space<vmem_shared>>
      tpu.wait_dma2 semaphore(%run_scoped3A : memref<!tpu.dma_semaphore, #tpu.memory_space<semaphore_mem>>) src(%dma_wait3A_478 : memref<128x128xf32, #tpu.memory_space<vmem_shared>>) dst(%arg9 : memref<128x128xf32, #tpu.memory_space<vmem>>)
      tpu.yield
    }) : () -> ()
    %add3A_239 = arith.constant 256 : i32
    %add3A_240 = arith.addi %add3A, %add3A_239 : i32
    "tpu.region"() ({
      %run_scoped3A = tpu.sem_alloc : memref<!tpu.dma_semaphore, #tpu.memory_space<semaphore_mem>>
      %dma_start3A_471 = arith.constant 0 : i32
      %dma_start3A_472 = tpu.memref_slice %arg6[%add3A_240, %dma_start3A_471] : memref<16384x128xf32, #tpu.memory_space<hbm>> -> memref<128x128xf32, #tpu.memory_space<hbm>>
      %dma_start3A_473 = arith.constant 0 : i32
      %dma_start3A_474 = tpu.memref_slice %arg6[%add3A_240, %dma_start3A_473] : memref<16384x128xf32, #tpu.memory_space<hbm>> -> memref<128x128xf32, #tpu.memory_space<hbm>>
      tpu.enqueue_dma source(%arg9 : memref<128x128xf32, #tpu.memory_space<vmem>>) target(%dma_start3A_474 : memref<128x128xf32, #tpu.memory_space<hbm>>) target_semaphore(%run_scoped3A : memref<!tpu.dma_semaphore, #tpu.memory_space<semaphore_mem>>)
      %dma_wait3A_475 = arith.constant 0 : i32
      %dma_wait3A_476 = tpu.memref_slice %arg6[%add3A_240, %dma_wait3A_475] : memref<16384x128xf32, #tpu.memory_space<hbm>> -> memref<128x128xf32, #tpu.memory_space<hbm>>
      %dma_wait3A_477 = arith.constant 0 : i32
      %dma_wait3A_478 = tpu.memref_slice %arg6[%add3A_240, %dma_wait3A_477] : memref<16384x128xf32, #tpu.memory_space<hbm>> -> memref<128x128xf32, #tpu.memory_space<hbm>>
      tpu.wait_dma2 semaphore(%run_scoped3A : memref<!tpu.dma_semaphore, #tpu.memory_space<semaphore_mem>>) src(%arg9 : memref<128x128xf32, #tpu.memory_space<vmem>>) dst(%dma_wait3A_478 : memref<128x128xf32, #tpu.memory_space<hbm>>)
      tpu.yield
    }) : () -> ()
    %mul3A_241 = arith.constant 512 : i32
    %mul3A_242 = arith.muli %arg1, %mul3A_241 : i32
    %add3A_243 = arith.constant 256 : i32
    %add3A_244 = arith.addi %mul3A_242, %add3A_243 : i32
    "tpu.region"() ({
      %run_scoped3A = tpu.sem_alloc : memref<!tpu.dma_semaphore, #tpu.memory_space<semaphore_mem>>
      %dma_start3A_471 = arith.constant 0 : i32
      %dma_start3A_472 = tpu.memref_slice %arg12[%add3A_244, %dma_start3A_471] : memref<8192x128xf32, #tpu.memory_space<vmem_shared>> -> memref<128x128xf32, #tpu.memory_space<vmem_shared>>
      %dma_start3A_473 = arith.constant 0 : i32
      %dma_start3A_474 = tpu.memref_slice %arg12[%add3A_244, %dma_start3A_473] : memref<8192x128xf32, #tpu.memory_space<vmem_shared>> -> memref<128x128xf32, #tpu.memory_space<vmem_shared>>
      tpu.enqueue_dma source(%arg11 : memref<128x128xf32, #tpu.memory_space<vmem>>) target(%dma_start3A_474 : memref<128x128xf32, #tpu.memory_space<vmem_shared>>) target_semaphore(%run_scoped3A : memref<!tpu.dma_semaphore, #tpu.memory_space<semaphore_mem>>)
      %dma_wait3A_475 = arith.constant 0 : i32
      %dma_wait3A_476 = tpu.memref_slice %arg12[%add3A_244, %dma_wait3A_475] : memref<8192x128xf32, #tpu.memory_space<vmem_shared>> -> memref<128x128xf32, #tpu.memory_space<vmem_shared>>
      %dma_wait3A_477 = arith.constant 0 : i32
      %dma_wait3A_478 = tpu.memref_slice %arg12[%add3A_244, %dma_wait3A_477] : memref<8192x128xf32, #tpu.memory_space<vmem_shared>> -> memref<128x128xf32, #tpu.memory_space<vmem_shared>>
      tpu.wait_dma2 semaphore(%run_scoped3A : memref<!tpu.dma_semaphore, #tpu.memory_space<semaphore_mem>>) src(%arg11 : memref<128x128xf32, #tpu.memory_space<vmem>>) dst(%dma_wait3A_478 : memref<128x128xf32, #tpu.memory_space<vmem_shared>>)
      tpu.yield
    }) : () -> ()
    %mul3A_245 = arith.constant 512 : i32
    %mul3A_246 = arith.muli %arg1, %mul3A_245 : i32
    %add3A_247 = arith.constant 384 : i32
    %add3A_248 = arith.addi %mul3A_246, %add3A_247 : i32
    "tpu.region"() ({
      %run_scoped3A = tpu.sem_alloc : memref<!tpu.dma_semaphore, #tpu.memory_space<semaphore_mem>>
      %dma_start3A_471 = arith.constant 0 : i32
      %dma_start3A_472 = tpu.memref_slice %arg12[%add3A_248, %dma_start3A_471] : memref<8192x128xf32, #tpu.memory_space<vmem_shared>> -> memref<128x128xf32, #tpu.memory_space<vmem_shared>>
      %dma_start3A_473 = arith.constant 0 : i32
      %dma_start3A_474 = tpu.memref_slice %arg12[%add3A_248, %dma_start3A_473] : memref<8192x128xf32, #tpu.memory_space<vmem_shared>> -> memref<128x128xf32, #tpu.memory_space<vmem_shared>>
      tpu.enqueue_dma source(%dma_start3A_474 : memref<128x128xf32, #tpu.memory_space<vmem_shared>>) target(%arg10 : memref<128x128xf32, #tpu.memory_space<vmem>>) target_semaphore(%run_scoped3A : memref<!tpu.dma_semaphore, #tpu.memory_space<semaphore_mem>>)
      %dma_wait3A_475 = arith.constant 0 : i32
      %dma_wait3A_476 = tpu.memref_slice %arg12[%add3A_248, %dma_wait3A_475] : memref<8192x128xf32, #tpu.memory_space<vmem_shared>> -> memref<128x128xf32, #tpu.memory_space<vmem_shared>>
      %dma_wait3A_477 = arith.constant 0 : i32
      %dma_wait3A_478 = tpu.memref_slice %arg12[%add3A_248, %dma_wait3A_477] : memref<8192x128xf32, #tpu.memory_space<vmem_shared>> -> memref<128x128xf32, #tpu.memory_space<vmem_shared>>
      tpu.wait_dma2 semaphore(%run_scoped3A : memref<!tpu.dma_semaphore, #tpu.memory_space<semaphore_mem>>) src(%dma_wait3A_478 : memref<128x128xf32, #tpu.memory_space<vmem_shared>>) dst(%arg10 : memref<128x128xf32, #tpu.memory_space<vmem>>)
      tpu.yield
    }) : () -> ()
    %add3A_249 = arith.constant 384 : i32
    %add3A_250 = arith.addi %add3A, %add3A_249 : i32
    "tpu.region"() ({
      %run_scoped3A = tpu.sem_alloc : memref<!tpu.dma_semaphore, #tpu.memory_space<semaphore_mem>>
      %dma_start3A_471 = arith.constant 0 : i32
      %dma_start3A_472 = tpu.memref_slice %arg6[%add3A_250, %dma_start3A_471] : memref<16384x128xf32, #tpu.memory_space<hbm>> -> memref<128x128xf32, #tpu.memory_space<hbm>>
      %dma_start3A_473 = arith.constant 0 : i32
      %dma_start3A_474 = tpu.memref_slice %arg6[%add3A_250, %dma_start3A_473] : memref<16384x128xf32, #tpu.memory_space<hbm>> -> memref<128x128xf32, #tpu.memory_space<hbm>>
      tpu.enqueue_dma source(%arg10 : memref<128x128xf32, #tpu.memory_space<vmem>>) target(%dma_start3A_474 : memref<128x128xf32, #tpu.memory_space<hbm>>) target_semaphore(%run_scoped3A : memref<!tpu.dma_semaphore, #tpu.memory_space<semaphore_mem>>)
      %dma_wait3A_475 = arith.constant 0 : i32
      %dma_wait3A_476 = tpu.memref_slice %arg6[%add3A_250, %dma_wait3A_475] : memref<16384x128xf32, #tpu.memory_space<hbm>> -> memref<128x128xf32, #tpu.memory_space<hbm>>
      %dma_wait3A_477 = arith.constant 0 : i32
      %dma_wait3A_478 = tpu.memref_slice %arg6[%add3A_250, %dma_wait3A_477] : memref<16384x128xf32, #tpu.memory_space<hbm>> -> memref<128x128xf32, #tpu.memory_space<hbm>>
      tpu.wait_dma2 semaphore(%run_scoped3A : memref<!tpu.dma_semaphore, #tpu.memory_space<semaphore_mem>>) src(%arg10 : memref<128x128xf32, #tpu.memory_space<vmem>>) dst(%dma_wait3A_478 : memref<128x128xf32, #tpu.memory_space<hbm>>)
      tpu.yield
    }) : () -> ()
    %mul3A_251 = arith.constant 512 : i32
    %mul3A_252 = arith.muli %arg1, %mul3A_251 : i32
    %add3A_253 = arith.constant 384 : i32
    %add3A_254 = arith.addi %mul3A_252, %add3A_253 : i32
    "tpu.region"() ({
      %run_scoped3A = tpu.sem_alloc : memref<!tpu.dma_semaphore, #tpu.memory_space<semaphore_mem>>
      %dma_start3A_471 = arith.constant 0 : i32
      %dma_start3A_472 = tpu.memref_slice %arg12[%add3A_254, %dma_start3A_471] : memref<8192x128xf32, #tpu.memory_space<vmem_shared>> -> memref<128x128xf32, #tpu.memory_space<vmem_shared>>
      %dma_start3A_473 = arith.constant 0 : i32
      %dma_start3A_474 = tpu.memref_slice %arg12[%add3A_254, %dma_start3A_473] : memref<8192x128xf32, #tpu.memory_space<vmem_shared>> -> memref<128x128xf32, #tpu.memory_space<vmem_shared>>
      tpu.enqueue_dma source(%arg11 : memref<128x128xf32, #tpu.memory_space<vmem>>) target(%dma_start3A_474 : memref<128x128xf32, #tpu.memory_space<vmem_shared>>) target_semaphore(%run_scoped3A : memref<!tpu.dma_semaphore, #tpu.memory_space<semaphore_mem>>)
      %dma_wait3A_475 = arith.constant 0 : i32
      %dma_wait3A_476 = tpu.memref_slice %arg12[%add3A_254, %dma_wait3A_475] : memref<8192x128xf32, #tpu.memory_space<vmem_shared>> -> memref<128x128xf32, #tpu.memory_space<vmem_shared>>
      %dma_wait3A_477 = arith.constant 0 : i32
      %dma_wait3A_478 = tpu.memref_slice %arg12[%add3A_254, %dma_wait3A_477] : memref<8192x128xf32, #tpu.memory_space<vmem_shared>> -> memref<128x128xf32, #tpu.memory_space<vmem_shared>>
      tpu.wait_dma2 semaphore(%run_scoped3A : memref<!tpu.dma_semaphore, #tpu.memory_space<semaphore_mem>>) src(%arg11 : memref<128x128xf32, #tpu.memory_space<vmem>>) dst(%dma_wait3A_478 : memref<128x128xf32, #tpu.memory_space<vmem_shared>>)
      tpu.yield
    }) : () -> ()
    %barrier3A_255 = arith.constant 0 : index
    tpu.barrier barrier_id(%barrier3A_255)
    %dma_start3A_256 = arith.constant 0 : i32
    %dma_start3A_257 = tpu.memref_slice %arg3[%mul3A_7, %dma_start3A_256] : memref<32768x128xf32, #tpu.memory_space<hbm>> -> memref<128x128xf32, #tpu.memory_space<hbm>>
    %dma_start3A_258 = arith.constant 0 : i32
    %dma_start3A_259 = tpu.memref_slice %arg3[%mul3A_7, %dma_start3A_258] : memref<32768x128xf32, #tpu.memory_space<hbm>> -> memref<128x128xf32, #tpu.memory_space<hbm>>
    tpu.enqueue_dma source(%dma_start3A_259 : memref<128x128xf32, #tpu.memory_space<hbm>>) target(%arg9 : memref<128x128xf32, #tpu.memory_space<vmem>>) target_semaphore(%arg13 : memref<!tpu.dma_semaphore, #tpu.memory_space<semaphore_mem>>)
    %dma_wait3A_260 = arith.constant 0 : i32
    %dma_wait3A_261 = tpu.memref_slice %arg3[%mul3A_7, %dma_wait3A_260] : memref<32768x128xf32, #tpu.memory_space<hbm>> -> memref<128x128xf32, #tpu.memory_space<hbm>>
    %dma_wait3A_262 = arith.constant 0 : i32
    %dma_wait3A_263 = tpu.memref_slice %arg3[%mul3A_7, %dma_wait3A_262] : memref<32768x128xf32, #tpu.memory_space<hbm>> -> memref<128x128xf32, #tpu.memory_space<hbm>>
    tpu.wait_dma2 semaphore(%arg13 : memref<!tpu.dma_semaphore, #tpu.memory_space<semaphore_mem>>) src(%dma_wait3A_263 : memref<128x128xf32, #tpu.memory_space<hbm>>) dst(%arg9 : memref<128x128xf32, #tpu.memory_space<vmem>>)
    %dma_start3A_264 = arith.constant 0 : i32
    %dma_start3A_265 = arith.constant 0 : i32
    %dma_start3A_266 = tpu.memref_slice %arg8[%dma_start3A_264, %dma_start3A_265] : memref<8x128xi32, #tpu.memory_space<vmem>> -> memref<1x128xi32, #tpu.memory_space<vmem>>
    %dma_start3A_267 = tpu.memref_squeeze %dma_start3A_266 : memref<1x128xi32, #tpu.memory_space<vmem>> -> memref<128xi32, #tpu.memory_space<vmem>>
    %dma_start3A_268 = arith.constant 0 : i32
    %dma_start3A_269 = arith.constant 0 : i32
    %dma_start3A_270 = tpu.memref_slice %arg12[%dma_start3A_268, %dma_start3A_269] : memref<8192x128xf32, #tpu.memory_space<vmem_shared>> -> memref<8192x128xf32, #tpu.memory_space<vmem_shared>>
    tpu.enqueue_indirect_dma source(%arg9 : memref<128x128xf32, #tpu.memory_space<vmem>>) target(%dma_start3A_270 : memref<8192x128xf32, #tpu.memory_space<vmem_shared>>) offsets(%dma_start3A_267 : memref<128xi32, #tpu.memory_space<vmem>>) semaphore(%arg14 : memref<!tpu.dma_semaphore, #tpu.memory_space<semaphore_mem>>) {add = true}
    %add3A_271 = arith.constant 128 : i32
    %add3A_272 = arith.addi %mul3A_7, %add3A_271 : i32
    %dma_start3A_273 = arith.constant 0 : i32
    %dma_start3A_274 = tpu.memref_slice %arg3[%add3A_272, %dma_start3A_273] : memref<32768x128xf32, #tpu.memory_space<hbm>> -> memref<128x128xf32, #tpu.memory_space<hbm>>
    %dma_start3A_275 = arith.constant 0 : i32
    %dma_start3A_276 = tpu.memref_slice %arg3[%add3A_272, %dma_start3A_275] : memref<32768x128xf32, #tpu.memory_space<hbm>> -> memref<128x128xf32, #tpu.memory_space<hbm>>
    tpu.enqueue_dma source(%dma_start3A_276 : memref<128x128xf32, #tpu.memory_space<hbm>>) target(%arg10 : memref<128x128xf32, #tpu.memory_space<vmem>>) target_semaphore(%arg13 : memref<!tpu.dma_semaphore, #tpu.memory_space<semaphore_mem>>)
    %dma_wait3A_277 = arith.constant 0 : i32
    %dma_wait3A_278 = tpu.memref_slice %arg3[%add3A_272, %dma_wait3A_277] : memref<32768x128xf32, #tpu.memory_space<hbm>> -> memref<128x128xf32, #tpu.memory_space<hbm>>
    %dma_wait3A_279 = arith.constant 0 : i32
    %dma_wait3A_280 = tpu.memref_slice %arg3[%add3A_272, %dma_wait3A_279] : memref<32768x128xf32, #tpu.memory_space<hbm>> -> memref<128x128xf32, #tpu.memory_space<hbm>>
    tpu.wait_dma2 semaphore(%arg13 : memref<!tpu.dma_semaphore, #tpu.memory_space<semaphore_mem>>) src(%dma_wait3A_280 : memref<128x128xf32, #tpu.memory_space<hbm>>) dst(%arg10 : memref<128x128xf32, #tpu.memory_space<vmem>>)
    %dma_start3A_281 = arith.constant 1 : i32
    %dma_start3A_282 = arith.constant 0 : i32
    %dma_start3A_283 = tpu.memref_slice %arg8[%dma_start3A_281, %dma_start3A_282] : memref<8x128xi32, #tpu.memory_space<vmem>> -> memref<1x128xi32, #tpu.memory_space<vmem>>
    %dma_start3A_284 = tpu.memref_squeeze %dma_start3A_283 : memref<1x128xi32, #tpu.memory_space<vmem>> -> memref<128xi32, #tpu.memory_space<vmem>>
    %dma_start3A_285 = arith.constant 0 : i32
    %dma_start3A_286 = arith.constant 0 : i32
    %dma_start3A_287 = tpu.memref_slice %arg12[%dma_start3A_285, %dma_start3A_286] : memref<8192x128xf32, #tpu.memory_space<vmem_shared>> -> memref<8192x128xf32, #tpu.memory_space<vmem_shared>>
    tpu.enqueue_indirect_dma source(%arg10 : memref<128x128xf32, #tpu.memory_space<vmem>>) target(%dma_start3A_287 : memref<8192x128xf32, #tpu.memory_space<vmem_shared>>) offsets(%dma_start3A_284 : memref<128xi32, #tpu.memory_space<vmem>>) semaphore(%arg14 : memref<!tpu.dma_semaphore, #tpu.memory_space<semaphore_mem>>) {add = true}
    %dma_wait3A_288 = arith.constant 0 : i32
    %dma_wait3A_289 = arith.constant 0 : i32
    %dma_wait3A_290 = tpu.memref_slice %arg8[%dma_wait3A_288, %dma_wait3A_289] : memref<8x128xi32, #tpu.memory_space<vmem>> -> memref<1x128xi32, #tpu.memory_space<vmem>>
    %dma_wait3A_291 = tpu.memref_squeeze %dma_wait3A_290 : memref<1x128xi32, #tpu.memory_space<vmem>> -> memref<128xi32, #tpu.memory_space<vmem>>
    %dma_wait3A_292 = arith.constant 0 : i32
    %dma_wait3A_293 = arith.constant 0 : i32
    %dma_wait3A_294 = tpu.memref_slice %arg12[%dma_wait3A_292, %dma_wait3A_293] : memref<8192x128xf32, #tpu.memory_space<vmem_shared>> -> memref<8192x128xf32, #tpu.memory_space<vmem_shared>>
    tpu.wait_indirect_dma semaphore(%arg14 : memref<!tpu.dma_semaphore, #tpu.memory_space<semaphore_mem>>) src(%arg9 : memref<128x128xf32, #tpu.memory_space<vmem>>) dst(%dma_wait3A_294 : memref<8192x128xf32, #tpu.memory_space<vmem_shared>>)
    %add3A_295 = arith.constant 256 : i32
    %add3A_296 = arith.addi %mul3A_7, %add3A_295 : i32
    %dma_start3A_297 = arith.constant 0 : i32
    %dma_start3A_298 = tpu.memref_slice %arg3[%add3A_296, %dma_start3A_297] : memref<32768x128xf32, #tpu.memory_space<hbm>> -> memref<128x128xf32, #tpu.memory_space<hbm>>
    %dma_start3A_299 = arith.constant 0 : i32
    %dma_start3A_300 = tpu.memref_slice %arg3[%add3A_296, %dma_start3A_299] : memref<32768x128xf32, #tpu.memory_space<hbm>> -> memref<128x128xf32, #tpu.memory_space<hbm>>
    tpu.enqueue_dma source(%dma_start3A_300 : memref<128x128xf32, #tpu.memory_space<hbm>>) target(%arg9 : memref<128x128xf32, #tpu.memory_space<vmem>>) target_semaphore(%arg13 : memref<!tpu.dma_semaphore, #tpu.memory_space<semaphore_mem>>)
    %dma_wait3A_301 = arith.constant 0 : i32
    %dma_wait3A_302 = tpu.memref_slice %arg3[%add3A_296, %dma_wait3A_301] : memref<32768x128xf32, #tpu.memory_space<hbm>> -> memref<128x128xf32, #tpu.memory_space<hbm>>
    %dma_wait3A_303 = arith.constant 0 : i32
    %dma_wait3A_304 = tpu.memref_slice %arg3[%add3A_296, %dma_wait3A_303] : memref<32768x128xf32, #tpu.memory_space<hbm>> -> memref<128x128xf32, #tpu.memory_space<hbm>>
    tpu.wait_dma2 semaphore(%arg13 : memref<!tpu.dma_semaphore, #tpu.memory_space<semaphore_mem>>) src(%dma_wait3A_304 : memref<128x128xf32, #tpu.memory_space<hbm>>) dst(%arg9 : memref<128x128xf32, #tpu.memory_space<vmem>>)
    %dma_start3A_305 = arith.constant 2 : i32
    %dma_start3A_306 = arith.constant 0 : i32
    %dma_start3A_307 = tpu.memref_slice %arg8[%dma_start3A_305, %dma_start3A_306] : memref<8x128xi32, #tpu.memory_space<vmem>> -> memref<1x128xi32, #tpu.memory_space<vmem>>
    %dma_start3A_308 = tpu.memref_squeeze %dma_start3A_307 : memref<1x128xi32, #tpu.memory_space<vmem>> -> memref<128xi32, #tpu.memory_space<vmem>>
    %dma_start3A_309 = arith.constant 0 : i32
    %dma_start3A_310 = arith.constant 0 : i32
    %dma_start3A_311 = tpu.memref_slice %arg12[%dma_start3A_309, %dma_start3A_310] : memref<8192x128xf32, #tpu.memory_space<vmem_shared>> -> memref<8192x128xf32, #tpu.memory_space<vmem_shared>>
    tpu.enqueue_indirect_dma source(%arg9 : memref<128x128xf32, #tpu.memory_space<vmem>>) target(%dma_start3A_311 : memref<8192x128xf32, #tpu.memory_space<vmem_shared>>) offsets(%dma_start3A_308 : memref<128xi32, #tpu.memory_space<vmem>>) semaphore(%arg14 : memref<!tpu.dma_semaphore, #tpu.memory_space<semaphore_mem>>) {add = true}
    %dma_wait3A_312 = arith.constant 1 : i32
    %dma_wait3A_313 = arith.constant 0 : i32
    %dma_wait3A_314 = tpu.memref_slice %arg8[%dma_wait3A_312, %dma_wait3A_313] : memref<8x128xi32, #tpu.memory_space<vmem>> -> memref<1x128xi32, #tpu.memory_space<vmem>>
    %dma_wait3A_315 = tpu.memref_squeeze %dma_wait3A_314 : memref<1x128xi32, #tpu.memory_space<vmem>> -> memref<128xi32, #tpu.memory_space<vmem>>
    %dma_wait3A_316 = arith.constant 0 : i32
    %dma_wait3A_317 = arith.constant 0 : i32
    %dma_wait3A_318 = tpu.memref_slice %arg12[%dma_wait3A_316, %dma_wait3A_317] : memref<8192x128xf32, #tpu.memory_space<vmem_shared>> -> memref<8192x128xf32, #tpu.memory_space<vmem_shared>>
    tpu.wait_indirect_dma semaphore(%arg14 : memref<!tpu.dma_semaphore, #tpu.memory_space<semaphore_mem>>) src(%arg10 : memref<128x128xf32, #tpu.memory_space<vmem>>) dst(%dma_wait3A_318 : memref<8192x128xf32, #tpu.memory_space<vmem_shared>>)
    %add3A_319 = arith.constant 384 : i32
    %add3A_320 = arith.addi %mul3A_7, %add3A_319 : i32
    %dma_start3A_321 = arith.constant 0 : i32
    %dma_start3A_322 = tpu.memref_slice %arg3[%add3A_320, %dma_start3A_321] : memref<32768x128xf32, #tpu.memory_space<hbm>> -> memref<128x128xf32, #tpu.memory_space<hbm>>
    %dma_start3A_323 = arith.constant 0 : i32
    %dma_start3A_324 = tpu.memref_slice %arg3[%add3A_320, %dma_start3A_323] : memref<32768x128xf32, #tpu.memory_space<hbm>> -> memref<128x128xf32, #tpu.memory_space<hbm>>
    tpu.enqueue_dma source(%dma_start3A_324 : memref<128x128xf32, #tpu.memory_space<hbm>>) target(%arg10 : memref<128x128xf32, #tpu.memory_space<vmem>>) target_semaphore(%arg13 : memref<!tpu.dma_semaphore, #tpu.memory_space<semaphore_mem>>)
    %dma_wait3A_325 = arith.constant 0 : i32
    %dma_wait3A_326 = tpu.memref_slice %arg3[%add3A_320, %dma_wait3A_325] : memref<32768x128xf32, #tpu.memory_space<hbm>> -> memref<128x128xf32, #tpu.memory_space<hbm>>
    %dma_wait3A_327 = arith.constant 0 : i32
    %dma_wait3A_328 = tpu.memref_slice %arg3[%add3A_320, %dma_wait3A_327] : memref<32768x128xf32, #tpu.memory_space<hbm>> -> memref<128x128xf32, #tpu.memory_space<hbm>>
    tpu.wait_dma2 semaphore(%arg13 : memref<!tpu.dma_semaphore, #tpu.memory_space<semaphore_mem>>) src(%dma_wait3A_328 : memref<128x128xf32, #tpu.memory_space<hbm>>) dst(%arg10 : memref<128x128xf32, #tpu.memory_space<vmem>>)
    %dma_start3A_329 = arith.constant 3 : i32
    %dma_start3A_330 = arith.constant 0 : i32
    %dma_start3A_331 = tpu.memref_slice %arg8[%dma_start3A_329, %dma_start3A_330] : memref<8x128xi32, #tpu.memory_space<vmem>> -> memref<1x128xi32, #tpu.memory_space<vmem>>
    %dma_start3A_332 = tpu.memref_squeeze %dma_start3A_331 : memref<1x128xi32, #tpu.memory_space<vmem>> -> memref<128xi32, #tpu.memory_space<vmem>>
    %dma_start3A_333 = arith.constant 0 : i32
    %dma_start3A_334 = arith.constant 0 : i32
    %dma_start3A_335 = tpu.memref_slice %arg12[%dma_start3A_333, %dma_start3A_334] : memref<8192x128xf32, #tpu.memory_space<vmem_shared>> -> memref<8192x128xf32, #tpu.memory_space<vmem_shared>>
    tpu.enqueue_indirect_dma source(%arg10 : memref<128x128xf32, #tpu.memory_space<vmem>>) target(%dma_start3A_335 : memref<8192x128xf32, #tpu.memory_space<vmem_shared>>) offsets(%dma_start3A_332 : memref<128xi32, #tpu.memory_space<vmem>>) semaphore(%arg14 : memref<!tpu.dma_semaphore, #tpu.memory_space<semaphore_mem>>) {add = true}
    %dma_wait3A_336 = arith.constant 2 : i32
    %dma_wait3A_337 = arith.constant 0 : i32
    %dma_wait3A_338 = tpu.memref_slice %arg8[%dma_wait3A_336, %dma_wait3A_337] : memref<8x128xi32, #tpu.memory_space<vmem>> -> memref<1x128xi32, #tpu.memory_space<vmem>>
    %dma_wait3A_339 = tpu.memref_squeeze %dma_wait3A_338 : memref<1x128xi32, #tpu.memory_space<vmem>> -> memref<128xi32, #tpu.memory_space<vmem>>
    %dma_wait3A_340 = arith.constant 0 : i32
    %dma_wait3A_341 = arith.constant 0 : i32
    %dma_wait3A_342 = tpu.memref_slice %arg12[%dma_wait3A_340, %dma_wait3A_341] : memref<8192x128xf32, #tpu.memory_space<vmem_shared>> -> memref<8192x128xf32, #tpu.memory_space<vmem_shared>>
    tpu.wait_indirect_dma semaphore(%arg14 : memref<!tpu.dma_semaphore, #tpu.memory_space<semaphore_mem>>) src(%arg9 : memref<128x128xf32, #tpu.memory_space<vmem>>) dst(%dma_wait3A_342 : memref<8192x128xf32, #tpu.memory_space<vmem_shared>>)
    %add3A_343 = arith.constant 512 : i32
    %add3A_344 = arith.addi %mul3A_7, %add3A_343 : i32
    %dma_start3A_345 = arith.constant 0 : i32
    %dma_start3A_346 = tpu.memref_slice %arg3[%add3A_344, %dma_start3A_345] : memref<32768x128xf32, #tpu.memory_space<hbm>> -> memref<128x128xf32, #tpu.memory_space<hbm>>
    %dma_start3A_347 = arith.constant 0 : i32
    %dma_start3A_348 = tpu.memref_slice %arg3[%add3A_344, %dma_start3A_347] : memref<32768x128xf32, #tpu.memory_space<hbm>> -> memref<128x128xf32, #tpu.memory_space<hbm>>
    tpu.enqueue_dma source(%dma_start3A_348 : memref<128x128xf32, #tpu.memory_space<hbm>>) target(%arg9 : memref<128x128xf32, #tpu.memory_space<vmem>>) target_semaphore(%arg13 : memref<!tpu.dma_semaphore, #tpu.memory_space<semaphore_mem>>)
    %dma_wait3A_349 = arith.constant 0 : i32
    %dma_wait3A_350 = tpu.memref_slice %arg3[%add3A_344, %dma_wait3A_349] : memref<32768x128xf32, #tpu.memory_space<hbm>> -> memref<128x128xf32, #tpu.memory_space<hbm>>
    %dma_wait3A_351 = arith.constant 0 : i32
    %dma_wait3A_352 = tpu.memref_slice %arg3[%add3A_344, %dma_wait3A_351] : memref<32768x128xf32, #tpu.memory_space<hbm>> -> memref<128x128xf32, #tpu.memory_space<hbm>>
    tpu.wait_dma2 semaphore(%arg13 : memref<!tpu.dma_semaphore, #tpu.memory_space<semaphore_mem>>) src(%dma_wait3A_352 : memref<128x128xf32, #tpu.memory_space<hbm>>) dst(%arg9 : memref<128x128xf32, #tpu.memory_space<vmem>>)
    %dma_start3A_353 = arith.constant 4 : i32
    %dma_start3A_354 = arith.constant 0 : i32
    %dma_start3A_355 = tpu.memref_slice %arg8[%dma_start3A_353, %dma_start3A_354] : memref<8x128xi32, #tpu.memory_space<vmem>> -> memref<1x128xi32, #tpu.memory_space<vmem>>
    %dma_start3A_356 = tpu.memref_squeeze %dma_start3A_355 : memref<1x128xi32, #tpu.memory_space<vmem>> -> memref<128xi32, #tpu.memory_space<vmem>>
    %dma_start3A_357 = arith.constant 0 : i32
    %dma_start3A_358 = arith.constant 0 : i32
    %dma_start3A_359 = tpu.memref_slice %arg12[%dma_start3A_357, %dma_start3A_358] : memref<8192x128xf32, #tpu.memory_space<vmem_shared>> -> memref<8192x128xf32, #tpu.memory_space<vmem_shared>>
    tpu.enqueue_indirect_dma source(%arg9 : memref<128x128xf32, #tpu.memory_space<vmem>>) target(%dma_start3A_359 : memref<8192x128xf32, #tpu.memory_space<vmem_shared>>) offsets(%dma_start3A_356 : memref<128xi32, #tpu.memory_space<vmem>>) semaphore(%arg14 : memref<!tpu.dma_semaphore, #tpu.memory_space<semaphore_mem>>) {add = true}
    %dma_wait3A_360 = arith.constant 3 : i32
    %dma_wait3A_361 = arith.constant 0 : i32
    %dma_wait3A_362 = tpu.memref_slice %arg8[%dma_wait3A_360, %dma_wait3A_361] : memref<8x128xi32, #tpu.memory_space<vmem>> -> memref<1x128xi32, #tpu.memory_space<vmem>>
    %dma_wait3A_363 = tpu.memref_squeeze %dma_wait3A_362 : memref<1x128xi32, #tpu.memory_space<vmem>> -> memref<128xi32, #tpu.memory_space<vmem>>
    %dma_wait3A_364 = arith.constant 0 : i32
    %dma_wait3A_365 = arith.constant 0 : i32
    %dma_wait3A_366 = tpu.memref_slice %arg12[%dma_wait3A_364, %dma_wait3A_365] : memref<8192x128xf32, #tpu.memory_space<vmem_shared>> -> memref<8192x128xf32, #tpu.memory_space<vmem_shared>>
    tpu.wait_indirect_dma semaphore(%arg14 : memref<!tpu.dma_semaphore, #tpu.memory_space<semaphore_mem>>) src(%arg10 : memref<128x128xf32, #tpu.memory_space<vmem>>) dst(%dma_wait3A_366 : memref<8192x128xf32, #tpu.memory_space<vmem_shared>>)
    %add3A_367 = arith.constant 640 : i32
    %add3A_368 = arith.addi %mul3A_7, %add3A_367 : i32
    %dma_start3A_369 = arith.constant 0 : i32
    %dma_start3A_370 = tpu.memref_slice %arg3[%add3A_368, %dma_start3A_369] : memref<32768x128xf32, #tpu.memory_space<hbm>> -> memref<128x128xf32, #tpu.memory_space<hbm>>
    %dma_start3A_371 = arith.constant 0 : i32
    %dma_start3A_372 = tpu.memref_slice %arg3[%add3A_368, %dma_start3A_371] : memref<32768x128xf32, #tpu.memory_space<hbm>> -> memref<128x128xf32, #tpu.memory_space<hbm>>
    tpu.enqueue_dma source(%dma_start3A_372 : memref<128x128xf32, #tpu.memory_space<hbm>>) target(%arg10 : memref<128x128xf32, #tpu.memory_space<vmem>>) target_semaphore(%arg13 : memref<!tpu.dma_semaphore, #tpu.memory_space<semaphore_mem>>)
    %dma_wait3A_373 = arith.constant 0 : i32
    %dma_wait3A_374 = tpu.memref_slice %arg3[%add3A_368, %dma_wait3A_373] : memref<32768x128xf32, #tpu.memory_space<hbm>> -> memref<128x128xf32, #tpu.memory_space<hbm>>
    %dma_wait3A_375 = arith.constant 0 : i32
    %dma_wait3A_376 = tpu.memref_slice %arg3[%add3A_368, %dma_wait3A_375] : memref<32768x128xf32, #tpu.memory_space<hbm>> -> memref<128x128xf32, #tpu.memory_space<hbm>>
    tpu.wait_dma2 semaphore(%arg13 : memref<!tpu.dma_semaphore, #tpu.memory_space<semaphore_mem>>) src(%dma_wait3A_376 : memref<128x128xf32, #tpu.memory_space<hbm>>) dst(%arg10 : memref<128x128xf32, #tpu.memory_space<vmem>>)
    %dma_start3A_377 = arith.constant 5 : i32
    %dma_start3A_378 = arith.constant 0 : i32
    %dma_start3A_379 = tpu.memref_slice %arg8[%dma_start3A_377, %dma_start3A_378] : memref<8x128xi32, #tpu.memory_space<vmem>> -> memref<1x128xi32, #tpu.memory_space<vmem>>
    %dma_start3A_380 = tpu.memref_squeeze %dma_start3A_379 : memref<1x128xi32, #tpu.memory_space<vmem>> -> memref<128xi32, #tpu.memory_space<vmem>>
    %dma_start3A_381 = arith.constant 0 : i32
    %dma_start3A_382 = arith.constant 0 : i32
    %dma_start3A_383 = tpu.memref_slice %arg12[%dma_start3A_381, %dma_start3A_382] : memref<8192x128xf32, #tpu.memory_space<vmem_shared>> -> memref<8192x128xf32, #tpu.memory_space<vmem_shared>>
    tpu.enqueue_indirect_dma source(%arg10 : memref<128x128xf32, #tpu.memory_space<vmem>>) target(%dma_start3A_383 : memref<8192x128xf32, #tpu.memory_space<vmem_shared>>) offsets(%dma_start3A_380 : memref<128xi32, #tpu.memory_space<vmem>>) semaphore(%arg14 : memref<!tpu.dma_semaphore, #tpu.memory_space<semaphore_mem>>) {add = true}
    %dma_wait3A_384 = arith.constant 4 : i32
    %dma_wait3A_385 = arith.constant 0 : i32
    %dma_wait3A_386 = tpu.memref_slice %arg8[%dma_wait3A_384, %dma_wait3A_385] : memref<8x128xi32, #tpu.memory_space<vmem>> -> memref<1x128xi32, #tpu.memory_space<vmem>>
    %dma_wait3A_387 = tpu.memref_squeeze %dma_wait3A_386 : memref<1x128xi32, #tpu.memory_space<vmem>> -> memref<128xi32, #tpu.memory_space<vmem>>
    %dma_wait3A_388 = arith.constant 0 : i32
    %dma_wait3A_389 = arith.constant 0 : i32
    %dma_wait3A_390 = tpu.memref_slice %arg12[%dma_wait3A_388, %dma_wait3A_389] : memref<8192x128xf32, #tpu.memory_space<vmem_shared>> -> memref<8192x128xf32, #tpu.memory_space<vmem_shared>>
    tpu.wait_indirect_dma semaphore(%arg14 : memref<!tpu.dma_semaphore, #tpu.memory_space<semaphore_mem>>) src(%arg9 : memref<128x128xf32, #tpu.memory_space<vmem>>) dst(%dma_wait3A_390 : memref<8192x128xf32, #tpu.memory_space<vmem_shared>>)
    %add3A_391 = arith.constant 768 : i32
    %add3A_392 = arith.addi %mul3A_7, %add3A_391 : i32
    %dma_start3A_393 = arith.constant 0 : i32
    %dma_start3A_394 = tpu.memref_slice %arg3[%add3A_392, %dma_start3A_393] : memref<32768x128xf32, #tpu.memory_space<hbm>> -> memref<128x128xf32, #tpu.memory_space<hbm>>
    %dma_start3A_395 = arith.constant 0 : i32
    %dma_start3A_396 = tpu.memref_slice %arg3[%add3A_392, %dma_start3A_395] : memref<32768x128xf32, #tpu.memory_space<hbm>> -> memref<128x128xf32, #tpu.memory_space<hbm>>
    tpu.enqueue_dma source(%dma_start3A_396 : memref<128x128xf32, #tpu.memory_space<hbm>>) target(%arg9 : memref<128x128xf32, #tpu.memory_space<vmem>>) target_semaphore(%arg13 : memref<!tpu.dma_semaphore, #tpu.memory_space<semaphore_mem>>)
    %dma_wait3A_397 = arith.constant 0 : i32
    %dma_wait3A_398 = tpu.memref_slice %arg3[%add3A_392, %dma_wait3A_397] : memref<32768x128xf32, #tpu.memory_space<hbm>> -> memref<128x128xf32, #tpu.memory_space<hbm>>
    %dma_wait3A_399 = arith.constant 0 : i32
    %dma_wait3A_400 = tpu.memref_slice %arg3[%add3A_392, %dma_wait3A_399] : memref<32768x128xf32, #tpu.memory_space<hbm>> -> memref<128x128xf32, #tpu.memory_space<hbm>>
    tpu.wait_dma2 semaphore(%arg13 : memref<!tpu.dma_semaphore, #tpu.memory_space<semaphore_mem>>) src(%dma_wait3A_400 : memref<128x128xf32, #tpu.memory_space<hbm>>) dst(%arg9 : memref<128x128xf32, #tpu.memory_space<vmem>>)
    %dma_start3A_401 = arith.constant 6 : i32
    %dma_start3A_402 = arith.constant 0 : i32
    %dma_start3A_403 = tpu.memref_slice %arg8[%dma_start3A_401, %dma_start3A_402] : memref<8x128xi32, #tpu.memory_space<vmem>> -> memref<1x128xi32, #tpu.memory_space<vmem>>
    %dma_start3A_404 = tpu.memref_squeeze %dma_start3A_403 : memref<1x128xi32, #tpu.memory_space<vmem>> -> memref<128xi32, #tpu.memory_space<vmem>>
    %dma_start3A_405 = arith.constant 0 : i32
    %dma_start3A_406 = arith.constant 0 : i32
    %dma_start3A_407 = tpu.memref_slice %arg12[%dma_start3A_405, %dma_start3A_406] : memref<8192x128xf32, #tpu.memory_space<vmem_shared>> -> memref<8192x128xf32, #tpu.memory_space<vmem_shared>>
    tpu.enqueue_indirect_dma source(%arg9 : memref<128x128xf32, #tpu.memory_space<vmem>>) target(%dma_start3A_407 : memref<8192x128xf32, #tpu.memory_space<vmem_shared>>) offsets(%dma_start3A_404 : memref<128xi32, #tpu.memory_space<vmem>>) semaphore(%arg14 : memref<!tpu.dma_semaphore, #tpu.memory_space<semaphore_mem>>) {add = true}
    %dma_wait3A_408 = arith.constant 5 : i32
    %dma_wait3A_409 = arith.constant 0 : i32
    %dma_wait3A_410 = tpu.memref_slice %arg8[%dma_wait3A_408, %dma_wait3A_409] : memref<8x128xi32, #tpu.memory_space<vmem>> -> memref<1x128xi32, #tpu.memory_space<vmem>>
    %dma_wait3A_411 = tpu.memref_squeeze %dma_wait3A_410 : memref<1x128xi32, #tpu.memory_space<vmem>> -> memref<128xi32, #tpu.memory_space<vmem>>
    %dma_wait3A_412 = arith.constant 0 : i32
    %dma_wait3A_413 = arith.constant 0 : i32
    %dma_wait3A_414 = tpu.memref_slice %arg12[%dma_wait3A_412, %dma_wait3A_413] : memref<8192x128xf32, #tpu.memory_space<vmem_shared>> -> memref<8192x128xf32, #tpu.memory_space<vmem_shared>>
    tpu.wait_indirect_dma semaphore(%arg14 : memref<!tpu.dma_semaphore, #tpu.memory_space<semaphore_mem>>) src(%arg10 : memref<128x128xf32, #tpu.memory_space<vmem>>) dst(%dma_wait3A_414 : memref<8192x128xf32, #tpu.memory_space<vmem_shared>>)
    %add3A_415 = arith.constant 896 : i32
    %add3A_416 = arith.addi %mul3A_7, %add3A_415 : i32
    %dma_start3A_417 = arith.constant 0 : i32
    %dma_start3A_418 = tpu.memref_slice %arg3[%add3A_416, %dma_start3A_417] : memref<32768x128xf32, #tpu.memory_space<hbm>> -> memref<128x128xf32, #tpu.memory_space<hbm>>
    %dma_start3A_419 = arith.constant 0 : i32
    %dma_start3A_420 = tpu.memref_slice %arg3[%add3A_416, %dma_start3A_419] : memref<32768x128xf32, #tpu.memory_space<hbm>> -> memref<128x128xf32, #tpu.memory_space<hbm>>
    tpu.enqueue_dma source(%dma_start3A_420 : memref<128x128xf32, #tpu.memory_space<hbm>>) target(%arg10 : memref<128x128xf32, #tpu.memory_space<vmem>>) target_semaphore(%arg13 : memref<!tpu.dma_semaphore, #tpu.memory_space<semaphore_mem>>)
    %dma_wait3A_421 = arith.constant 0 : i32
    %dma_wait3A_422 = tpu.memref_slice %arg3[%add3A_416, %dma_wait3A_421] : memref<32768x128xf32, #tpu.memory_space<hbm>> -> memref<128x128xf32, #tpu.memory_space<hbm>>
    %dma_wait3A_423 = arith.constant 0 : i32
    %dma_wait3A_424 = tpu.memref_slice %arg3[%add3A_416, %dma_wait3A_423] : memref<32768x128xf32, #tpu.memory_space<hbm>> -> memref<128x128xf32, #tpu.memory_space<hbm>>
    tpu.wait_dma2 semaphore(%arg13 : memref<!tpu.dma_semaphore, #tpu.memory_space<semaphore_mem>>) src(%dma_wait3A_424 : memref<128x128xf32, #tpu.memory_space<hbm>>) dst(%arg10 : memref<128x128xf32, #tpu.memory_space<vmem>>)
    %dma_start3A_425 = arith.constant 7 : i32
    %dma_start3A_426 = arith.constant 0 : i32
    %dma_start3A_427 = tpu.memref_slice %arg8[%dma_start3A_425, %dma_start3A_426] : memref<8x128xi32, #tpu.memory_space<vmem>> -> memref<1x128xi32, #tpu.memory_space<vmem>>
    %dma_start3A_428 = tpu.memref_squeeze %dma_start3A_427 : memref<1x128xi32, #tpu.memory_space<vmem>> -> memref<128xi32, #tpu.memory_space<vmem>>
    %dma_start3A_429 = arith.constant 0 : i32
    %dma_start3A_430 = arith.constant 0 : i32
    %dma_start3A_431 = tpu.memref_slice %arg12[%dma_start3A_429, %dma_start3A_430] : memref<8192x128xf32, #tpu.memory_space<vmem_shared>> -> memref<8192x128xf32, #tpu.memory_space<vmem_shared>>
    tpu.enqueue_indirect_dma source(%arg10 : memref<128x128xf32, #tpu.memory_space<vmem>>) target(%dma_start3A_431 : memref<8192x128xf32, #tpu.memory_space<vmem_shared>>) offsets(%dma_start3A_428 : memref<128xi32, #tpu.memory_space<vmem>>) semaphore(%arg14 : memref<!tpu.dma_semaphore, #tpu.memory_space<semaphore_mem>>) {add = true}
    %dma_wait3A_432 = arith.constant 6 : i32
    %dma_wait3A_433 = arith.constant 0 : i32
    %dma_wait3A_434 = tpu.memref_slice %arg8[%dma_wait3A_432, %dma_wait3A_433] : memref<8x128xi32, #tpu.memory_space<vmem>> -> memref<1x128xi32, #tpu.memory_space<vmem>>
    %dma_wait3A_435 = tpu.memref_squeeze %dma_wait3A_434 : memref<1x128xi32, #tpu.memory_space<vmem>> -> memref<128xi32, #tpu.memory_space<vmem>>
    %dma_wait3A_436 = arith.constant 0 : i32
    %dma_wait3A_437 = arith.constant 0 : i32
    %dma_wait3A_438 = tpu.memref_slice %arg12[%dma_wait3A_436, %dma_wait3A_437] : memref<8192x128xf32, #tpu.memory_space<vmem_shared>> -> memref<8192x128xf32, #tpu.memory_space<vmem_shared>>
    tpu.wait_indirect_dma semaphore(%arg14 : memref<!tpu.dma_semaphore, #tpu.memory_space<semaphore_mem>>) src(%arg9 : memref<128x128xf32, #tpu.memory_space<vmem>>) dst(%dma_wait3A_438 : memref<8192x128xf32, #tpu.memory_space<vmem_shared>>)
    %dma_wait3A_439 = arith.constant 7 : i32
    %dma_wait3A_440 = arith.constant 0 : i32
    %dma_wait3A_441 = tpu.memref_slice %arg8[%dma_wait3A_439, %dma_wait3A_440] : memref<8x128xi32, #tpu.memory_space<vmem>> -> memref<1x128xi32, #tpu.memory_space<vmem>>
    %dma_wait3A_442 = tpu.memref_squeeze %dma_wait3A_441 : memref<1x128xi32, #tpu.memory_space<vmem>> -> memref<128xi32, #tpu.memory_space<vmem>>
    %dma_wait3A_443 = arith.constant 0 : i32
    %dma_wait3A_444 = arith.constant 0 : i32
    %dma_wait3A_445 = tpu.memref_slice %arg12[%dma_wait3A_443, %dma_wait3A_444] : memref<8192x128xf32, #tpu.memory_space<vmem_shared>> -> memref<8192x128xf32, #tpu.memory_space<vmem_shared>>
    tpu.wait_indirect_dma semaphore(%arg14 : memref<!tpu.dma_semaphore, #tpu.memory_space<semaphore_mem>>) src(%arg10 : memref<128x128xf32, #tpu.memory_space<vmem>>) dst(%dma_wait3A_445 : memref<8192x128xf32, #tpu.memory_space<vmem_shared>>)
    %barrier3A_446 = arith.constant 0 : index
    tpu.barrier barrier_id(%barrier3A_446)
    %mul3A_447 = arith.constant 512 : i32
    %mul3A_448 = arith.muli %arg1, %mul3A_447 : i32
    %add3A_449 = arith.constant 0 : i32
    %add3A_450 = arith.addi %mul3A_448, %add3A_449 : i32
    "tpu.region"() ({
      %run_scoped3A = tpu.sem_alloc : memref<!tpu.dma_semaphore, #tpu.memory_space<semaphore_mem>>
      %dma_start3A_471 = arith.constant 0 : i32
      %dma_start3A_472 = tpu.memref_slice %arg12[%add3A_450, %dma_start3A_471] : memref<8192x128xf32, #tpu.memory_space<vmem_shared>> -> memref<128x128xf32, #tpu.memory_space<vmem_shared>>
      %dma_start3A_473 = arith.constant 0 : i32
      %dma_start3A_474 = tpu.memref_slice %arg12[%add3A_450, %dma_start3A_473] : memref<8192x128xf32, #tpu.memory_space<vmem_shared>> -> memref<128x128xf32, #tpu.memory_space<vmem_shared>>
      tpu.enqueue_dma source(%dma_start3A_474 : memref<128x128xf32, #tpu.memory_space<vmem_shared>>) target(%arg9 : memref<128x128xf32, #tpu.memory_space<vmem>>) target_semaphore(%run_scoped3A : memref<!tpu.dma_semaphore, #tpu.memory_space<semaphore_mem>>)
      %dma_wait3A_475 = arith.constant 0 : i32
      %dma_wait3A_476 = tpu.memref_slice %arg12[%add3A_450, %dma_wait3A_475] : memref<8192x128xf32, #tpu.memory_space<vmem_shared>> -> memref<128x128xf32, #tpu.memory_space<vmem_shared>>
      %dma_wait3A_477 = arith.constant 0 : i32
      %dma_wait3A_478 = tpu.memref_slice %arg12[%add3A_450, %dma_wait3A_477] : memref<8192x128xf32, #tpu.memory_space<vmem_shared>> -> memref<128x128xf32, #tpu.memory_space<vmem_shared>>
      tpu.wait_dma2 semaphore(%run_scoped3A : memref<!tpu.dma_semaphore, #tpu.memory_space<semaphore_mem>>) src(%dma_wait3A_478 : memref<128x128xf32, #tpu.memory_space<vmem_shared>>) dst(%arg9 : memref<128x128xf32, #tpu.memory_space<vmem>>)
      tpu.yield
    }) : () -> ()
    %add3A_451 = arith.constant 0 : i32
    %add3A_452 = arith.addi %add3A, %add3A_451 : i32
    "tpu.region"() ({
      %run_scoped3A = tpu.sem_alloc : memref<!tpu.dma_semaphore, #tpu.memory_space<semaphore_mem>>
      %dma_start3A_471 = arith.constant 0 : i32
      %dma_start3A_472 = tpu.memref_slice %arg7[%add3A_452, %dma_start3A_471] : memref<16384x128xf32, #tpu.memory_space<hbm>> -> memref<128x128xf32, #tpu.memory_space<hbm>>
      %dma_start3A_473 = arith.constant 0 : i32
      %dma_start3A_474 = tpu.memref_slice %arg7[%add3A_452, %dma_start3A_473] : memref<16384x128xf32, #tpu.memory_space<hbm>> -> memref<128x128xf32, #tpu.memory_space<hbm>>
      tpu.enqueue_dma source(%arg9 : memref<128x128xf32, #tpu.memory_space<vmem>>) target(%dma_start3A_474 : memref<128x128xf32, #tpu.memory_space<hbm>>) target_semaphore(%run_scoped3A : memref<!tpu.dma_semaphore, #tpu.memory_space<semaphore_mem>>)
      %dma_wait3A_475 = arith.constant 0 : i32
      %dma_wait3A_476 = tpu.memref_slice %arg7[%add3A_452, %dma_wait3A_475] : memref<16384x128xf32, #tpu.memory_space<hbm>> -> memref<128x128xf32, #tpu.memory_space<hbm>>
      %dma_wait3A_477 = arith.constant 0 : i32
      %dma_wait3A_478 = tpu.memref_slice %arg7[%add3A_452, %dma_wait3A_477] : memref<16384x128xf32, #tpu.memory_space<hbm>> -> memref<128x128xf32, #tpu.memory_space<hbm>>
      tpu.wait_dma2 semaphore(%run_scoped3A : memref<!tpu.dma_semaphore, #tpu.memory_space<semaphore_mem>>) src(%arg9 : memref<128x128xf32, #tpu.memory_space<vmem>>) dst(%dma_wait3A_478 : memref<128x128xf32, #tpu.memory_space<hbm>>)
      tpu.yield
    }) : () -> ()
    %mul3A_453 = arith.constant 512 : i32
    %mul3A_454 = arith.muli %arg1, %mul3A_453 : i32
    %add3A_455 = arith.constant 128 : i32
    %add3A_456 = arith.addi %mul3A_454, %add3A_455 : i32
    "tpu.region"() ({
      %run_scoped3A = tpu.sem_alloc : memref<!tpu.dma_semaphore, #tpu.memory_space<semaphore_mem>>
      %dma_start3A_471 = arith.constant 0 : i32
      %dma_start3A_472 = tpu.memref_slice %arg12[%add3A_456, %dma_start3A_471] : memref<8192x128xf32, #tpu.memory_space<vmem_shared>> -> memref<128x128xf32, #tpu.memory_space<vmem_shared>>
      %dma_start3A_473 = arith.constant 0 : i32
      %dma_start3A_474 = tpu.memref_slice %arg12[%add3A_456, %dma_start3A_473] : memref<8192x128xf32, #tpu.memory_space<vmem_shared>> -> memref<128x128xf32, #tpu.memory_space<vmem_shared>>
      tpu.enqueue_dma source(%dma_start3A_474 : memref<128x128xf32, #tpu.memory_space<vmem_shared>>) target(%arg10 : memref<128x128xf32, #tpu.memory_space<vmem>>) target_semaphore(%run_scoped3A : memref<!tpu.dma_semaphore, #tpu.memory_space<semaphore_mem>>)
      %dma_wait3A_475 = arith.constant 0 : i32
      %dma_wait3A_476 = tpu.memref_slice %arg12[%add3A_456, %dma_wait3A_475] : memref<8192x128xf32, #tpu.memory_space<vmem_shared>> -> memref<128x128xf32, #tpu.memory_space<vmem_shared>>
      %dma_wait3A_477 = arith.constant 0 : i32
      %dma_wait3A_478 = tpu.memref_slice %arg12[%add3A_456, %dma_wait3A_477] : memref<8192x128xf32, #tpu.memory_space<vmem_shared>> -> memref<128x128xf32, #tpu.memory_space<vmem_shared>>
      tpu.wait_dma2 semaphore(%run_scoped3A : memref<!tpu.dma_semaphore, #tpu.memory_space<semaphore_mem>>) src(%dma_wait3A_478 : memref<128x128xf32, #tpu.memory_space<vmem_shared>>) dst(%arg10 : memref<128x128xf32, #tpu.memory_space<vmem>>)
      tpu.yield
    }) : () -> ()
    %add3A_457 = arith.constant 128 : i32
    %add3A_458 = arith.addi %add3A, %add3A_457 : i32
    "tpu.region"() ({
      %run_scoped3A = tpu.sem_alloc : memref<!tpu.dma_semaphore, #tpu.memory_space<semaphore_mem>>
      %dma_start3A_471 = arith.constant 0 : i32
      %dma_start3A_472 = tpu.memref_slice %arg7[%add3A_458, %dma_start3A_471] : memref<16384x128xf32, #tpu.memory_space<hbm>> -> memref<128x128xf32, #tpu.memory_space<hbm>>
      %dma_start3A_473 = arith.constant 0 : i32
      %dma_start3A_474 = tpu.memref_slice %arg7[%add3A_458, %dma_start3A_473] : memref<16384x128xf32, #tpu.memory_space<hbm>> -> memref<128x128xf32, #tpu.memory_space<hbm>>
      tpu.enqueue_dma source(%arg10 : memref<128x128xf32, #tpu.memory_space<vmem>>) target(%dma_start3A_474 : memref<128x128xf32, #tpu.memory_space<hbm>>) target_semaphore(%run_scoped3A : memref<!tpu.dma_semaphore, #tpu.memory_space<semaphore_mem>>)
      %dma_wait3A_475 = arith.constant 0 : i32
      %dma_wait3A_476 = tpu.memref_slice %arg7[%add3A_458, %dma_wait3A_475] : memref<16384x128xf32, #tpu.memory_space<hbm>> -> memref<128x128xf32, #tpu.memory_space<hbm>>
      %dma_wait3A_477 = arith.constant 0 : i32
      %dma_wait3A_478 = tpu.memref_slice %arg7[%add3A_458, %dma_wait3A_477] : memref<16384x128xf32, #tpu.memory_space<hbm>> -> memref<128x128xf32, #tpu.memory_space<hbm>>
      tpu.wait_dma2 semaphore(%run_scoped3A : memref<!tpu.dma_semaphore, #tpu.memory_space<semaphore_mem>>) src(%arg10 : memref<128x128xf32, #tpu.memory_space<vmem>>) dst(%dma_wait3A_478 : memref<128x128xf32, #tpu.memory_space<hbm>>)
      tpu.yield
    }) : () -> ()
    %mul3A_459 = arith.constant 512 : i32
    %mul3A_460 = arith.muli %arg1, %mul3A_459 : i32
    %add3A_461 = arith.constant 256 : i32
    %add3A_462 = arith.addi %mul3A_460, %add3A_461 : i32
    "tpu.region"() ({
      %run_scoped3A = tpu.sem_alloc : memref<!tpu.dma_semaphore, #tpu.memory_space<semaphore_mem>>
      %dma_start3A_471 = arith.constant 0 : i32
      %dma_start3A_472 = tpu.memref_slice %arg12[%add3A_462, %dma_start3A_471] : memref<8192x128xf32, #tpu.memory_space<vmem_shared>> -> memref<128x128xf32, #tpu.memory_space<vmem_shared>>
      %dma_start3A_473 = arith.constant 0 : i32
      %dma_start3A_474 = tpu.memref_slice %arg12[%add3A_462, %dma_start3A_473] : memref<8192x128xf32, #tpu.memory_space<vmem_shared>> -> memref<128x128xf32, #tpu.memory_space<vmem_shared>>
      tpu.enqueue_dma source(%dma_start3A_474 : memref<128x128xf32, #tpu.memory_space<vmem_shared>>) target(%arg9 : memref<128x128xf32, #tpu.memory_space<vmem>>) target_semaphore(%run_scoped3A : memref<!tpu.dma_semaphore, #tpu.memory_space<semaphore_mem>>)
      %dma_wait3A_475 = arith.constant 0 : i32
      %dma_wait3A_476 = tpu.memref_slice %arg12[%add3A_462, %dma_wait3A_475] : memref<8192x128xf32, #tpu.memory_space<vmem_shared>> -> memref<128x128xf32, #tpu.memory_space<vmem_shared>>
      %dma_wait3A_477 = arith.constant 0 : i32
      %dma_wait3A_478 = tpu.memref_slice %arg12[%add3A_462, %dma_wait3A_477] : memref<8192x128xf32, #tpu.memory_space<vmem_shared>> -> memref<128x128xf32, #tpu.memory_space<vmem_shared>>
      tpu.wait_dma2 semaphore(%run_scoped3A : memref<!tpu.dma_semaphore, #tpu.memory_space<semaphore_mem>>) src(%dma_wait3A_478 : memref<128x128xf32, #tpu.memory_space<vmem_shared>>) dst(%arg9 : memref<128x128xf32, #tpu.memory_space<vmem>>)
      tpu.yield
    }) : () -> ()
    %add3A_463 = arith.constant 256 : i32
    %add3A_464 = arith.addi %add3A, %add3A_463 : i32
    "tpu.region"() ({
      %run_scoped3A = tpu.sem_alloc : memref<!tpu.dma_semaphore, #tpu.memory_space<semaphore_mem>>
      %dma_start3A_471 = arith.constant 0 : i32
      %dma_start3A_472 = tpu.memref_slice %arg7[%add3A_464, %dma_start3A_471] : memref<16384x128xf32, #tpu.memory_space<hbm>> -> memref<128x128xf32, #tpu.memory_space<hbm>>
      %dma_start3A_473 = arith.constant 0 : i32
      %dma_start3A_474 = tpu.memref_slice %arg7[%add3A_464, %dma_start3A_473] : memref<16384x128xf32, #tpu.memory_space<hbm>> -> memref<128x128xf32, #tpu.memory_space<hbm>>
      tpu.enqueue_dma source(%arg9 : memref<128x128xf32, #tpu.memory_space<vmem>>) target(%dma_start3A_474 : memref<128x128xf32, #tpu.memory_space<hbm>>) target_semaphore(%run_scoped3A : memref<!tpu.dma_semaphore, #tpu.memory_space<semaphore_mem>>)
      %dma_wait3A_475 = arith.constant 0 : i32
      %dma_wait3A_476 = tpu.memref_slice %arg7[%add3A_464, %dma_wait3A_475] : memref<16384x128xf32, #tpu.memory_space<hbm>> -> memref<128x128xf32, #tpu.memory_space<hbm>>
      %dma_wait3A_477 = arith.constant 0 : i32
      %dma_wait3A_478 = tpu.memref_slice %arg7[%add3A_464, %dma_wait3A_477] : memref<16384x128xf32, #tpu.memory_space<hbm>> -> memref<128x128xf32, #tpu.memory_space<hbm>>
      tpu.wait_dma2 semaphore(%run_scoped3A : memref<!tpu.dma_semaphore, #tpu.memory_space<semaphore_mem>>) src(%arg9 : memref<128x128xf32, #tpu.memory_space<vmem>>) dst(%dma_wait3A_478 : memref<128x128xf32, #tpu.memory_space<hbm>>)
      tpu.yield
    }) : () -> ()
    %mul3A_465 = arith.constant 512 : i32
    %mul3A_466 = arith.muli %arg1, %mul3A_465 : i32
    %add3A_467 = arith.constant 384 : i32
    %add3A_468 = arith.addi %mul3A_466, %add3A_467 : i32
    "tpu.region"() ({
      %run_scoped3A = tpu.sem_alloc : memref<!tpu.dma_semaphore, #tpu.memory_space<semaphore_mem>>
      %dma_start3A_471 = arith.constant 0 : i32
      %dma_start3A_472 = tpu.memref_slice %arg12[%add3A_468, %dma_start3A_471] : memref<8192x128xf32, #tpu.memory_space<vmem_shared>> -> memref<128x128xf32, #tpu.memory_space<vmem_shared>>
      %dma_start3A_473 = arith.constant 0 : i32
      %dma_start3A_474 = tpu.memref_slice %arg12[%add3A_468, %dma_start3A_473] : memref<8192x128xf32, #tpu.memory_space<vmem_shared>> -> memref<128x128xf32, #tpu.memory_space<vmem_shared>>
      tpu.enqueue_dma source(%dma_start3A_474 : memref<128x128xf32, #tpu.memory_space<vmem_shared>>) target(%arg10 : memref<128x128xf32, #tpu.memory_space<vmem>>) target_semaphore(%run_scoped3A : memref<!tpu.dma_semaphore, #tpu.memory_space<semaphore_mem>>)
      %dma_wait3A_475 = arith.constant 0 : i32
      %dma_wait3A_476 = tpu.memref_slice %arg12[%add3A_468, %dma_wait3A_475] : memref<8192x128xf32, #tpu.memory_space<vmem_shared>> -> memref<128x128xf32, #tpu.memory_space<vmem_shared>>
      %dma_wait3A_477 = arith.constant 0 : i32
      %dma_wait3A_478 = tpu.memref_slice %arg12[%add3A_468, %dma_wait3A_477] : memref<8192x128xf32, #tpu.memory_space<vmem_shared>> -> memref<128x128xf32, #tpu.memory_space<vmem_shared>>
      tpu.wait_dma2 semaphore(%run_scoped3A : memref<!tpu.dma_semaphore, #tpu.memory_space<semaphore_mem>>) src(%dma_wait3A_478 : memref<128x128xf32, #tpu.memory_space<vmem_shared>>) dst(%arg10 : memref<128x128xf32, #tpu.memory_space<vmem>>)
      tpu.yield
    }) : () -> ()
    %add3A_469 = arith.constant 384 : i32
    %add3A_470 = arith.addi %add3A, %add3A_469 : i32
    "tpu.region"() ({
      %run_scoped3A = tpu.sem_alloc : memref<!tpu.dma_semaphore, #tpu.memory_space<semaphore_mem>>
      %dma_start3A_471 = arith.constant 0 : i32
      %dma_start3A_472 = tpu.memref_slice %arg7[%add3A_470, %dma_start3A_471] : memref<16384x128xf32, #tpu.memory_space<hbm>> -> memref<128x128xf32, #tpu.memory_space<hbm>>
      %dma_start3A_473 = arith.constant 0 : i32
      %dma_start3A_474 = tpu.memref_slice %arg7[%add3A_470, %dma_start3A_473] : memref<16384x128xf32, #tpu.memory_space<hbm>> -> memref<128x128xf32, #tpu.memory_space<hbm>>
      tpu.enqueue_dma source(%arg10 : memref<128x128xf32, #tpu.memory_space<vmem>>) target(%dma_start3A_474 : memref<128x128xf32, #tpu.memory_space<hbm>>) target_semaphore(%run_scoped3A : memref<!tpu.dma_semaphore, #tpu.memory_space<semaphore_mem>>)
      %dma_wait3A_475 = arith.constant 0 : i32
      %dma_wait3A_476 = tpu.memref_slice %arg7[%add3A_470, %dma_wait3A_475] : memref<16384x128xf32, #tpu.memory_space<hbm>> -> memref<128x128xf32, #tpu.memory_space<hbm>>
      %dma_wait3A_477 = arith.constant 0 : i32
      %dma_wait3A_478 = tpu.memref_slice %arg7[%add3A_470, %dma_wait3A_477] : memref<16384x128xf32, #tpu.memory_space<hbm>> -> memref<128x128xf32, #tpu.memory_space<hbm>>
      tpu.wait_dma2 semaphore(%run_scoped3A : memref<!tpu.dma_semaphore, #tpu.memory_space<semaphore_mem>>) src(%arg10 : memref<128x128xf32, #tpu.memory_space<vmem>>) dst(%dma_wait3A_478 : memref<128x128xf32, #tpu.memory_space<hbm>>)
      tpu.yield
    }) : () -> ()
    return
  }
}

#map = affine_map<(d0, d1) -> (0, 0)>
module attributes {stable_mosaic.version = 14 : i64} {
  func.func @_sc_gather(%arg0: i32, %arg1: i32, %arg2: memref<4096x128xf32, #tpu.memory_space<hbm>>, %arg3: memref<256x128xi32, #tpu.memory_space<hbm>>, %arg4: memref<32768x128xf32, #tpu.memory_space<hbm>>, %arg5: memref<8x128xi32, #tpu.memory_space<vmem>>, %arg6: memref<128x128xf32, #tpu.memory_space<vmem>>, %arg7: memref<128x128xf32, #tpu.memory_space<vmem>>, %arg8: memref<!tpu.dma_semaphore, #tpu.memory_space<semaphore_mem>>, %arg9: memref<!tpu.dma_semaphore, #tpu.memory_space<semaphore_mem>>) attributes {dimension_semantics = [#tpu.dimension_semantics<core_parallel>, #tpu.dimension_semantics<subcore_parallel>], iteration_bounds = array<i64: 2, 16>, scalar_prefetch = 0 : i64, scratch_operands = 5 : i64, tpu.core_type = #tpu.core_type<sc_vector_subcore>, window_params = [{transform_indices = #map}, {transform_indices = #map}, {transform_indices = #map}]} {
    %mul3A = arith.constant 16 : i32
    %mul3A_0 = arith.muli %arg0, %mul3A : i32
    %add3A = arith.addi %mul3A_0, %arg1 : i32
    %mul3A_1 = arith.constant 1024 : i32
    %mul3A_2 = arith.muli %add3A, %mul3A_1 : i32
    %mul3A_3 = arith.constant 8 : i32
    %mul3A_4 = arith.muli %add3A, %mul3A_3 : i32
    "tpu.region"() ({
      %run_scoped3A = tpu.sem_alloc : memref<!tpu.dma_semaphore, #tpu.memory_space<semaphore_mem>>
      %dma_start3A_195 = arith.constant 0 : i32
      %dma_start3A_196 = tpu.memref_slice %arg3[%mul3A_4, %dma_start3A_195] : memref<256x128xi32, #tpu.memory_space<hbm>> -> memref<8x128xi32, #tpu.memory_space<hbm>>
      %dma_start3A_197 = arith.constant 0 : i32
      %dma_start3A_198 = tpu.memref_slice %arg3[%mul3A_4, %dma_start3A_197] : memref<256x128xi32, #tpu.memory_space<hbm>> -> memref<8x128xi32, #tpu.memory_space<hbm>>
      tpu.enqueue_dma source(%dma_start3A_198 : memref<8x128xi32, #tpu.memory_space<hbm>>) target(%arg5 : memref<8x128xi32, #tpu.memory_space<vmem>>) target_semaphore(%run_scoped3A : memref<!tpu.dma_semaphore, #tpu.memory_space<semaphore_mem>>)
      %dma_wait3A_199 = arith.constant 0 : i32
      %dma_wait3A_200 = tpu.memref_slice %arg3[%mul3A_4, %dma_wait3A_199] : memref<256x128xi32, #tpu.memory_space<hbm>> -> memref<8x128xi32, #tpu.memory_space<hbm>>
      %dma_wait3A_201 = arith.constant 0 : i32
      %dma_wait3A_202 = tpu.memref_slice %arg3[%mul3A_4, %dma_wait3A_201] : memref<256x128xi32, #tpu.memory_space<hbm>> -> memref<8x128xi32, #tpu.memory_space<hbm>>
      tpu.wait_dma2 semaphore(%run_scoped3A : memref<!tpu.dma_semaphore, #tpu.memory_space<semaphore_mem>>) src(%dma_wait3A_202 : memref<8x128xi32, #tpu.memory_space<hbm>>) dst(%arg5 : memref<8x128xi32, #tpu.memory_space<vmem>>)
      tpu.yield
    }) : () -> ()
    %dma_start3A = arith.constant 0 : i32
    %dma_start3A_5 = arith.constant 0 : i32
    %dma_start3A_6 = tpu.memref_slice %arg5[%dma_start3A, %dma_start3A_5] : memref<8x128xi32, #tpu.memory_space<vmem>> -> memref<1x128xi32, #tpu.memory_space<vmem>>
    %dma_start3A_7 = tpu.memref_squeeze %dma_start3A_6 : memref<1x128xi32, #tpu.memory_space<vmem>> -> memref<128xi32, #tpu.memory_space<vmem>>
    %dma_start3A_8 = arith.constant 0 : i32
    %dma_start3A_9 = arith.constant 0 : i32
    %dma_start3A_10 = tpu.memref_slice %arg2[%dma_start3A_8, %dma_start3A_9] : memref<4096x128xf32, #tpu.memory_space<hbm>> -> memref<4096x128xf32, #tpu.memory_space<hbm>>
    tpu.enqueue_indirect_dma source(%dma_start3A_10 : memref<4096x128xf32, #tpu.memory_space<hbm>>) target(%arg6 : memref<128x128xf32, #tpu.memory_space<vmem>>) offsets(%dma_start3A_7 : memref<128xi32, #tpu.memory_space<vmem>>) semaphore(%arg8 : memref<!tpu.dma_semaphore, #tpu.memory_space<semaphore_mem>>)
    %dma_wait3A = arith.constant 0 : i32
    %dma_wait3A_11 = arith.constant 0 : i32
    %dma_wait3A_12 = tpu.memref_slice %arg5[%dma_wait3A, %dma_wait3A_11] : memref<8x128xi32, #tpu.memory_space<vmem>> -> memref<1x128xi32, #tpu.memory_space<vmem>>
    %dma_wait3A_13 = tpu.memref_squeeze %dma_wait3A_12 : memref<1x128xi32, #tpu.memory_space<vmem>> -> memref<128xi32, #tpu.memory_space<vmem>>
    %dma_wait3A_14 = arith.constant 0 : i32
    %dma_wait3A_15 = arith.constant 0 : i32
    %dma_wait3A_16 = tpu.memref_slice %arg2[%dma_wait3A_14, %dma_wait3A_15] : memref<4096x128xf32, #tpu.memory_space<hbm>> -> memref<4096x128xf32, #tpu.memory_space<hbm>>
    tpu.wait_indirect_dma semaphore(%arg8 : memref<!tpu.dma_semaphore, #tpu.memory_space<semaphore_mem>>) src(%dma_wait3A_16 : memref<4096x128xf32, #tpu.memory_space<hbm>>) dst(%arg6 : memref<128x128xf32, #tpu.memory_space<vmem>>)
    %dma_start3A_17 = arith.constant 1 : i32
    %dma_start3A_18 = arith.constant 0 : i32
    %dma_start3A_19 = tpu.memref_slice %arg5[%dma_start3A_17, %dma_start3A_18] : memref<8x128xi32, #tpu.memory_space<vmem>> -> memref<1x128xi32, #tpu.memory_space<vmem>>
    %dma_start3A_20 = tpu.memref_squeeze %dma_start3A_19 : memref<1x128xi32, #tpu.memory_space<vmem>> -> memref<128xi32, #tpu.memory_space<vmem>>
    %dma_start3A_21 = arith.constant 0 : i32
    %dma_start3A_22 = arith.constant 0 : i32
    %dma_start3A_23 = tpu.memref_slice %arg2[%dma_start3A_21, %dma_start3A_22] : memref<4096x128xf32, #tpu.memory_space<hbm>> -> memref<4096x128xf32, #tpu.memory_space<hbm>>
    tpu.enqueue_indirect_dma source(%dma_start3A_23 : memref<4096x128xf32, #tpu.memory_space<hbm>>) target(%arg7 : memref<128x128xf32, #tpu.memory_space<vmem>>) offsets(%dma_start3A_20 : memref<128xi32, #tpu.memory_space<vmem>>) semaphore(%arg8 : memref<!tpu.dma_semaphore, #tpu.memory_space<semaphore_mem>>)
    %add3A_24 = arith.constant 0 : i32
    %add3A_25 = arith.addi %mul3A_2, %add3A_24 : i32
    %dma_start3A_26 = arith.constant 0 : i32
    %dma_start3A_27 = tpu.memref_slice %arg4[%add3A_25, %dma_start3A_26] : memref<32768x128xf32, #tpu.memory_space<hbm>> -> memref<128x128xf32, #tpu.memory_space<hbm>>
    %dma_start3A_28 = arith.constant 0 : i32
    %dma_start3A_29 = tpu.memref_slice %arg4[%add3A_25, %dma_start3A_28] : memref<32768x128xf32, #tpu.memory_space<hbm>> -> memref<128x128xf32, #tpu.memory_space<hbm>>
    tpu.enqueue_dma source(%arg6 : memref<128x128xf32, #tpu.memory_space<vmem>>) target(%dma_start3A_29 : memref<128x128xf32, #tpu.memory_space<hbm>>) target_semaphore(%arg9 : memref<!tpu.dma_semaphore, #tpu.memory_space<semaphore_mem>>)
    %dma_wait3A_30 = arith.constant 1 : i32
    %dma_wait3A_31 = arith.constant 0 : i32
    %dma_wait3A_32 = tpu.memref_slice %arg5[%dma_wait3A_30, %dma_wait3A_31] : memref<8x128xi32, #tpu.memory_space<vmem>> -> memref<1x128xi32, #tpu.memory_space<vmem>>
    %dma_wait3A_33 = tpu.memref_squeeze %dma_wait3A_32 : memref<1x128xi32, #tpu.memory_space<vmem>> -> memref<128xi32, #tpu.memory_space<vmem>>
    %dma_wait3A_34 = arith.constant 0 : i32
    %dma_wait3A_35 = arith.constant 0 : i32
    %dma_wait3A_36 = tpu.memref_slice %arg2[%dma_wait3A_34, %dma_wait3A_35] : memref<4096x128xf32, #tpu.memory_space<hbm>> -> memref<4096x128xf32, #tpu.memory_space<hbm>>
    tpu.wait_indirect_dma semaphore(%arg8 : memref<!tpu.dma_semaphore, #tpu.memory_space<semaphore_mem>>) src(%dma_wait3A_36 : memref<4096x128xf32, #tpu.memory_space<hbm>>) dst(%arg7 : memref<128x128xf32, #tpu.memory_space<vmem>>)
    %dma_wait3A_37 = arith.constant 0 : i32
    %dma_wait3A_38 = tpu.memref_slice %arg4[%add3A_25, %dma_wait3A_37] : memref<32768x128xf32, #tpu.memory_space<hbm>> -> memref<128x128xf32, #tpu.memory_space<hbm>>
    %dma_wait3A_39 = arith.constant 0 : i32
    %dma_wait3A_40 = tpu.memref_slice %arg4[%add3A_25, %dma_wait3A_39] : memref<32768x128xf32, #tpu.memory_space<hbm>> -> memref<128x128xf32, #tpu.memory_space<hbm>>
    tpu.wait_dma2 semaphore(%arg9 : memref<!tpu.dma_semaphore, #tpu.memory_space<semaphore_mem>>) src(%arg6 : memref<128x128xf32, #tpu.memory_space<vmem>>) dst(%dma_wait3A_40 : memref<128x128xf32, #tpu.memory_space<hbm>>)
    %dma_start3A_41 = arith.constant 2 : i32
    %dma_start3A_42 = arith.constant 0 : i32
    %dma_start3A_43 = tpu.memref_slice %arg5[%dma_start3A_41, %dma_start3A_42] : memref<8x128xi32, #tpu.memory_space<vmem>> -> memref<1x128xi32, #tpu.memory_space<vmem>>
    %dma_start3A_44 = tpu.memref_squeeze %dma_start3A_43 : memref<1x128xi32, #tpu.memory_space<vmem>> -> memref<128xi32, #tpu.memory_space<vmem>>
    %dma_start3A_45 = arith.constant 0 : i32
    %dma_start3A_46 = arith.constant 0 : i32
    %dma_start3A_47 = tpu.memref_slice %arg2[%dma_start3A_45, %dma_start3A_46] : memref<4096x128xf32, #tpu.memory_space<hbm>> -> memref<4096x128xf32, #tpu.memory_space<hbm>>
    tpu.enqueue_indirect_dma source(%dma_start3A_47 : memref<4096x128xf32, #tpu.memory_space<hbm>>) target(%arg6 : memref<128x128xf32, #tpu.memory_space<vmem>>) offsets(%dma_start3A_44 : memref<128xi32, #tpu.memory_space<vmem>>) semaphore(%arg8 : memref<!tpu.dma_semaphore, #tpu.memory_space<semaphore_mem>>)
    %add3A_48 = arith.constant 128 : i32
    %add3A_49 = arith.addi %mul3A_2, %add3A_48 : i32
    %dma_start3A_50 = arith.constant 0 : i32
    %dma_start3A_51 = tpu.memref_slice %arg4[%add3A_49, %dma_start3A_50] : memref<32768x128xf32, #tpu.memory_space<hbm>> -> memref<128x128xf32, #tpu.memory_space<hbm>>
    %dma_start3A_52 = arith.constant 0 : i32
    %dma_start3A_53 = tpu.memref_slice %arg4[%add3A_49, %dma_start3A_52] : memref<32768x128xf32, #tpu.memory_space<hbm>> -> memref<128x128xf32, #tpu.memory_space<hbm>>
    tpu.enqueue_dma source(%arg7 : memref<128x128xf32, #tpu.memory_space<vmem>>) target(%dma_start3A_53 : memref<128x128xf32, #tpu.memory_space<hbm>>) target_semaphore(%arg9 : memref<!tpu.dma_semaphore, #tpu.memory_space<semaphore_mem>>)
    %dma_wait3A_54 = arith.constant 2 : i32
    %dma_wait3A_55 = arith.constant 0 : i32
    %dma_wait3A_56 = tpu.memref_slice %arg5[%dma_wait3A_54, %dma_wait3A_55] : memref<8x128xi32, #tpu.memory_space<vmem>> -> memref<1x128xi32, #tpu.memory_space<vmem>>
    %dma_wait3A_57 = tpu.memref_squeeze %dma_wait3A_56 : memref<1x128xi32, #tpu.memory_space<vmem>> -> memref<128xi32, #tpu.memory_space<vmem>>
    %dma_wait3A_58 = arith.constant 0 : i32
    %dma_wait3A_59 = arith.constant 0 : i32
    %dma_wait3A_60 = tpu.memref_slice %arg2[%dma_wait3A_58, %dma_wait3A_59] : memref<4096x128xf32, #tpu.memory_space<hbm>> -> memref<4096x128xf32, #tpu.memory_space<hbm>>
    tpu.wait_indirect_dma semaphore(%arg8 : memref<!tpu.dma_semaphore, #tpu.memory_space<semaphore_mem>>) src(%dma_wait3A_60 : memref<4096x128xf32, #tpu.memory_space<hbm>>) dst(%arg6 : memref<128x128xf32, #tpu.memory_space<vmem>>)
    %dma_wait3A_61 = arith.constant 0 : i32
    %dma_wait3A_62 = tpu.memref_slice %arg4[%add3A_49, %dma_wait3A_61] : memref<32768x128xf32, #tpu.memory_space<hbm>> -> memref<128x128xf32, #tpu.memory_space<hbm>>
    %dma_wait3A_63 = arith.constant 0 : i32
    %dma_wait3A_64 = tpu.memref_slice %arg4[%add3A_49, %dma_wait3A_63] : memref<32768x128xf32, #tpu.memory_space<hbm>> -> memref<128x128xf32, #tpu.memory_space<hbm>>
    tpu.wait_dma2 semaphore(%arg9 : memref<!tpu.dma_semaphore, #tpu.memory_space<semaphore_mem>>) src(%arg7 : memref<128x128xf32, #tpu.memory_space<vmem>>) dst(%dma_wait3A_64 : memref<128x128xf32, #tpu.memory_space<hbm>>)
    %dma_start3A_65 = arith.constant 3 : i32
    %dma_start3A_66 = arith.constant 0 : i32
    %dma_start3A_67 = tpu.memref_slice %arg5[%dma_start3A_65, %dma_start3A_66] : memref<8x128xi32, #tpu.memory_space<vmem>> -> memref<1x128xi32, #tpu.memory_space<vmem>>
    %dma_start3A_68 = tpu.memref_squeeze %dma_start3A_67 : memref<1x128xi32, #tpu.memory_space<vmem>> -> memref<128xi32, #tpu.memory_space<vmem>>
    %dma_start3A_69 = arith.constant 0 : i32
    %dma_start3A_70 = arith.constant 0 : i32
    %dma_start3A_71 = tpu.memref_slice %arg2[%dma_start3A_69, %dma_start3A_70] : memref<4096x128xf32, #tpu.memory_space<hbm>> -> memref<4096x128xf32, #tpu.memory_space<hbm>>
    tpu.enqueue_indirect_dma source(%dma_start3A_71 : memref<4096x128xf32, #tpu.memory_space<hbm>>) target(%arg7 : memref<128x128xf32, #tpu.memory_space<vmem>>) offsets(%dma_start3A_68 : memref<128xi32, #tpu.memory_space<vmem>>) semaphore(%arg8 : memref<!tpu.dma_semaphore, #tpu.memory_space<semaphore_mem>>)
    %add3A_72 = arith.constant 256 : i32
    %add3A_73 = arith.addi %mul3A_2, %add3A_72 : i32
    %dma_start3A_74 = arith.constant 0 : i32
    %dma_start3A_75 = tpu.memref_slice %arg4[%add3A_73, %dma_start3A_74] : memref<32768x128xf32, #tpu.memory_space<hbm>> -> memref<128x128xf32, #tpu.memory_space<hbm>>
    %dma_start3A_76 = arith.constant 0 : i32
    %dma_start3A_77 = tpu.memref_slice %arg4[%add3A_73, %dma_start3A_76] : memref<32768x128xf32, #tpu.memory_space<hbm>> -> memref<128x128xf32, #tpu.memory_space<hbm>>
    tpu.enqueue_dma source(%arg6 : memref<128x128xf32, #tpu.memory_space<vmem>>) target(%dma_start3A_77 : memref<128x128xf32, #tpu.memory_space<hbm>>) target_semaphore(%arg9 : memref<!tpu.dma_semaphore, #tpu.memory_space<semaphore_mem>>)
    %dma_wait3A_78 = arith.constant 3 : i32
    %dma_wait3A_79 = arith.constant 0 : i32
    %dma_wait3A_80 = tpu.memref_slice %arg5[%dma_wait3A_78, %dma_wait3A_79] : memref<8x128xi32, #tpu.memory_space<vmem>> -> memref<1x128xi32, #tpu.memory_space<vmem>>
    %dma_wait3A_81 = tpu.memref_squeeze %dma_wait3A_80 : memref<1x128xi32, #tpu.memory_space<vmem>> -> memref<128xi32, #tpu.memory_space<vmem>>
    %dma_wait3A_82 = arith.constant 0 : i32
    %dma_wait3A_83 = arith.constant 0 : i32
    %dma_wait3A_84 = tpu.memref_slice %arg2[%dma_wait3A_82, %dma_wait3A_83] : memref<4096x128xf32, #tpu.memory_space<hbm>> -> memref<4096x128xf32, #tpu.memory_space<hbm>>
    tpu.wait_indirect_dma semaphore(%arg8 : memref<!tpu.dma_semaphore, #tpu.memory_space<semaphore_mem>>) src(%dma_wait3A_84 : memref<4096x128xf32, #tpu.memory_space<hbm>>) dst(%arg7 : memref<128x128xf32, #tpu.memory_space<vmem>>)
    %dma_wait3A_85 = arith.constant 0 : i32
    %dma_wait3A_86 = tpu.memref_slice %arg4[%add3A_73, %dma_wait3A_85] : memref<32768x128xf32, #tpu.memory_space<hbm>> -> memref<128x128xf32, #tpu.memory_space<hbm>>
    %dma_wait3A_87 = arith.constant 0 : i32
    %dma_wait3A_88 = tpu.memref_slice %arg4[%add3A_73, %dma_wait3A_87] : memref<32768x128xf32, #tpu.memory_space<hbm>> -> memref<128x128xf32, #tpu.memory_space<hbm>>
    tpu.wait_dma2 semaphore(%arg9 : memref<!tpu.dma_semaphore, #tpu.memory_space<semaphore_mem>>) src(%arg6 : memref<128x128xf32, #tpu.memory_space<vmem>>) dst(%dma_wait3A_88 : memref<128x128xf32, #tpu.memory_space<hbm>>)
    %dma_start3A_89 = arith.constant 4 : i32
    %dma_start3A_90 = arith.constant 0 : i32
    %dma_start3A_91 = tpu.memref_slice %arg5[%dma_start3A_89, %dma_start3A_90] : memref<8x128xi32, #tpu.memory_space<vmem>> -> memref<1x128xi32, #tpu.memory_space<vmem>>
    %dma_start3A_92 = tpu.memref_squeeze %dma_start3A_91 : memref<1x128xi32, #tpu.memory_space<vmem>> -> memref<128xi32, #tpu.memory_space<vmem>>
    %dma_start3A_93 = arith.constant 0 : i32
    %dma_start3A_94 = arith.constant 0 : i32
    %dma_start3A_95 = tpu.memref_slice %arg2[%dma_start3A_93, %dma_start3A_94] : memref<4096x128xf32, #tpu.memory_space<hbm>> -> memref<4096x128xf32, #tpu.memory_space<hbm>>
    tpu.enqueue_indirect_dma source(%dma_start3A_95 : memref<4096x128xf32, #tpu.memory_space<hbm>>) target(%arg6 : memref<128x128xf32, #tpu.memory_space<vmem>>) offsets(%dma_start3A_92 : memref<128xi32, #tpu.memory_space<vmem>>) semaphore(%arg8 : memref<!tpu.dma_semaphore, #tpu.memory_space<semaphore_mem>>)
    %add3A_96 = arith.constant 384 : i32
    %add3A_97 = arith.addi %mul3A_2, %add3A_96 : i32
    %dma_start3A_98 = arith.constant 0 : i32
    %dma_start3A_99 = tpu.memref_slice %arg4[%add3A_97, %dma_start3A_98] : memref<32768x128xf32, #tpu.memory_space<hbm>> -> memref<128x128xf32, #tpu.memory_space<hbm>>
    %dma_start3A_100 = arith.constant 0 : i32
    %dma_start3A_101 = tpu.memref_slice %arg4[%add3A_97, %dma_start3A_100] : memref<32768x128xf32, #tpu.memory_space<hbm>> -> memref<128x128xf32, #tpu.memory_space<hbm>>
    tpu.enqueue_dma source(%arg7 : memref<128x128xf32, #tpu.memory_space<vmem>>) target(%dma_start3A_101 : memref<128x128xf32, #tpu.memory_space<hbm>>) target_semaphore(%arg9 : memref<!tpu.dma_semaphore, #tpu.memory_space<semaphore_mem>>)
    %dma_wait3A_102 = arith.constant 4 : i32
    %dma_wait3A_103 = arith.constant 0 : i32
    %dma_wait3A_104 = tpu.memref_slice %arg5[%dma_wait3A_102, %dma_wait3A_103] : memref<8x128xi32, #tpu.memory_space<vmem>> -> memref<1x128xi32, #tpu.memory_space<vmem>>
    %dma_wait3A_105 = tpu.memref_squeeze %dma_wait3A_104 : memref<1x128xi32, #tpu.memory_space<vmem>> -> memref<128xi32, #tpu.memory_space<vmem>>
    %dma_wait3A_106 = arith.constant 0 : i32
    %dma_wait3A_107 = arith.constant 0 : i32
    %dma_wait3A_108 = tpu.memref_slice %arg2[%dma_wait3A_106, %dma_wait3A_107] : memref<4096x128xf32, #tpu.memory_space<hbm>> -> memref<4096x128xf32, #tpu.memory_space<hbm>>
    tpu.wait_indirect_dma semaphore(%arg8 : memref<!tpu.dma_semaphore, #tpu.memory_space<semaphore_mem>>) src(%dma_wait3A_108 : memref<4096x128xf32, #tpu.memory_space<hbm>>) dst(%arg6 : memref<128x128xf32, #tpu.memory_space<vmem>>)
    %dma_wait3A_109 = arith.constant 0 : i32
    %dma_wait3A_110 = tpu.memref_slice %arg4[%add3A_97, %dma_wait3A_109] : memref<32768x128xf32, #tpu.memory_space<hbm>> -> memref<128x128xf32, #tpu.memory_space<hbm>>
    %dma_wait3A_111 = arith.constant 0 : i32
    %dma_wait3A_112 = tpu.memref_slice %arg4[%add3A_97, %dma_wait3A_111] : memref<32768x128xf32, #tpu.memory_space<hbm>> -> memref<128x128xf32, #tpu.memory_space<hbm>>
    tpu.wait_dma2 semaphore(%arg9 : memref<!tpu.dma_semaphore, #tpu.memory_space<semaphore_mem>>) src(%arg7 : memref<128x128xf32, #tpu.memory_space<vmem>>) dst(%dma_wait3A_112 : memref<128x128xf32, #tpu.memory_space<hbm>>)
    %dma_start3A_113 = arith.constant 5 : i32
    %dma_start3A_114 = arith.constant 0 : i32
    %dma_start3A_115 = tpu.memref_slice %arg5[%dma_start3A_113, %dma_start3A_114] : memref<8x128xi32, #tpu.memory_space<vmem>> -> memref<1x128xi32, #tpu.memory_space<vmem>>
    %dma_start3A_116 = tpu.memref_squeeze %dma_start3A_115 : memref<1x128xi32, #tpu.memory_space<vmem>> -> memref<128xi32, #tpu.memory_space<vmem>>
    %dma_start3A_117 = arith.constant 0 : i32
    %dma_start3A_118 = arith.constant 0 : i32
    %dma_start3A_119 = tpu.memref_slice %arg2[%dma_start3A_117, %dma_start3A_118] : memref<4096x128xf32, #tpu.memory_space<hbm>> -> memref<4096x128xf32, #tpu.memory_space<hbm>>
    tpu.enqueue_indirect_dma source(%dma_start3A_119 : memref<4096x128xf32, #tpu.memory_space<hbm>>) target(%arg7 : memref<128x128xf32, #tpu.memory_space<vmem>>) offsets(%dma_start3A_116 : memref<128xi32, #tpu.memory_space<vmem>>) semaphore(%arg8 : memref<!tpu.dma_semaphore, #tpu.memory_space<semaphore_mem>>)
    %add3A_120 = arith.constant 512 : i32
    %add3A_121 = arith.addi %mul3A_2, %add3A_120 : i32
    %dma_start3A_122 = arith.constant 0 : i32
    %dma_start3A_123 = tpu.memref_slice %arg4[%add3A_121, %dma_start3A_122] : memref<32768x128xf32, #tpu.memory_space<hbm>> -> memref<128x128xf32, #tpu.memory_space<hbm>>
    %dma_start3A_124 = arith.constant 0 : i32
    %dma_start3A_125 = tpu.memref_slice %arg4[%add3A_121, %dma_start3A_124] : memref<32768x128xf32, #tpu.memory_space<hbm>> -> memref<128x128xf32, #tpu.memory_space<hbm>>
    tpu.enqueue_dma source(%arg6 : memref<128x128xf32, #tpu.memory_space<vmem>>) target(%dma_start3A_125 : memref<128x128xf32, #tpu.memory_space<hbm>>) target_semaphore(%arg9 : memref<!tpu.dma_semaphore, #tpu.memory_space<semaphore_mem>>)
    %dma_wait3A_126 = arith.constant 5 : i32
    %dma_wait3A_127 = arith.constant 0 : i32
    %dma_wait3A_128 = tpu.memref_slice %arg5[%dma_wait3A_126, %dma_wait3A_127] : memref<8x128xi32, #tpu.memory_space<vmem>> -> memref<1x128xi32, #tpu.memory_space<vmem>>
    %dma_wait3A_129 = tpu.memref_squeeze %dma_wait3A_128 : memref<1x128xi32, #tpu.memory_space<vmem>> -> memref<128xi32, #tpu.memory_space<vmem>>
    %dma_wait3A_130 = arith.constant 0 : i32
    %dma_wait3A_131 = arith.constant 0 : i32
    %dma_wait3A_132 = tpu.memref_slice %arg2[%dma_wait3A_130, %dma_wait3A_131] : memref<4096x128xf32, #tpu.memory_space<hbm>> -> memref<4096x128xf32, #tpu.memory_space<hbm>>
    tpu.wait_indirect_dma semaphore(%arg8 : memref<!tpu.dma_semaphore, #tpu.memory_space<semaphore_mem>>) src(%dma_wait3A_132 : memref<4096x128xf32, #tpu.memory_space<hbm>>) dst(%arg7 : memref<128x128xf32, #tpu.memory_space<vmem>>)
    %dma_wait3A_133 = arith.constant 0 : i32
    %dma_wait3A_134 = tpu.memref_slice %arg4[%add3A_121, %dma_wait3A_133] : memref<32768x128xf32, #tpu.memory_space<hbm>> -> memref<128x128xf32, #tpu.memory_space<hbm>>
    %dma_wait3A_135 = arith.constant 0 : i32
    %dma_wait3A_136 = tpu.memref_slice %arg4[%add3A_121, %dma_wait3A_135] : memref<32768x128xf32, #tpu.memory_space<hbm>> -> memref<128x128xf32, #tpu.memory_space<hbm>>
    tpu.wait_dma2 semaphore(%arg9 : memref<!tpu.dma_semaphore, #tpu.memory_space<semaphore_mem>>) src(%arg6 : memref<128x128xf32, #tpu.memory_space<vmem>>) dst(%dma_wait3A_136 : memref<128x128xf32, #tpu.memory_space<hbm>>)
    %dma_start3A_137 = arith.constant 6 : i32
    %dma_start3A_138 = arith.constant 0 : i32
    %dma_start3A_139 = tpu.memref_slice %arg5[%dma_start3A_137, %dma_start3A_138] : memref<8x128xi32, #tpu.memory_space<vmem>> -> memref<1x128xi32, #tpu.memory_space<vmem>>
    %dma_start3A_140 = tpu.memref_squeeze %dma_start3A_139 : memref<1x128xi32, #tpu.memory_space<vmem>> -> memref<128xi32, #tpu.memory_space<vmem>>
    %dma_start3A_141 = arith.constant 0 : i32
    %dma_start3A_142 = arith.constant 0 : i32
    %dma_start3A_143 = tpu.memref_slice %arg2[%dma_start3A_141, %dma_start3A_142] : memref<4096x128xf32, #tpu.memory_space<hbm>> -> memref<4096x128xf32, #tpu.memory_space<hbm>>
    tpu.enqueue_indirect_dma source(%dma_start3A_143 : memref<4096x128xf32, #tpu.memory_space<hbm>>) target(%arg6 : memref<128x128xf32, #tpu.memory_space<vmem>>) offsets(%dma_start3A_140 : memref<128xi32, #tpu.memory_space<vmem>>) semaphore(%arg8 : memref<!tpu.dma_semaphore, #tpu.memory_space<semaphore_mem>>)
    %add3A_144 = arith.constant 640 : i32
    %add3A_145 = arith.addi %mul3A_2, %add3A_144 : i32
    %dma_start3A_146 = arith.constant 0 : i32
    %dma_start3A_147 = tpu.memref_slice %arg4[%add3A_145, %dma_start3A_146] : memref<32768x128xf32, #tpu.memory_space<hbm>> -> memref<128x128xf32, #tpu.memory_space<hbm>>
    %dma_start3A_148 = arith.constant 0 : i32
    %dma_start3A_149 = tpu.memref_slice %arg4[%add3A_145, %dma_start3A_148] : memref<32768x128xf32, #tpu.memory_space<hbm>> -> memref<128x128xf32, #tpu.memory_space<hbm>>
    tpu.enqueue_dma source(%arg7 : memref<128x128xf32, #tpu.memory_space<vmem>>) target(%dma_start3A_149 : memref<128x128xf32, #tpu.memory_space<hbm>>) target_semaphore(%arg9 : memref<!tpu.dma_semaphore, #tpu.memory_space<semaphore_mem>>)
    %dma_wait3A_150 = arith.constant 6 : i32
    %dma_wait3A_151 = arith.constant 0 : i32
    %dma_wait3A_152 = tpu.memref_slice %arg5[%dma_wait3A_150, %dma_wait3A_151] : memref<8x128xi32, #tpu.memory_space<vmem>> -> memref<1x128xi32, #tpu.memory_space<vmem>>
    %dma_wait3A_153 = tpu.memref_squeeze %dma_wait3A_152 : memref<1x128xi32, #tpu.memory_space<vmem>> -> memref<128xi32, #tpu.memory_space<vmem>>
    %dma_wait3A_154 = arith.constant 0 : i32
    %dma_wait3A_155 = arith.constant 0 : i32
    %dma_wait3A_156 = tpu.memref_slice %arg2[%dma_wait3A_154, %dma_wait3A_155] : memref<4096x128xf32, #tpu.memory_space<hbm>> -> memref<4096x128xf32, #tpu.memory_space<hbm>>
    tpu.wait_indirect_dma semaphore(%arg8 : memref<!tpu.dma_semaphore, #tpu.memory_space<semaphore_mem>>) src(%dma_wait3A_156 : memref<4096x128xf32, #tpu.memory_space<hbm>>) dst(%arg6 : memref<128x128xf32, #tpu.memory_space<vmem>>)
    %dma_wait3A_157 = arith.constant 0 : i32
    %dma_wait3A_158 = tpu.memref_slice %arg4[%add3A_145, %dma_wait3A_157] : memref<32768x128xf32, #tpu.memory_space<hbm>> -> memref<128x128xf32, #tpu.memory_space<hbm>>
    %dma_wait3A_159 = arith.constant 0 : i32
    %dma_wait3A_160 = tpu.memref_slice %arg4[%add3A_145, %dma_wait3A_159] : memref<32768x128xf32, #tpu.memory_space<hbm>> -> memref<128x128xf32, #tpu.memory_space<hbm>>
    tpu.wait_dma2 semaphore(%arg9 : memref<!tpu.dma_semaphore, #tpu.memory_space<semaphore_mem>>) src(%arg7 : memref<128x128xf32, #tpu.memory_space<vmem>>) dst(%dma_wait3A_160 : memref<128x128xf32, #tpu.memory_space<hbm>>)
    %dma_start3A_161 = arith.constant 7 : i32
    %dma_start3A_162 = arith.constant 0 : i32
    %dma_start3A_163 = tpu.memref_slice %arg5[%dma_start3A_161, %dma_start3A_162] : memref<8x128xi32, #tpu.memory_space<vmem>> -> memref<1x128xi32, #tpu.memory_space<vmem>>
    %dma_start3A_164 = tpu.memref_squeeze %dma_start3A_163 : memref<1x128xi32, #tpu.memory_space<vmem>> -> memref<128xi32, #tpu.memory_space<vmem>>
    %dma_start3A_165 = arith.constant 0 : i32
    %dma_start3A_166 = arith.constant 0 : i32
    %dma_start3A_167 = tpu.memref_slice %arg2[%dma_start3A_165, %dma_start3A_166] : memref<4096x128xf32, #tpu.memory_space<hbm>> -> memref<4096x128xf32, #tpu.memory_space<hbm>>
    tpu.enqueue_indirect_dma source(%dma_start3A_167 : memref<4096x128xf32, #tpu.memory_space<hbm>>) target(%arg7 : memref<128x128xf32, #tpu.memory_space<vmem>>) offsets(%dma_start3A_164 : memref<128xi32, #tpu.memory_space<vmem>>) semaphore(%arg8 : memref<!tpu.dma_semaphore, #tpu.memory_space<semaphore_mem>>)
    %add3A_168 = arith.constant 768 : i32
    %add3A_169 = arith.addi %mul3A_2, %add3A_168 : i32
    %dma_start3A_170 = arith.constant 0 : i32
    %dma_start3A_171 = tpu.memref_slice %arg4[%add3A_169, %dma_start3A_170] : memref<32768x128xf32, #tpu.memory_space<hbm>> -> memref<128x128xf32, #tpu.memory_space<hbm>>
    %dma_start3A_172 = arith.constant 0 : i32
    %dma_start3A_173 = tpu.memref_slice %arg4[%add3A_169, %dma_start3A_172] : memref<32768x128xf32, #tpu.memory_space<hbm>> -> memref<128x128xf32, #tpu.memory_space<hbm>>
    tpu.enqueue_dma source(%arg6 : memref<128x128xf32, #tpu.memory_space<vmem>>) target(%dma_start3A_173 : memref<128x128xf32, #tpu.memory_space<hbm>>) target_semaphore(%arg9 : memref<!tpu.dma_semaphore, #tpu.memory_space<semaphore_mem>>)
    %dma_wait3A_174 = arith.constant 7 : i32
    %dma_wait3A_175 = arith.constant 0 : i32
    %dma_wait3A_176 = tpu.memref_slice %arg5[%dma_wait3A_174, %dma_wait3A_175] : memref<8x128xi32, #tpu.memory_space<vmem>> -> memref<1x128xi32, #tpu.memory_space<vmem>>
    %dma_wait3A_177 = tpu.memref_squeeze %dma_wait3A_176 : memref<1x128xi32, #tpu.memory_space<vmem>> -> memref<128xi32, #tpu.memory_space<vmem>>
    %dma_wait3A_178 = arith.constant 0 : i32
    %dma_wait3A_179 = arith.constant 0 : i32
    %dma_wait3A_180 = tpu.memref_slice %arg2[%dma_wait3A_178, %dma_wait3A_179] : memref<4096x128xf32, #tpu.memory_space<hbm>> -> memref<4096x128xf32, #tpu.memory_space<hbm>>
    tpu.wait_indirect_dma semaphore(%arg8 : memref<!tpu.dma_semaphore, #tpu.memory_space<semaphore_mem>>) src(%dma_wait3A_180 : memref<4096x128xf32, #tpu.memory_space<hbm>>) dst(%arg7 : memref<128x128xf32, #tpu.memory_space<vmem>>)
    %add3A_181 = arith.constant 896 : i32
    %add3A_182 = arith.addi %mul3A_2, %add3A_181 : i32
    %dma_start3A_183 = arith.constant 0 : i32
    %dma_start3A_184 = tpu.memref_slice %arg4[%add3A_182, %dma_start3A_183] : memref<32768x128xf32, #tpu.memory_space<hbm>> -> memref<128x128xf32, #tpu.memory_space<hbm>>
    %dma_start3A_185 = arith.constant 0 : i32
    %dma_start3A_186 = tpu.memref_slice %arg4[%add3A_182, %dma_start3A_185] : memref<32768x128xf32, #tpu.memory_space<hbm>> -> memref<128x128xf32, #tpu.memory_space<hbm>>
    tpu.enqueue_dma source(%arg7 : memref<128x128xf32, #tpu.memory_space<vmem>>) target(%dma_start3A_186 : memref<128x128xf32, #tpu.memory_space<hbm>>) target_semaphore(%arg9 : memref<!tpu.dma_semaphore, #tpu.memory_space<semaphore_mem>>)
    %dma_wait3A_187 = arith.constant 0 : i32
    %dma_wait3A_188 = tpu.memref_slice %arg4[%add3A_169, %dma_wait3A_187] : memref<32768x128xf32, #tpu.memory_space<hbm>> -> memref<128x128xf32, #tpu.memory_space<hbm>>
    %dma_wait3A_189 = arith.constant 0 : i32
    %dma_wait3A_190 = tpu.memref_slice %arg4[%add3A_169, %dma_wait3A_189] : memref<32768x128xf32, #tpu.memory_space<hbm>> -> memref<128x128xf32, #tpu.memory_space<hbm>>
    tpu.wait_dma2 semaphore(%arg9 : memref<!tpu.dma_semaphore, #tpu.memory_space<semaphore_mem>>) src(%arg6 : memref<128x128xf32, #tpu.memory_space<vmem>>) dst(%dma_wait3A_190 : memref<128x128xf32, #tpu.memory_space<hbm>>)
    %dma_wait3A_191 = arith.constant 0 : i32
    %dma_wait3A_192 = tpu.memref_slice %arg4[%add3A_182, %dma_wait3A_191] : memref<32768x128xf32, #tpu.memory_space<hbm>> -> memref<128x128xf32, #tpu.memory_space<hbm>>
    %dma_wait3A_193 = arith.constant 0 : i32
    %dma_wait3A_194 = tpu.memref_slice %arg4[%add3A_182, %dma_wait3A_193] : memref<32768x128xf32, #tpu.memory_space<hbm>> -> memref<128x128xf32, #tpu.memory_space<hbm>>
    tpu.wait_dma2 semaphore(%arg9 : memref<!tpu.dma_semaphore, #tpu.memory_space<semaphore_mem>>) src(%arg7 : memref<128x128xf32, #tpu.memory_space<vmem>>) dst(%dma_wait3A_194 : memref<128x128xf32, #tpu.memory_space<hbm>>)
    return
  }
}

module attributes {stable_mosaic.version = 14 : i64} {
  func.func @_qtab_body(%arg0: i32, %arg1: memref<512x128xf32, #tpu.memory_space<vmem>>, %arg2: memref<128x128xf32, #tpu.memory_space<vmem>>, %arg3: memref<512x128xf32, #tpu.memory_space<vmem>>) attributes {dimension_semantics = [#tpu.dimension_semantics<arbitrary>], iteration_bounds = array<i64: 8>, scalar_prefetch = 0 : i64, scratch_operands = 0 : i64, tpu.core_type = #tpu.core_type<tc>, window_params = [{transform_indices = @transform_0, window_bounds = array<i64: 512, 128>}, {pipeline_mode = #tpu.pipeline_mode<synchronous>, transform_indices = @transform_1, window_bounds = array<i64: 128, 128>}, {transform_indices = @transform_2, window_bounds = array<i64: 512, 128>}]} {
    %get3A = arith.constant 0 : index
    %get3A_0 = arith.constant 0 : index
    %get3A_1 = vector.load %arg1[%get3A, %get3A_0] : memref<512x128xf32, #tpu.memory_space<vmem>>, vector<512x128xf32>
    %get3A_2 = arith.constant 0 : index
    %get3A_3 = arith.constant 0 : index
    %get3A_4 = vector.load %arg2[%get3A_2, %get3A_3] : memref<128x128xf32, #tpu.memory_space<vmem>>, vector<128x128xf32>
    %dot_general3A = arith.constant dense<0.000000e+00> : vector<512x128xf32>
    %dot_general3A_5 = tpu.matmul %get3A_1, %get3A_4, %dot_general3A {dimension_numbers = #tpu.dot_dimension_numbers<[1], [0], [0], [1], [0, 0, 1, 1], [], []>, transpose_lhs_hint = false} : vector<512x128xf32>, vector<128x128xf32>, vector<512x128xf32> -> vector<512x128xf32>
    %swap3A = arith.constant 0 : index
    %swap3A_6 = arith.constant 0 : index
    %swap3A_7 = vector.load %arg3[%swap3A, %swap3A_6] : memref<512x128xf32, #tpu.memory_space<vmem>>, vector<512x128xf32>
    tpu.vector_store %arg3[%swap3A, %swap3A_6], %dot_general3A_5 {strides = array<i32>} : memref<512x128xf32, #tpu.memory_space<vmem>>, vector<512x128xf32>,
    return
  }
  func.func @transform_0(%arg0: i32) -> (i32, i32) {
    %c0_i32 = arith.constant 0 : i32
    %c0_i32_0 = arith.constant 0 : i32
    return %arg0, %c0_i32 : i32, i32
  }
  func.func @transform_1(%arg0: i32) -> (i32, i32) {
    %c0_i32 = arith.constant 0 : i32
    %c0_i32_0 = arith.constant 0 : i32
    %c0_i32_1 = arith.constant 0 : i32
    return %c0_i32, %c0_i32_0 : i32, i32
  }
  func.func @transform_2(%arg0: i32) -> (i32, i32) {
    %c0_i32 = arith.constant 0 : i32
    %c0_i32_0 = arith.constant 0 : i32
    return %arg0, %c0_i32 : i32, i32
  }
}

module attributes {stable_mosaic.version = 14 : i64} {
  func.func @_cells_body(%arg0: i32, %arg1: memref<8x128xf32, #tpu.memory_space<vmem>>, %arg2: memref<8x128xf32, #tpu.memory_space<vmem>>, %arg3: memref<64x128xf32, #tpu.memory_space<vmem>>, %arg4: memref<64x128xf32, #tpu.memory_space<vmem>>, %arg5: memref<8x128xi32, #tpu.memory_space<vmem>>, %arg6: memref<8x128xi32, #tpu.memory_space<vmem>>) attributes {dimension_semantics = [#tpu.dimension_semantics<arbitrary>], iteration_bounds = array<i64: 32>, scalar_prefetch = 0 : i64, scratch_operands = 0 : i64, tpu.core_type = #tpu.core_type<tc>, window_params = [{transform_indices = @transform_0, window_bounds = array<i64: 8, 128>}, {transform_indices = @transform_1, window_bounds = array<i64: 8, 128>}, {pipeline_mode = #tpu.pipeline_mode<synchronous>, transform_indices = @transform_2, window_bounds = array<i64: 64, 128>}, {pipeline_mode = #tpu.pipeline_mode<synchronous>, transform_indices = @transform_3, window_bounds = array<i64: 64, 128>}, {transform_indices = @transform_4, window_bounds = array<i64: 8, 128>}, {transform_indices = @transform_5, window_bounds = array<i64: 8, 128>}]} {
    %get3A = arith.constant 0 : index
    %get3A_0 = arith.constant 0 : index
    %get3A_1 = vector.load %arg1[%get3A, %get3A_0] : memref<8x128xf32, #tpu.memory_space<vmem>>, vector<8x128xf32>
    %get3A_2 = arith.constant 0 : index
    %get3A_3 = arith.constant 0 : index
    %get3A_4 = vector.load %arg3[%get3A_2, %get3A_3] : memref<64x128xf32, #tpu.memory_space<vmem>>, vector<64x128xf32>
    %broadcast_in_dim3A = vector.shape_cast %get3A_1 : vector<8x128xf32> to vector<8x1x128xf32>
    %broadcast_in_dim3A_5 = vector.shape_cast %get3A_4 : vector<64x128xf32> to vector<1x64x128xf32>
    %sub3A = vector.broadcast %broadcast_in_dim3A : vector<8x1x128xf32> to vector<8x64x128xf32>
    %sub3A_6 = vector.broadcast %broadcast_in_dim3A_5 : vector<1x64x128xf32> to vector<8x64x128xf32>
    %sub3A_7 = arith.subf %sub3A, %sub3A_6 : vector<8x64x128xf32>
    %abs3A = math.absf %sub3A_7 : vector<8x64x128xf32>
    %reduce_min3A = arith.constant dense<0x7F800000> : vector<8x128xf32>
    %reduce_min3A_8 = vector.multi_reduction <minimumf>, %abs3A, %reduce_min3A [1] : vector<8x64x128xf32> to vector<8x128xf32>
    %broadcast_in_dim3A_9 = vector.shape_cast %reduce_min3A_8 : vector<8x128xf32> to vector<8x1x128xf32>
    %iota3A = tpu.iota {dimensions = array<i32: 1>} : vector<8x64x128xi32>
    %eq3A = vector.broadcast %broadcast_in_dim3A_9 : vector<8x1x128xf32> to vector<8x64x128xf32>
    %eq3A_10 = arith.cmpf oeq, %abs3A, %eq3A : vector<8x64x128xf32>
    %jit3A = arith.constant 64 : i32
    %broadcast_in_dim3A_11 = vector.broadcast %jit3A : i32 to vector<8x64x128xi32>
    %select_n3A = arith.select %eq3A_10, %iota3A, %broadcast_in_dim3A_11 : vector<8x64x128xi1>, vector<8x64x128xi32>
    %reduce_min3A_12 = arith.constant dense<2147483647> : vector<8x128xi32>
    %reduce_min3A_13 = vector.multi_reduction <minsi>, %select_n3A, %reduce_min3A_12 [1] : vector<8x64x128xi32> to vector<8x128xi32>
    %get3A_14 = arith.constant 0 : index
    %get3A_15 = arith.constant 0 : index
    %get3A_16 = vector.load %arg2[%get3A_14, %get3A_15] : memref<8x128xf32, #tpu.memory_space<vmem>>, vector<8x128xf32>
    %get3A_17 = arith.constant 0 : index
    %get3A_18 = arith.constant 0 : index
    %get3A_19 = vector.load %arg4[%get3A_17, %get3A_18] : memref<64x128xf32, #tpu.memory_space<vmem>>, vector<64x128xf32>
    %broadcast_in_dim3A_20 = vector.shape_cast %get3A_16 : vector<8x128xf32> to vector<8x1x128xf32>
    %broadcast_in_dim3A_21 = vector.shape_cast %get3A_19 : vector<64x128xf32> to vector<1x64x128xf32>
    %sub3A_22 = vector.broadcast %broadcast_in_dim3A_20 : vector<8x1x128xf32> to vector<8x64x128xf32>
    %sub3A_23 = vector.broadcast %broadcast_in_dim3A_21 : vector<1x64x128xf32> to vector<8x64x128xf32>
    %sub3A_24 = arith.subf %sub3A_22, %sub3A_23 : vector<8x64x128xf32>
    %abs3A_25 = math.absf %sub3A_24 : vector<8x64x128xf32>
    %reduce_min3A_26 = arith.constant dense<0x7F800000> : vector<8x128xf32>
    %reduce_min3A_27 = vector.multi_reduction <minimumf>, %abs3A_25, %reduce_min3A_26 [1] : vector<8x64x128xf32> to vector<8x128xf32>
    %broadcast_in_dim3A_28 = vector.shape_cast %reduce_min3A_27 : vector<8x128xf32> to vector<8x1x128xf32>
    %iota3A_29 = tpu.iota {dimensions = array<i32: 1>} : vector<8x64x128xi32>
    %eq3A_30 = vector.broadcast %broadcast_in_dim3A_28 : vector<8x1x128xf32> to vector<8x64x128xf32>
    %eq3A_31 = arith.cmpf oeq, %abs3A_25, %eq3A_30 : vector<8x64x128xf32>
    %jit3A_32 = arith.constant 64 : i32
    %broadcast_in_dim3A_33 = vector.broadcast %jit3A_32 : i32 to vector<8x64x128xi32>
    %select_n3A_34 = arith.select %eq3A_31, %iota3A_29, %broadcast_in_dim3A_33 : vector<8x64x128xi1>, vector<8x64x128xi32>
    %reduce_min3A_35 = arith.constant dense<2147483647> : vector<8x128xi32>
    %reduce_min3A_36 = vector.multi_reduction <minsi>, %select_n3A_34, %reduce_min3A_35 [1] : vector<8x64x128xi32> to vector<8x128xi32>
    %mul3A = arith.constant 64 : i32
    %mul3A_37 = vector.broadcast %mul3A : i32 to vector<8x128xi32>
    %mul3A_38 = arith.muli %reduce_min3A_13, %mul3A_37 : vector<8x128xi32>
    %add3A = arith.addi %mul3A_38, %reduce_min3A_36 : vector<8x128xi32>
    %jit3A_39 = arith.constant 8 : i32
    %div3A = arith.divsi %arg0, %jit3A_39 : i32
    %sign3A = arith.constant 0 : i32
    %sign3A_40 = arith.cmpi sgt, %arg0, %sign3A : i32
    %sign3A_41 = arith.extui %sign3A_40 : i1 to i32
    %sign3A_42 = arith.constant 0 : i32
    %sign3A_43 = arith.cmpi slt, %arg0, %sign3A_42 : i32
    %sign3A_44 = arith.extui %sign3A_43 : i1 to i32
    %sign3A_45 = arith.subi %sign3A_41, %sign3A_44 : i32
    %sign3A_46 = arith.constant 0 : i32
    %sign3A_47 = arith.cmpi sgt, %jit3A_39, %sign3A_46 : i32
    %sign3A_48 = arith.extui %sign3A_47 : i1 to i32
    %sign3A_49 = arith.constant 0 : i32
    %sign3A_50 = arith.cmpi slt, %jit3A_39, %sign3A_49 : i32
    %sign3A_51 = arith.extui %sign3A_50 : i1 to i32
    %sign3A_52 = arith.subi %sign3A_48, %sign3A_51 : i32
    %ne3A = arith.cmpi ne, %sign3A_45, %sign3A_52 : i32
    %rem3A = arith.remsi %arg0, %jit3A_39 : i32
    %ne3A_53 = arith.constant 0 : i32
    %ne3A_54 = arith.cmpi ne, %rem3A, %ne3A_53 : i32
    %and3A = arith.andi %ne3A, %ne3A_54 : i1
    %sub3A_55 = arith.constant 1 : i32
    %sub3A_56 = arith.subi %div3A, %sub3A_55 : i32
    %select_n3A_57 = arith.select %and3A, %sub3A_56, %div3A : i32
    %swap3A = arith.constant 0 : index
    %swap3A_58 = arith.constant 0 : index
    %swap3A_59 = vector.load %arg5[%swap3A, %swap3A_58] : memref<8x128xi32, #tpu.memory_space<vmem>>, vector<8x128xi32>
    tpu.vector_store %arg5[%swap3A, %swap3A_58], %add3A {strides = array<i32>} : memref<8x128xi32, #tpu.memory_space<vmem>>, vector<8x128xi32>,
    %jit3A_60 = arith.constant 2 : i32
    %eq3A_61 = arith.constant 0 : i32
    %eq3A_62 = arith.cmpi eq, %jit3A_60, %eq3A_61 : i32
    %jit3A_63 = arith.constant 1 : i32
    %select_n3A_64 = arith.select %eq3A_62, %jit3A_63, %jit3A_60 : i32
    %rem3A_65 = arith.remsi %select_n3A_57, %select_n3A_64 : i32
    %ne3A_66 = arith.constant 0 : i32
    %ne3A_67 = arith.cmpi ne, %rem3A_65, %ne3A_66 : i32
    %lt3A = arith.constant 0 : i32
    %lt3A_68 = arith.cmpi slt, %rem3A_65, %lt3A : i32
    %lt3A_69 = arith.constant 0 : i32
    %lt3A_70 = arith.cmpi slt, %select_n3A_64, %lt3A_69 : i32
    %ne3A_71 = arith.xori %lt3A_68, %lt3A_70 : i1
    %and3A_72 = arith.andi %ne3A_71, %ne3A_67 : i1
    %add3A_73 = arith.addi %rem3A_65, %select_n3A_64 : i32
    %select_n3A_74 = arith.select %and3A_72, %add3A_73, %rem3A_65 : i32
    %mul3A_75 = arith.constant 4096 : i32
    %mul3A_76 = arith.muli %select_n3A_74, %mul3A_75 : i32
    %add3A_77 = vector.broadcast %mul3A_76 : i32 to vector<8x128xi32>
    %add3A_78 = arith.addi %add3A, %add3A_77 : vector<8x128xi32>
    %swap3A_79 = arith.constant 0 : index
    %swap3A_80 = arith.constant 0 : index
    %swap3A_81 = vector.load %arg6[%swap3A_79, %swap3A_80] : memref<8x128xi32, #tpu.memory_space<vmem>>, vector<8x128xi32>
    tpu.vector_store %arg6[%swap3A_79, %swap3A_80], %add3A_78 {strides = array<i32>} : memref<8x128xi32, #tpu.memory_space<vmem>>, vector<8x128xi32>,
    return
  }
  func.func @transform_0(%arg0: i32) -> (i32, i32) {
    %c0_i32 = arith.constant 0 : i32
    %c0_i32_0 = arith.constant 0 : i32
    return %arg0, %c0_i32 : i32, i32
  }
  func.func @transform_1(%arg0: i32) -> (i32, i32) {
    %c0_i32 = arith.constant 0 : i32
    %c0_i32_0 = arith.constant 0 : i32
    return %arg0, %c0_i32 : i32, i32
  }
  func.func @transform_2(%arg0: i32) -> (i32, i32) {
    %c0_i32 = arith.constant 0 : i32
    %c0_i32_0 = arith.constant 0 : i32
    %c0_i32_1 = arith.constant 0 : i32
    return %c0_i32, %c0_i32_0 : i32, i32
  }
  func.func @transform_3(%arg0: i32) -> (i32, i32) {
    %c0_i32 = arith.constant 0 : i32
    %c0_i32_0 = arith.constant 0 : i32
    %c0_i32_1 = arith.constant 0 : i32
    return %c0_i32, %c0_i32_0 : i32, i32
  }
  func.func @transform_4(%arg0: i32) -> (i32, i32) {
    %c0_i32 = arith.constant 0 : i32
    %c0_i32_0 = arith.constant 0 : i32
    return %arg0, %c0_i32 : i32, i32
  }
  func.func @transform_5(%arg0: i32) -> (i32, i32) {
    %c0_i32 = arith.constant 0 : i32
    %c0_i32_0 = arith.constant 0 : i32
    return %arg0, %c0_i32 : i32, i32
  }
}

module attributes {stable_mosaic.version = 14 : i64} {
  func.func @_pay_body(%arg0: i32, %arg1: memref<1024x128xf32, #tpu.memory_space<vmem>>, %arg2: memref<1024x128xf32, #tpu.memory_space<vmem>>, %arg3: memref<128x128xf32, #tpu.memory_space<vmem>>, %arg4: memref<128x128xf32, #tpu.memory_space<vmem>>, %arg5: memref<1024x128xf32, #tpu.memory_space<vmem>>, %arg6: memref<1024x128xf32, #tpu.memory_space<vmem>>) attributes {dimension_semantics = [#tpu.dimension_semantics<arbitrary>], iteration_bounds = array<i64: 32>, scalar_prefetch = 0 : i64, scratch_operands = 0 : i64, tpu.core_type = #tpu.core_type<tc>, window_params = [{transform_indices = @transform_0, window_bounds = array<i64: 1024, 128>}, {transform_indices = @transform_1, window_bounds = array<i64: 1024, 128>}, {pipeline_mode = #tpu.pipeline_mode<synchronous>, transform_indices = @transform_2, window_bounds = array<i64: 128, 128>}, {pipeline_mode = #tpu.pipeline_mode<synchronous>, transform_indices = @transform_3, window_bounds = array<i64: 128, 128>}, {transform_indices = @transform_4, window_bounds = array<i64: 1024, 128>}, {transform_indices = @transform_5, window_bounds = array<i64: 1024, 128>}]} {
    %get3A = arith.constant 0 : index
    %get3A_0 = arith.constant 0 : index
    %get3A_1 = vector.load %arg1[%get3A, %get3A_0] : memref<1024x128xf32, #tpu.memory_space<vmem>>, vector<1024x128xf32>
    %get3A_2 = arith.constant 0 : index
    %get3A_3 = arith.constant 0 : index
    %get3A_4 = vector.load %arg2[%get3A_2, %get3A_3] : memref<1024x128xf32, #tpu.memory_space<vmem>>, vector<1024x128xf32>
    %get3A_5 = arith.constant 0 : index
    %get3A_6 = arith.constant 0 : index
    %get3A_7 = vector.load %arg3[%get3A_5, %get3A_6] : memref<128x128xf32, #tpu.memory_space<vmem>>, vector<128x128xf32>
    %dot_general3A = arith.constant dense<0.000000e+00> : vector<1024x128xf32>
    %dot_general3A_8 = tpu.matmul %get3A_4, %get3A_7, %dot_general3A {dimension_numbers = #tpu.dot_dimension_numbers<[1], [0], [0], [1], [0, 0, 1, 1], [], []>, transpose_lhs_hint = false} : vector<1024x128xf32>, vector<128x128xf32>, vector<1024x128xf32> -> vector<1024x128xf32>
    %get3A_9 = arith.constant 0 : index
    %get3A_10 = arith.constant 0 : index
    %get3A_11 = vector.load %arg4[%get3A_9, %get3A_10] : memref<128x128xf32, #tpu.memory_space<vmem>>, vector<128x128xf32>
    %dot_general3A_12 = arith.constant dense<0.000000e+00> : vector<1024x128xf32>
    %dot_general3A_13 = tpu.matmul %get3A_4, %get3A_11, %dot_general3A_12 {dimension_numbers = #tpu.dot_dimension_numbers<[1], [0], [0], [1], [0, 0, 1, 1], [], []>, transpose_lhs_hint = false} : vector<1024x128xf32>, vector<128x128xf32>, vector<1024x128xf32> -> vector<1024x128xf32>
    %mul3A = arith.mulf %get3A_1, %dot_general3A_8 : vector<1024x128xf32>
    %iota3A = tpu.iota {dimensions = array<i32: 0>} : vector<128x128xi32>
    %jit3A = arith.constant 16 : i32
    %div3A = vector.broadcast %jit3A : i32 to vector<128x128xi32>
    %div3A_14 = arith.divsi %iota3A, %div3A : vector<128x128xi32>
    %sign3A = arith.constant 0 : i32
    %sign3A_15 = vector.broadcast %sign3A : i32 to vector<128x128xi32>
    %sign3A_16 = arith.cmpi sgt, %iota3A, %sign3A_15 : vector<128x128xi32>
    %sign3A_17 = arith.extui %sign3A_16 : vector<128x128xi1> to vector<128x128xi32>
    %sign3A_18 = arith.constant 0 : i32
    %sign3A_19 = vector.broadcast %sign3A_18 : i32 to vector<128x128xi32>
    %sign3A_20 = arith.cmpi slt, %iota3A, %sign3A_19 : vector<128x128xi32>
    %sign3A_21 = arith.extui %sign3A_20 : vector<128x128xi1> to vector<128x128xi32>
    %sign3A_22 = arith.subi %sign3A_17, %sign3A_21 : vector<128x128xi32>
    %sign3A_23 = arith.constant 0 : i32
    %sign3A_24 = arith.cmpi sgt, %jit3A, %sign3A_23 : i32
    %sign3A_25 = arith.extui %sign3A_24 : i1 to i32
    %sign3A_26 = arith.constant 0 : i32
    %sign3A_27 = arith.cmpi slt, %jit3A, %sign3A_26 : i32
    %sign3A_28 = arith.extui %sign3A_27 : i1 to i32
    %sign3A_29 = arith.subi %sign3A_25, %sign3A_28 : i32
    %ne3A = vector.broadcast %sign3A_29 : i32 to vector<128x128xi32>
    %ne3A_30 = arith.cmpi ne, %sign3A_22, %ne3A : vector<128x128xi32>
    %rem3A = vector.broadcast %jit3A : i32 to vector<128x128xi32>
    %rem3A_31 = arith.remsi %iota3A, %rem3A : vector<128x128xi32>
    %ne3A_32 = arith.constant 0 : i32
    %ne3A_33 = vector.broadcast %ne3A_32 : i32 to vector<128x128xi32>
    %ne3A_34 = arith.cmpi ne, %rem3A_31, %ne3A_33 : vector<128x128xi32>
    %and3A = arith.andi %ne3A_30, %ne3A_34 : vector<128x128xi1>
    %sub3A = arith.constant 1 : i32
    %sub3A_35 = vector.broadcast %sub3A : i32 to vector<128x128xi32>
    %sub3A_36 = arith.subi %div3A_14, %sub3A_35 : vector<128x128xi32>
    %select_n3A = arith.select %and3A, %sub3A_36, %div3A_14 : vector<128x128xi1>, vector<128x128xi32>
    %iota3A_37 = tpu.iota {dimensions = array<i32: 1>} : vector<128x128xi32>
    %jit3A_38 = arith.constant 16 : i32
    %div3A_39 = vector.broadcast %jit3A_38 : i32 to vector<128x128xi32>
    %div3A_40 = arith.divsi %iota3A_37, %div3A_39 : vector<128x128xi32>
    %sign3A_41 = arith.constant 0 : i32
    %sign3A_42 = vector.broadcast %sign3A_41 : i32 to vector<128x128xi32>
    %sign3A_43 = arith.cmpi sgt, %iota3A_37, %sign3A_42 : vector<128x128xi32>
    %sign3A_44 = arith.extui %sign3A_43 : vector<128x128xi1> to vector<128x128xi32>
    %sign3A_45 = arith.constant 0 : i32
    %sign3A_46 = vector.broadcast %sign3A_45 : i32 to vector<128x128xi32>
    %sign3A_47 = arith.cmpi slt, %iota3A_37, %sign3A_46 : vector<128x128xi32>
    %sign3A_48 = arith.extui %sign3A_47 : vector<128x128xi1> to vector<128x128xi32>
    %sign3A_49 = arith.subi %sign3A_44, %sign3A_48 : vector<128x128xi32>
    %sign3A_50 = arith.constant 0 : i32
    %sign3A_51 = arith.cmpi sgt, %jit3A_38, %sign3A_50 : i32
    %sign3A_52 = arith.extui %sign3A_51 : i1 to i32
    %sign3A_53 = arith.constant 0 : i32
    %sign3A_54 = arith.cmpi slt, %jit3A_38, %sign3A_53 : i32
    %sign3A_55 = arith.extui %sign3A_54 : i1 to i32
    %sign3A_56 = arith.subi %sign3A_52, %sign3A_55 : i32
    %ne3A_57 = vector.broadcast %sign3A_56 : i32 to vector<128x128xi32>
    %ne3A_58 = arith.cmpi ne, %sign3A_49, %ne3A_57 : vector<128x128xi32>
    %rem3A_59 = vector.broadcast %jit3A_38 : i32 to vector<128x128xi32>
    %rem3A_60 = arith.remsi %iota3A_37, %rem3A_59 : vector<128x128xi32>
    %ne3A_61 = arith.constant 0 : i32
    %ne3A_62 = vector.broadcast %ne3A_61 : i32 to vector<128x128xi32>
    %ne3A_63 = arith.cmpi ne, %rem3A_60, %ne3A_62 : vector<128x128xi32>
    %and3A_64 = arith.andi %ne3A_58, %ne3A_63 : vector<128x128xi1>
    %sub3A_65 = arith.constant 1 : i32
    %sub3A_66 = vector.broadcast %sub3A_65 : i32 to vector<128x128xi32>
    %sub3A_67 = arith.subi %div3A_40, %sub3A_66 : vector<128x128xi32>
    %select_n3A_68 = arith.select %and3A_64, %sub3A_67, %div3A_40 : vector<128x128xi1>, vector<128x128xi32>
    %eq3A = arith.cmpi eq, %select_n3A, %select_n3A_68 : vector<128x128xi32>
    %convert_element_type3A = arith.extui %eq3A : vector<128x128xi1> to vector<128x128xi32>
    %convert_element_type3A_69 = arith.sitofp %convert_element_type3A : vector<128x128xi32> to vector<128x128xf32>
    %dot_general3A_70 = arith.constant dense<0.000000e+00> : vector<1024x128xf32>
    %dot_general3A_71 = tpu.matmul %mul3A, %convert_element_type3A_69, %dot_general3A_70 {dimension_numbers = #tpu.dot_dimension_numbers<[1], [0], [0], [1], [0, 0, 1, 1], [], []>, transpose_lhs_hint = false} : vector<1024x128xf32>, vector<128x128xf32>, vector<1024x128xf32> -> vector<1024x128xf32>
    %mul3A_72 = arith.constant 2.500000e-01 : f32
    %mul3A_73 = vector.broadcast %mul3A_72 : f32 to vector<1024x128xf32>
    %mul3A_74 = arith.mulf %dot_general3A_71, %mul3A_73 : vector<1024x128xf32>
    %exp3A = math.exp %mul3A_74 : vector<1024x128xf32>
    %mul3A_75 = arith.mulf %exp3A, %dot_general3A_13 : vector<1024x128xf32>
    %swap3A = arith.constant 0 : index
    %swap3A_76 = arith.constant 0 : index
    %swap3A_77 = vector.load %arg5[%swap3A, %swap3A_76] : memref<1024x128xf32, #tpu.memory_space<vmem>>, vector<1024x128xf32>
    tpu.vector_store %arg5[%swap3A, %swap3A_76], %mul3A_75 {strides = array<i32>} : memref<1024x128xf32, #tpu.memory_space<vmem>>, vector<1024x128xf32>,
    %swap3A_78 = arith.constant 0 : index
    %swap3A_79 = arith.constant 0 : index
    %swap3A_80 = vector.load %arg6[%swap3A_78, %swap3A_79] : memref<1024x128xf32, #tpu.memory_space<vmem>>, vector<1024x128xf32>
    tpu.vector_store %arg6[%swap3A_78, %swap3A_79], %exp3A {strides = array<i32>} : memref<1024x128xf32, #tpu.memory_space<vmem>>, vector<1024x128xf32>,
    return
  }
  func.func @transform_0(%arg0: i32) -> (i32, i32) {
    %c0_i32 = arith.constant 0 : i32
    %c0_i32_0 = arith.constant 0 : i32
    return %arg0, %c0_i32 : i32, i32
  }
  func.func @transform_1(%arg0: i32) -> (i32, i32) {
    %c0_i32 = arith.constant 0 : i32
    %c0_i32_0 = arith.constant 0 : i32
    return %arg0, %c0_i32 : i32, i32
  }
  func.func @transform_2(%arg0: i32) -> (i32, i32) {
    %c0_i32 = arith.constant 0 : i32
    %c0_i32_0 = arith.constant 0 : i32
    %c0_i32_1 = arith.constant 0 : i32
    return %c0_i32, %c0_i32_0 : i32, i32
  }
  func.func @transform_3(%arg0: i32) -> (i32, i32) {
    %c0_i32 = arith.constant 0 : i32
    %c0_i32_0 = arith.constant 0 : i32
    %c0_i32_1 = arith.constant 0 : i32
    return %c0_i32, %c0_i32_0 : i32, i32
  }
  func.func @transform_4(%arg0: i32) -> (i32, i32) {
    %c0_i32 = arith.constant 0 : i32
    %c0_i32_0 = arith.constant 0 : i32
    return %arg0, %c0_i32 : i32, i32
  }
  func.func @transform_5(%arg0: i32) -> (i32, i32) {
    %c0_i32 = arith.constant 0 : i32
    %c0_i32_0 = arith.constant 0 : i32
    return %arg0, %c0_i32 : i32, i32
  }
}

module attributes {stable_mosaic.version = 14 : i64} {
  func.func @_fin_body(%arg0: i32, %arg1: memref<1024x128xf32, #tpu.memory_space<vmem>>, %arg2: memref<1024x128xf32, #tpu.memory_space<vmem>>, %arg3: memref<1024x128xf32, #tpu.memory_space<vmem>>, %arg4: memref<1024x128xf32, #tpu.memory_space<vmem>>, %arg5: memref<128x128xf32, #tpu.memory_space<vmem>>, %arg6: memref<1024x128xf32, #tpu.memory_space<vmem>>) attributes {dimension_semantics = [#tpu.dimension_semantics<arbitrary>], iteration_bounds = array<i64: 16>, scalar_prefetch = 0 : i64, scratch_operands = 0 : i64, tpu.core_type = #tpu.core_type<tc>, window_params = [{transform_indices = @transform_0, window_bounds = array<i64: 1024, 128>}, {transform_indices = @transform_1, window_bounds = array<i64: 1024, 128>}, {transform_indices = @transform_2, window_bounds = array<i64: 1024, 128>}, {transform_indices = @transform_3, window_bounds = array<i64: 1024, 128>}, {pipeline_mode = #tpu.pipeline_mode<synchronous>, transform_indices = @transform_4, window_bounds = array<i64: 128, 128>}, {transform_indices = @transform_5, window_bounds = array<i64: 1024, 128>}]} {
    %get3A = arith.constant 0 : index
    %get3A_0 = arith.constant 0 : index
    %get3A_1 = vector.load %arg1[%get3A, %get3A_0] : memref<1024x128xf32, #tpu.memory_space<vmem>>, vector<1024x128xf32>
    %get3A_2 = arith.constant 0 : index
    %get3A_3 = arith.constant 0 : index
    %get3A_4 = vector.load %arg3[%get3A_2, %get3A_3] : memref<1024x128xf32, #tpu.memory_space<vmem>>, vector<1024x128xf32>
    %add3A = arith.addf %get3A_1, %get3A_4 : vector<1024x128xf32>
    %get3A_5 = arith.constant 0 : index
    %get3A_6 = arith.constant 0 : index
    %get3A_7 = vector.load %arg2[%get3A_5, %get3A_6] : memref<1024x128xf32, #tpu.memory_space<vmem>>, vector<1024x128xf32>
    %get3A_8 = arith.constant 0 : index
    %get3A_9 = arith.constant 0 : index
    %get3A_10 = vector.load %arg4[%get3A_8, %get3A_9] : memref<1024x128xf32, #tpu.memory_space<vmem>>, vector<1024x128xf32>
    %add3A_11 = arith.addf %get3A_7, %get3A_10 : vector<1024x128xf32>
    %div3A = arith.divf %add3A, %add3A_11 : vector<1024x128xf32>
    %get3A_12 = arith.constant 0 : index
    %get3A_13 = arith.constant 0 : index
    %get3A_14 = vector.load %arg5[%get3A_12, %get3A_13] : memref<128x128xf32, #tpu.memory_space<vmem>>, vector<128x128xf32>
    %dot_general3A = arith.constant dense<0.000000e+00> : vector<1024x128xf32>
    %dot_general3A_15 = tpu.matmul %div3A, %get3A_14, %dot_general3A {dimension_numbers = #tpu.dot_dimension_numbers<[1], [0], [0], [1], [0, 0, 1, 1], [], []>, transpose_lhs_hint = false} : vector<1024x128xf32>, vector<128x128xf32>, vector<1024x128xf32> -> vector<1024x128xf32>
    %swap3A = arith.constant 0 : index
    %swap3A_16 = arith.constant 0 : index
    %swap3A_17 = vector.load %arg6[%swap3A, %swap3A_16] : memref<1024x128xf32, #tpu.memory_space<vmem>>, vector<1024x128xf32>
    tpu.vector_store %arg6[%swap3A, %swap3A_16], %dot_general3A_15 {strides = array<i32>} : memref<1024x128xf32, #tpu.memory_space<vmem>>, vector<1024x128xf32>,
    return
  }
  func.func @transform_0(%arg0: i32) -> (i32, i32) {
    %c0_i32 = arith.constant 0 : i32
    %c0_i32_0 = arith.constant 0 : i32
    return %arg0, %c0_i32 : i32, i32
  }
  func.func @transform_1(%arg0: i32) -> (i32, i32) {
    %c0_i32 = arith.constant 0 : i32
    %c0_i32_0 = arith.constant 0 : i32
    return %arg0, %c0_i32 : i32, i32
  }
  func.func @transform_2(%arg0: i32) -> (i32, i32) {
    %c0_i32 = arith.constant 0 : i32
    %c0_i32_0 = arith.constant 0 : i32
    return %arg0, %c0_i32 : i32, i32
  }
  func.func @transform_3(%arg0: i32) -> (i32, i32) {
    %c0_i32 = arith.constant 0 : i32
    %c0_i32_0 = arith.constant 0 : i32
    return %arg0, %c0_i32 : i32, i32
  }
  func.func @transform_4(%arg0: i32) -> (i32, i32) {
    %c0_i32 = arith.constant 0 : i32
    %c0_i32_0 = arith.constant 0 : i32
    %c0_i32_1 = arith.constant 0 : i32
    return %c0_i32, %c0_i32_0 : i32, i32
  }
  func.func @transform_5(%arg0: i32) -> (i32, i32) {
    %c0_i32 = arith.constant 0 : i32
    %c0_i32_0 = arith.constant 0 : i32
    return %arg0, %c0_i32 : i32, i32
  }
}

module attributes {stable_mosaic.version = 14 : i64} {
  func.func @_pre_body(%arg0: i32, %arg1: memref<1024x128xf32, #tpu.memory_space<vmem>>, %arg2: memref<1024x128xf32, #tpu.memory_space<vmem>>, %arg3: memref<128x128xf32, #tpu.memory_space<vmem>>, %arg4: memref<128x128xf32, #tpu.memory_space<vmem>>, %arg5: memref<128x128xf32, #tpu.memory_space<vmem>>, %arg6: memref<1024x128xf32, #tpu.memory_space<vmem>>, %arg7: memref<1024x128xf32, #tpu.memory_space<vmem>>) attributes {dimension_semantics = [#tpu.dimension_semantics<arbitrary>], iteration_bounds = array<i64: 16>, scalar_prefetch = 0 : i64, scratch_operands = 0 : i64, tpu.core_type = #tpu.core_type<tc>, window_params = [{transform_indices = @transform_0, window_bounds = array<i64: 1024, 128>}, {transform_indices = @transform_1, window_bounds = array<i64: 1024, 128>}, {pipeline_mode = #tpu.pipeline_mode<synchronous>, transform_indices = @transform_2, window_bounds = array<i64: 128, 128>}, {pipeline_mode = #tpu.pipeline_mode<synchronous>, transform_indices = @transform_3, window_bounds = array<i64: 128, 128>}, {pipeline_mode = #tpu.pipeline_mode<synchronous>, transform_indices = @transform_4, window_bounds = array<i64: 128, 128>}, {transform_indices = @transform_5, window_bounds = array<i64: 1024, 128>}, {transform_indices = @transform_6, window_bounds = array<i64: 1024, 128>}]} {
    %get3A = arith.constant 0 : index
    %get3A_0 = arith.constant 0 : index
    %get3A_1 = vector.load %arg1[%get3A, %get3A_0] : memref<1024x128xf32, #tpu.memory_space<vmem>>, vector<1024x128xf32>
    %get3A_2 = arith.constant 0 : index
    %get3A_3 = arith.constant 0 : index
    %get3A_4 = vector.load %arg3[%get3A_2, %get3A_3] : memref<128x128xf32, #tpu.memory_space<vmem>>, vector<128x128xf32>
    %dot_general3A = arith.constant dense<0.000000e+00> : vector<1024x128xf32>
    %dot_general3A_5 = tpu.matmul %get3A_1, %get3A_4, %dot_general3A {dimension_numbers = #tpu.dot_dimension_numbers<[1], [0], [0], [1], [0, 0, 1, 1], [], []>, transpose_lhs_hint = false} : vector<1024x128xf32>, vector<128x128xf32>, vector<1024x128xf32> -> vector<1024x128xf32>
    %get3A_6 = arith.constant 0 : index
    %get3A_7 = arith.constant 0 : index
    %get3A_8 = vector.load %arg2[%get3A_6, %get3A_7] : memref<1024x128xf32, #tpu.memory_space<vmem>>, vector<1024x128xf32>
    %get3A_9 = arith.constant 0 : index
    %get3A_10 = arith.constant 0 : index
    %get3A_11 = vector.load %arg4[%get3A_9, %get3A_10] : memref<128x128xf32, #tpu.memory_space<vmem>>, vector<128x128xf32>
    %dot_general3A_12 = arith.constant dense<0.000000e+00> : vector<1024x128xf32>
    %dot_general3A_13 = tpu.matmul %get3A_8, %get3A_11, %dot_general3A_12 {dimension_numbers = #tpu.dot_dimension_numbers<[1], [0], [0], [1], [0, 0, 1, 1], [], []>, transpose_lhs_hint = false} : vector<1024x128xf32>, vector<128x128xf32>, vector<1024x128xf32> -> vector<1024x128xf32>
    %get3A_14 = arith.constant 0 : index
    %get3A_15 = arith.constant 0 : index
    %get3A_16 = vector.load %arg5[%get3A_14, %get3A_15] : memref<128x128xf32, #tpu.memory_space<vmem>>, vector<128x128xf32>
    %dot_general3A_17 = arith.constant dense<0.000000e+00> : vector<1024x128xf32>
    %dot_general3A_18 = tpu.matmul %get3A_8, %get3A_16, %dot_general3A_17 {dimension_numbers = #tpu.dot_dimension_numbers<[1], [0], [0], [1], [0, 0, 1, 1], [], []>, transpose_lhs_hint = false} : vector<1024x128xf32>, vector<128x128xf32>, vector<1024x128xf32> -> vector<1024x128xf32>
    %mul3A = arith.mulf %dot_general3A_5, %dot_general3A_13 : vector<1024x128xf32>
    %iota3A = tpu.iota {dimensions = array<i32: 0>} : vector<128x128xi32>
    %jit3A = arith.constant 16 : i32
    %div3A = vector.broadcast %jit3A : i32 to vector<128x128xi32>
    %div3A_19 = arith.divsi %iota3A, %div3A : vector<128x128xi32>
    %sign3A = arith.constant 0 : i32
    %sign3A_20 = vector.broadcast %sign3A : i32 to vector<128x128xi32>
    %sign3A_21 = arith.cmpi sgt, %iota3A, %sign3A_20 : vector<128x128xi32>
    %sign3A_22 = arith.extui %sign3A_21 : vector<128x128xi1> to vector<128x128xi32>
    %sign3A_23 = arith.constant 0 : i32
    %sign3A_24 = vector.broadcast %sign3A_23 : i32 to vector<128x128xi32>
    %sign3A_25 = arith.cmpi slt, %iota3A, %sign3A_24 : vector<128x128xi32>
    %sign3A_26 = arith.extui %sign3A_25 : vector<128x128xi1> to vector<128x128xi32>
    %sign3A_27 = arith.subi %sign3A_22, %sign3A_26 : vector<128x128xi32>
    %sign3A_28 = arith.constant 0 : i32
    %sign3A_29 = arith.cmpi sgt, %jit3A, %sign3A_28 : i32
    %sign3A_30 = arith.extui %sign3A_29 : i1 to i32
    %sign3A_31 = arith.constant 0 : i32
    %sign3A_32 = arith.cmpi slt, %jit3A, %sign3A_31 : i32
    %sign3A_33 = arith.extui %sign3A_32 : i1 to i32
    %sign3A_34 = arith.subi %sign3A_30, %sign3A_33 : i32
    %ne3A = vector.broadcast %sign3A_34 : i32 to vector<128x128xi32>
    %ne3A_35 = arith.cmpi ne, %sign3A_27, %ne3A : vector<128x128xi32>
    %rem3A = vector.broadcast %jit3A : i32 to vector<128x128xi32>
    %rem3A_36 = arith.remsi %iota3A, %rem3A : vector<128x128xi32>
    %ne3A_37 = arith.constant 0 : i32
    %ne3A_38 = vector.broadcast %ne3A_37 : i32 to vector<128x128xi32>
    %ne3A_39 = arith.cmpi ne, %rem3A_36, %ne3A_38 : vector<128x128xi32>
    %and3A = arith.andi %ne3A_35, %ne3A_39 : vector<128x128xi1>
    %sub3A = arith.constant 1 : i32
    %sub3A_40 = vector.broadcast %sub3A : i32 to vector<128x128xi32>
    %sub3A_41 = arith.subi %div3A_19, %sub3A_40 : vector<128x128xi32>
    %select_n3A = arith.select %and3A, %sub3A_41, %div3A_19 : vector<128x128xi1>, vector<128x128xi32>
    %iota3A_42 = tpu.iota {dimensions = array<i32: 1>} : vector<128x128xi32>
    %jit3A_43 = arith.constant 16 : i32
    %div3A_44 = vector.broadcast %jit3A_43 : i32 to vector<128x128xi32>
    %div3A_45 = arith.divsi %iota3A_42, %div3A_44 : vector<128x128xi32>
    %sign3A_46 = arith.constant 0 : i32
    %sign3A_47 = vector.broadcast %sign3A_46 : i32 to vector<128x128xi32>
    %sign3A_48 = arith.cmpi sgt, %iota3A_42, %sign3A_47 : vector<128x128xi32>
    %sign3A_49 = arith.extui %sign3A_48 : vector<128x128xi1> to vector<128x128xi32>
    %sign3A_50 = arith.constant 0 : i32
    %sign3A_51 = vector.broadcast %sign3A_50 : i32 to vector<128x128xi32>
    %sign3A_52 = arith.cmpi slt, %iota3A_42, %sign3A_51 : vector<128x128xi32>
    %sign3A_53 = arith.extui %sign3A_52 : vector<128x128xi1> to vector<128x128xi32>
    %sign3A_54 = arith.subi %sign3A_49, %sign3A_53 : vector<128x128xi32>
    %sign3A_55 = arith.constant 0 : i32
    %sign3A_56 = arith.cmpi sgt, %jit3A_43, %sign3A_55 : i32
    %sign3A_57 = arith.extui %sign3A_56 : i1 to i32
    %sign3A_58 = arith.constant 0 : i32
    %sign3A_59 = arith.cmpi slt, %jit3A_43, %sign3A_58 : i32
    %sign3A_60 = arith.extui %sign3A_59 : i1 to i32
    %sign3A_61 = arith.subi %sign3A_57, %sign3A_60 : i32
    %ne3A_62 = vector.broadcast %sign3A_61 : i32 to vector<128x128xi32>
    %ne3A_63 = arith.cmpi ne, %sign3A_54, %ne3A_62 : vector<128x128xi32>
    %rem3A_64 = vector.broadcast %jit3A_43 : i32 to vector<128x128xi32>
    %rem3A_65 = arith.remsi %iota3A_42, %rem3A_64 : vector<128x128xi32>
    %ne3A_66 = arith.constant 0 : i32
    %ne3A_67 = vector.broadcast %ne3A_66 : i32 to vector<128x128xi32>
    %ne3A_68 = arith.cmpi ne, %rem3A_65, %ne3A_67 : vector<128x128xi32>
    %and3A_69 = arith.andi %ne3A_63, %ne3A_68 : vector<128x128xi1>
    %sub3A_70 = arith.constant 1 : i32
    %sub3A_71 = vector.broadcast %sub3A_70 : i32 to vector<128x128xi32>
    %sub3A_72 = arith.subi %div3A_45, %sub3A_71 : vector<128x128xi32>
    %select_n3A_73 = arith.select %and3A_69, %sub3A_72, %div3A_45 : vector<128x128xi1>, vector<128x128xi32>
    %eq3A = arith.cmpi eq, %select_n3A, %select_n3A_73 : vector<128x128xi32>
    %convert_element_type3A = arith.extui %eq3A : vector<128x128xi1> to vector<128x128xi32>
    %convert_element_type3A_74 = arith.sitofp %convert_element_type3A : vector<128x128xi32> to vector<128x128xf32>
    %dot_general3A_75 = arith.constant dense<0.000000e+00> : vector<1024x128xf32>
    %dot_general3A_76 = tpu.matmul %mul3A, %convert_element_type3A_74, %dot_general3A_75 {dimension_numbers = #tpu.dot_dimension_numbers<[1], [0], [0], [1], [0, 0, 1, 1], [], []>, transpose_lhs_hint = false} : vector<1024x128xf32>, vector<128x128xf32>, vector<1024x128xf32> -> vector<1024x128xf32>
    %mul3A_77 = arith.constant 2.500000e-01 : f32
    %mul3A_78 = vector.broadcast %mul3A_77 : f32 to vector<1024x128xf32>
    %mul3A_79 = arith.mulf %dot_general3A_76, %mul3A_78 : vector<1024x128xf32>
    %exp3A = math.exp %mul3A_79 : vector<1024x128xf32>
    %mul3A_80 = arith.mulf %exp3A, %dot_general3A_18 : vector<1024x128xf32>
    %swap3A = arith.constant 0 : index
    %swap3A_81 = arith.constant 0 : index
    %swap3A_82 = vector.load %arg6[%swap3A, %swap3A_81] : memref<1024x128xf32, #tpu.memory_space<vmem>>, vector<1024x128xf32>
    tpu.vector_store %arg6[%swap3A, %swap3A_81], %mul3A_80 {strides = array<i32>} : memref<1024x128xf32, #tpu.memory_space<vmem>>, vector<1024x128xf32>,
    %swap3A_83 = arith.constant 0 : index
    %swap3A_84 = arith.constant 0 : index
    %swap3A_85 = vector.load %arg7[%swap3A_83, %swap3A_84] : memref<1024x128xf32, #tpu.memory_space<vmem>>, vector<1024x128xf32>
    tpu.vector_store %arg7[%swap3A_83, %swap3A_84], %exp3A {strides = array<i32>} : memref<1024x128xf32, #tpu.memory_space<vmem>>, vector<1024x128xf32>,
    return
  }
  func.func @transform_0(%arg0: i32) -> (i32, i32) {
    %jit3A = arith.constant 4 : i32
    %eq3A = arith.constant 0 : i32
    %eq3A_0 = arith.cmpi eq, %jit3A, %eq3A : i32
    %jit3A_1 = arith.constant 1 : i32
    %select_n3A = arith.select %eq3A_0, %jit3A_1, %jit3A : i32
    %rem3A = arith.remsi %arg0, %select_n3A : i32
    %ne3A = arith.constant 0 : i32
    %ne3A_2 = arith.cmpi ne, %rem3A, %ne3A : i32
    %lt3A = arith.constant 0 : i32
    %lt3A_3 = arith.cmpi slt, %rem3A, %lt3A : i32
    %lt3A_4 = arith.constant 0 : i32
    %lt3A_5 = arith.cmpi slt, %select_n3A, %lt3A_4 : i32
    %ne3A_6 = arith.xori %lt3A_3, %lt3A_5 : i1
    %and3A = arith.andi %ne3A_6, %ne3A_2 : i1
    %add3A = arith.addi %rem3A, %select_n3A : i32
    %select_n3A_7 = arith.select %and3A, %add3A, %rem3A : i32
    %c0_i32 = arith.constant 0 : i32
    %c0_i32_8 = arith.constant 0 : i32
    return %select_n3A_7, %c0_i32 : i32, i32
  }
  func.func @transform_1(%arg0: i32) -> (i32, i32) {
    %c0_i32 = arith.constant 0 : i32
    %c0_i32_0 = arith.constant 0 : i32
    return %arg0, %c0_i32 : i32, i32
  }
  func.func @transform_2(%arg0: i32) -> (i32, i32) {
    %c0_i32 = arith.constant 0 : i32
    %c0_i32_0 = arith.constant 0 : i32
    %c0_i32_1 = arith.constant 0 : i32
    return %c0_i32, %c0_i32_0 : i32, i32
  }
  func.func @transform_3(%arg0: i32) -> (i32, i32) {
    %c0_i32 = arith.constant 0 : i32
    %c0_i32_0 = arith.constant 0 : i32
    %c0_i32_1 = arith.constant 0 : i32
    return %c0_i32, %c0_i32_0 : i32, i32
  }
  func.func @transform_4(%arg0: i32) -> (i32, i32) {
    %c0_i32 = arith.constant 0 : i32
    %c0_i32_0 = arith.constant 0 : i32
    %c0_i32_1 = arith.constant 0 : i32
    return %c0_i32, %c0_i32_0 : i32, i32
  }
  func.func @transform_5(%arg0: i32) -> (i32, i32) {
    %c0_i32 = arith.constant 0 : i32
    %c0_i32_0 = arith.constant 0 : i32
    return %arg0, %c0_i32 : i32, i32
  }
  func.func @transform_6(%arg0: i32) -> (i32, i32) {
    %c0_i32 = arith.constant 0 : i32
    %c0_i32_0 = arith.constant 0 : i32
    return %arg0, %c0_i32 : i32, i32
  }
}

</mosaic_0001>

<sc_bundles>
// kernel: kernel.12.cloned.1.call-start
scs
__scs_entry_jumppad:
0x0: {  	(pc) =	sbr.rel $0x88, $3  }
0x1: {  	(tag) =	ssettag $0x0;
	lr =	simm.s32 $0x1  }
0x2: {  	[smem:$0x3F98] =	sst lr;
	_ =	strace $0xD0000000  }
0x3: {  	_ = 	snop  }
0x4: {  	_ = 	snop  }
0x5: {  	_ = 	snop  }
0x6: {  	_ = 	snop  }
0x7: {  	_ = 	snop  }
__scs_overlays_trampoline_lowered:
0x8: {  	[smem:$0x3FA7] =	sst s0  }
0x9: {  	[smem:$0x3FA8] =	sst s1  }
0xa: {  	[smem:$0x3FA9] =	sst s2  }
0xb: {  	[smem:$0x3FAA] =	sst s3  }
0xc: {  	[smem:$0x3FAB] =	sst s4  }
0xd: {  	[smem:$0x3FAC] =	sst s5  }
0xe: {  	[smem:$0x3FAD] =	sst s6  }
0xf: {  	[smem:$0x3FAE] =	sst s7  }
0x10: {  	[smem:$0x3FAF] =	sst s8  }
0x11: {  	[smem:$0x3FB0] =	sst s9;
	s0 =	simm.s32 @!p0 $0x0  }
0x12: {  	s1 =	sld [smem:$0x3F96];
	s0 =	simm.s32 @p0 $0x1  }
0x13: {  	[smem:$0x3FB1] =	sst s0;
	s0 =	simm.s32 @!p1 $0x0  }
0x14: {  	s2 =	sld [smem:$0x3F95];
	s0 =	simm.s32 @p1 $0x1  }
0x15: {  	[smem:$0x3FB2] =	sst s0;
	s0 =	simm.s32 @!p2 $0x0  }
0x16: {  	s3 =	sld [smem:$0x3FDB];
	s0 =	simm.s32 @p2 $0x1  }
0x17: {  	s4 =	simm.s32 $0x1BF5;
	[smem:$0x3FB4] =	sst s0  }
0x18: {  	s0 =	sld [smem:$0x3F97];
	_ =	swait.ge [sflag:s4], $0x0  }
0x19: {  	s7 =	sld [smem:$0x3F98]  }
0x1a: {  	s8 =	sadd.s32 $0xFFFFE003, lr  }
0x1b: {  	s9 =	sadd.s32 $0xFFFFFEF7, lr;
	s5 =	simm.s32 $0xFFFFFFFF;
	p2 =	slt.u32 s8, $0xFFFFF086  }
0x1c: {  	p1 =	slt.u32 s9, $0xF7A;
	s5 =	simm.s32 @!p2 $0x0  }
0x1d: {  	s5 =	simm.s32 @p1 $0x1;
	p0 =	seq.s32 s7, s2  }
0x1e: {  	s7 =	smul.u32 @!p0 $0xF7A, s2;
	p2 =	seq.s32 @!p0 s5, $0x0  }
0x1f: {  	s9 =	smul.u32 $0xF7A, s1;
	s8 =	simm.s32 @!p0 $0x1BF5;
	p2 =	por !p2, p0  }
0x20: {  	[sflag:s8] =	ssyncset.s32 @!p0 $0xFFFFF086;
	s6 =	sadd.s32 @!p0 s3, s7;
	s7 =	simm.s32 @!p0 $0x108  }
0x21: {  	s3 =	sadd.s32 s3, s9;
	s6 =	sadd.s32 @!p0 $0x88, s6;
	s7 =	simm.s32 @p2 $0x1082  }
0x22: {  	[simem:s7], [sflag:s8] =	dma.local @!p0 [hbm:s6], $0xF7A  }
0x23: {  	s9 =	sor.u32 $0xD0000000, s2;
	s6 =	simm.s32 $0x108;
	_ =	swait.ge @!p0 [sflag:s8], $0x0  }
0x24: {  	s3 =	sadd.s32 $0x88, s3;
	s6 =	simm.s32 @!p1 $0x1082;
	[sflag:s4] =	ssyncset.s32 $0xFFFFF086  }
0x25: {  	[simem:s6], [sflag:s4] =	dma.local [hbm:s3], $0xF7A  }
0x26: {  	[smem:$0x3F98] =	sst s1;
	(tag) =	ssettag s2;
	_ =	strace s9  }
0x27: {  	s1 =	sld [smem:$0x3FA8]  }
0x28: {  	s2 =	sld [smem:$0x3FA9]  }
0x29: {  	s4 =	sld [smem:$0x3FAB]  }
0x2a: {  	p0 =	seq.s32 s5, $0x0;
	s5 =	sld [smem:$0x3FAC]  }
0x2b: {  	s6 =	sld [smem:$0x3FAD]  }
0x2c: {  	s7 =	sld [smem:$0x3FAE]  }
0x2d: {  	s3 =	simm.s32 $0x108;
	s8 =	sld [smem:$0x3FAF]  }
0x2e: {  	s3 =	simm.s32 @!p0 $0x1082;
	s9 =	sld [smem:$0x3FB0]  }
0x2f: {  	lr =	sadd.s32 s0, s3;
	s0 =	sld [smem:$0x3FA7]  }
0x30: {  	s3 =	sld [smem:$0x3FAA]  }
0x31: {  	[smem:$0x3FB3] =	sst s10  }
0x32: {  	s10 =	sld [smem:$0x3FB1];
	_ =	sdelay $0x3  }
0x33: {  	p0 =	seq.s32 s10, $0x1;
	s10 =	sld [smem:$0x3FB3];
	_ =	sdelay $0x3  }
0x34: {  	[smem:$0x3FB3] =	sst s10  }
0x35: {  	s10 =	sld [smem:$0x3FB2];
	_ =	sdelay $0x3  }
0x36: {  	p1 =	seq.s32 s10, $0x1;
	s10 =	sld [smem:$0x3FB3];
	_ =	sdelay $0x3  }
0x37: {  	[smem:$0x3FB3] =	sst s10  }
0x38: {  	s10 =	sld [smem:$0x3FB4]  }
0x39: {  	_ = 	snop;
	(pc) =	sbr.ind lr, $3  }
0x3a: {  	_ = 	snop  }
0x3b: {  	_ = 	snop  }
0x3c: {  	p2 =	seq.s32 s10, $0x1;
	s10 =	sld [smem:$0x3FB3]  }
0x3d: {  	_ =	shalt  }
0x3e: {  	_ =	shalt  }
0x3f: {  	_ =	shalt  }
0x40: {  	_ =	shalt  }
0x41: {  	_ =	shalt  }
0x42: {  	_ =	shalt  }
0x43: {  	_ =	shalt  }
0x44: {  	_ =	shalt  }
0x45: {  	_ =	shalt  }
0x46: {  	_ =	shalt  }
0x47: {  	_ =	shalt  }
0x48: {  	_ =	shalt  }
0x49: {  	_ =	shalt  }
0x4a: {  	_ =	shalt  }
0x4b: {  	_ =	shalt  }
0x4c: {  	_ =	shalt  }
0x4d: {  	_ =	shalt  }
0x4e: {  	_ =	shalt  }
0x4f: {  	_ =	shalt  }
0x50: {  	_ =	shalt  }
0x51: {  	_ =	shalt  }
0x52: {  	_ =	shalt  }
0x53: {  	_ =	shalt  }
0x54: {  	_ =	shalt  }
0x55: {  	_ =	shalt  }
0x56: {  	_ =	shalt  }
0x57: {  	_ =	shalt  }
0x58: {  	_ =	shalt  }
0x59: {  	_ =	shalt  }
0x5a: {  	_ =	shalt  }
0x5b: {  	_ =	shalt  }
0x5c: {  	_ =	shalt  }
0x5d: {  	_ =	shalt  }
0x5e: {  	_ =	shalt  }
0x5f: {  	_ =	shalt  }
0x60: {  	_ =	shalt  }
0x61: {  	_ =	shalt  }
0x62: {  	_ =	shalt  }
0x63: {  	_ =	shalt  }
0x64: {  	_ =	shalt  }
0x65: {  	_ =	shalt  }
0x66: {  	_ =	shalt  }
0x67: {  	_ =	shalt  }
0x68: {  	_ =	shalt  }
0x69: {  	_ =	shalt  }
0x6a: {  	_ =	shalt  }
0x6b: {  	_ =	shalt  }
0x6c: {  	_ =	shalt  }
0x6d: {  	_ =	shalt  }
0x6e: {  	_ =	shalt  }
0x6f: {  	_ =	shalt  }
0x70: {  	_ =	shalt  }
0x71: {  	_ =	shalt  }
0x72: {  	_ =	shalt  }
0x73: {  	_ =	shalt  }
0x74: {  	_ =	shalt  }
0x75: {  	_ =	shalt  }
0x76: {  	_ =	shalt  }
0x77: {  	_ =	shalt  }
0x78: {  	_ =	shalt  }
0x79: {  	_ =	shalt  }
0x7a: {  	_ =	shalt  }
0x7b: {  	_ =	shalt  }
0x7c: {  	_ =	shalt  }
0x7d: {  	_ =	shalt  }
0x7e: {  	_ =	shalt  }
0x7f: {  	_ =	shalt  }
0x80: {  	_ =	shalt  }
0x81: {  	_ =	shalt  }
0x82: {  	_ =	shalt  }
0x83: {  	_ =	shalt  }
0x84: {  	_ =	shalt  }
0x85: {  	_ =	shalt  }
0x86: {  	_ =	shalt  }
0x87: {  	_ =	shalt  }
.Lfunc_end0:
.L_simem_size_0:
called_computation.1_lowered:
.L_overlay_start_0:
0x88: {  	s2 =	sld [smem:$0x3FD9]  }
0x89: {  	s3 =	sld [smem:$0x3FFE];
	_ =	sdelay $0x1  }
0x8a: {  	s1 =	srdreg.scid  }
0x8b: {  	s0 =	sand.u32 $0x1, s1  }
0x8c: {  	s14 =	sshll.u32 s0, $0xA;
	s2 =	sadd.s32 s3, s2  }
0x8d: {  	s2 =	sadd.s32 s2, s14  }
0x8e: {  	[smem:$0x3FBF] =	sst s2  }
0x8f: {  	_ = 	snop  }
0x90: {  	s2 =	sld [smem:$0x3FD0];
	_ =	sdelay $0x2  }
0x91: {  	s15 =	simm.s32 $0xA;
	s4 =	simm.s32 $0x10  }
0x92: {  	[smem:s4], [sflag:s15] =	dma.local [hbm:s2], $0x1  }
0x93: {  	_ =	swait.eq [sflag:s15], $0x1  }
0x94: {  	[sflag:s15] =	ssyncset.done $0x0  }
0x95: {  	s16 =	sld [smem:$0x10];
	[sflag:s15] =	ssyncadd.s32 $0xFFFFFFFF  }
0x96: {  	s17 =	sld [smem:$0x11];
	(tm) =	ssettm $0x1  }
0x97: {  	s18 =	sld [smem:$0x3FFB];
	_ =	sdelay $0x3  }
0x98: {  	_ =	strace s18  }
0x99: {  	s4 =	sld [smem:$0x3FFC];
	_ =	sdelay $0x3  }
0x9a: {  	_ =	strace s4  }
0x9b: {  	s4 =	sld [smem:$0x3FFD];
	_ =	sdelay $0x3  }
0x9c: {  	_ =	strace s4  }
0x9d: {  	_ =	strace $0x8FFFFFFF  }
0x9e: {  	s19 =	sld [smem:$0x3FDB];
	_ =	sdelay $0x1  }
0x9f: {  	s5 =	simm.s32 $_scs_section_size  }
0xa0: {  	s6 =	simm.s32 $_size__tile_overlayer_lowered;
	s7 =	simm.s32 $_tile_overlayer_lowered  }
0xa1: {  	s22 =	simm.s32 $0x1BFF;
	s21 =	sshll.u32 s7, $0x1;
	s4 =	sadd.s32 s5, s19  }
0xa2: {  	s8 =	simm.s32 $0x0;
	s20 =	sshll.u32 s6, $0x1;
	s6 =	sadd.s32 s21, s4  }
0xa3: {  	[timem:s8], [sflag:s22] =	dma.local [hbm:s6], s20  }
0xa4: {  	_ =	swait.ge [sflag:s22], s20  }
0xa5: {  	s5 =	ssub.s32 $0x0, s20;
	[sflag:s22] =	ssyncset.done $0x0  }
0xa6: {  	[sflag:s22] =	ssyncadd.s32 s5;
	_ =	sdelay $0x1  }
0xa7: {  	s23 =	simm.s32 $0x1B8B  }
0xa8: {  	_ =	swait.ge [sflag:s23], $0x1  }
0xa9: {  	[sflag:s23] =	ssyncset.done $0x0  }
0xaa: {  	s25 =	simm.s32 $0x1B8E;
	s24 =	sld [smem:$0x3FFE];
	[sflag:s23] =	ssyncadd.s32 $0xFFFFFFFF  }
0xab: {  	s26 =	simm.s32 $execute0_lowered;
	[smem:$0x3FD2] =	sst s25  }
0xac: {  	s6 =	sshll.u32 s26, $0x1;
	_ =	strace $0x80000049;
	[dreg:$0x1] =	wrdreg $0xFFFFFFFF  }
0xad: {  	s28 =	simm.s32 $_size_execute0_lowered;
	s4 =	sadd.s32 s4, s6;
	[dreg:$0x0] =	wrdreg $0x0  }
0xae: {  	s6 =	sshll.u32 s28, $0x1;
	[dreg:$0x2] =	wrdreg s4  }
0xaf: {  	[dreg:$0x3] =	wrdreg s6  }
0xb0: {  	[dreg:$0x4] =	wrdreg $0xC0  }
0xb1: {  	_ =	task [dreg:s8], $0x5FFFF  }
0xb2: {  	[dreg:$0x1] =	wrdreg $0xFFFFFFFF  }
0xb3: {  	[dreg:$0x0] =	wrdreg $0x60  }
0xb4: {  	[dreg:$0x2] =	wrdreg s24  }
0xb5: {  	[dreg:$0x3] =	wrdreg s16  }
0xb6: {  	[dreg:$0x4] =	wrdreg s17  }
0xb7: {  	[dreg:$0x5] =	wrdreg $0xC4000  }
0xb8: {  	[dreg:$0x6] =	wrdreg $0x9  }
0xb9: {  	_ =	task.clear_ibuf [dreg:s8], $0x7FFFF;
	_ =	strace $0x90000049  }
0xba: {  	s29 =	simm.s32 $0x9;
	_ =	strace $0x8000004B  }
0xbb: {  	_ =	swait.ge [sflag:s29], $0x1  }
0xbc: {  	[sflag:s29] =	ssyncadd.s32 $0xFFFFFFFF  }
0xbd: {  	_ =	strace $0x9000004B  }
0xbe: {  	_ =	sfence  }
0xbf: {  	s30 =	sld [smem:$0x0];
	_ =	sdelay $0x2  }
0xc0: {  	s31 =	sshll.u32 s1, $0xD;
	s1 =	sshrl.u32 s1, $0x2  }
0xc1: {  	s3 =	sand.u32 $0x4000, s31;
	s1 =	sadd.s32 s1, s30  }
0xc2: {  	s0 =	sor.u32 s3, s0;
	s1 =	sshll.u32 s1, $0x11  }
0xc3: {  	s0 =	sor.u32 s1, s0  }
0xc4: {  	s0 =	sadd.s32 $0x8F2B, s0  }
0xc5: {  	[sflag:s0] =	ssyncadd.remote.s32 $0x1  }
0xc6: {  	_ =	sfence.sel $0xFFFF  }
0xc7: {  	[dreg:$0x0] =	wrdreg $0xFFFFFFFF;
	(pc) =	sbr.abs _section_cstart, $3  }
0xc8: {  	[dreg:$0x1] =	wrdreg $0xFFFFFFFF  }
0xc9: {  	_ =	task.clear_ibuf [dreg:s8], $0x2FFFF;
	_ =	strace $0x9FFFFFFF  }
0xca: {  	(tm) =	ssettm $0x7FFFFFFF  }
0xcb: {  	_ =	shalt  }
tec
execute0_lowered:
.L_overlay_start_1:
0x0: {  	(tag) =	ssettag $0x1  }
0x1: {  	s11 =	rddreg [dreg:$0x0]  }
0x2: {  	s0 =	rddreg [dreg:$0x1]  }
0x3: {  	s19 =	rddreg [dreg:$0x2]  }
0x4: {  	s2 =	rddreg [dreg:$0x3]  }
0x5: {  	s1 =	srdreg.scid;
	s3 =	simm.s32 $0x0;
	[dreg:$0x5] =	wrdreg s0  }
0x6: {  	s10 =	stileid.u32;
	s31 =	sand.u32 $0x1, s1;
	[smem:$0x7FF] =	sst s3  }
0x7: {  	s7 =	sshll.u32 s10, $0xD;
	s1 =	sshll.u32 s31, $0x4;
	s6 =	sshll.u32 s31, $0x11  }
0x8: {  	s5 =	sadd.s32 $0x4000, s11;
	s1 =	sor.u32 s10, s1;
	s28 =	sor.u32 s7, s6  }
0x9: {  	_ =	strace $0x8000004A;
	s4 =	sshll.u32 s1, $0x7;
	s13 =	sadd.s32 s19, s28  }
0xa: {  	s8 =	sshll.u32 s1, $0xE;
	s16 =	sor.u32 $0x1800, s28;
	[dreg:$0xf] =	wrdreg s13  }
0xb: {  	s29 =	sor.u32 $0x800, s28;
	s1 =	sadd.s32 s5, s8;
	[dreg:$0x15] =	wrdreg s16  }
0xc: {  	s30 =	sor.u32 $0x1000, s28;
	s14 =	sadd.s32 s19, s29;
	[dreg:$0x7] =	wrdreg s1  }
0xd: {  	s15 =	sadd.s32 s19, s30;
	[dreg:$0x10] =	wrdreg s14  }
0xe: {  	s4 =	sadd.s32 s4, s11;
	s17 =	sadd.s32 s19, s16;
	[dreg:$0x11] =	wrdreg s15  }
0xf: {  	s20 =	sor.u32 $0x800, s8;
	s4 =	sadd.s32 $0x3000, s4;
	[dreg:$0x12] =	wrdreg s17  }
0x10: {  	s21 =	sor.u32 $0x1000, s8;
	s24 =	sadd.s32 s5, s20;
	[dreg:$0x6] =	wrdreg s4  }
0x11: {  	s22 =	sor.u32 $0x1800, s8;
	s25 =	sadd.s32 s5, s21;
	[dreg:$0x8] =	wrdreg s24  }
0x12: {  	s23 =	sor.u32 $0x2000, s8;
	s26 =	sadd.s32 s5, s22;
	[dreg:$0x9] =	wrdreg s25  }
0x13: {  	s9 =	sadd.s32 s5, s23;
	[dreg:$0xa] =	wrdreg s26  }
0x14: {  	s1 =	sadd.s32 $0x84000, s11;
	[dreg:$0xb] =	wrdreg s9  }
0x15: {  	s18 =	sadd.s32 s1, s8;
	s19 =	rddreg [dreg:$0x6]  }
0x16: {  	s24 =	sor.u32 $0x2800, s8;
	s4 =	sadd.s32 s1, s20;
	[dreg:$0x13] =	wrdreg s18  }
0x17: {  	s25 =	sor.u32 $0x3000, s8;
	s12 =	sadd.s32 s5, s24;
	[dreg:$0x14] =	wrdreg s4  }
0x18: {  	s26 =	sor.u32 $0x3800, s8;
	s9 =	sadd.s32 s5, s25;
	[dreg:$0xc] =	wrdreg s12  }
0x19: {  	s5 =	sadd.s32 s5, s26;
	[dreg:$0xd] =	wrdreg s9  }
0x1a: {  	s4 =	simm.s32 $0x3;
	[dreg:$0xe] =	wrdreg s5  }
0x1b: {  	[tilespmem:s3], [sflag:$0x3] =	stream.linear.gather [hbm4b:s19+s3], $0x400, $0x38;
	[tilespmem:$0x1C400] =	vst v63  }
0x1c: {  	_ =	swait.ge [sflag:s4], $0x400  }
0x1d: {  	[sflag:s4] =	ssyncset.done $0x0  }
0x1e: {  	s5 =	simm.s32 $0x8400;
	s20 =	rddreg [dreg:$0x5];
	[sflag:s4] =	ssyncadd.s32 $0xFFFFFC00  }
0x1f: {  	[tilespmem:s5], [sflag:$0x3] =	stream.linear.gather [hbm4b:s20+s3], $0x4000, $0x38;
	[tilespmem:$0x1C400] =	vst v63  }
0x20: {  	_ =	swait.ge [sflag:s4], $0x4000  }
0x21: {  	s0 =	sshll.u32 s10, $0x10;
	[sflag:s4] =	ssyncset.done $0x0  }
0x22: {  	s6 =	sadd.s32 s0, s2;
	[sflag:s4] =	ssyncadd.s32 $0xFFFFC000  }
0x23: {  	[spmem:s6] =	stream.linear.scatter [tilespmem:s5], [sflag:$0x3], $0x4000, $0x38;
	[tilespmem:$0x1C400] =	vst v63  }
0x24: {  	_ =	swait.ge [sflag:s4], $0x4000  }
0x25: {  	[sflag:s4] =	ssyncset.done $0x0  }
0x26: {  	s7 =	sadd.s32 $0x4000, s6;
	[sflag:s4] =	ssyncadd.s32 $0xFFFFC000  }
0x27: {  	[spmem:s7] =	stream.linear.scatter [tilespmem:s5], [sflag:$0x3], $0x4000, $0x38;
	[tilespmem:$0x1C400] =	vst v63  }
0x28: {  	_ =	swait.ge [sflag:s4], $0x4000  }
0x29: {  	[sflag:s4] =	ssyncset.done $0x0  }
0x2a: {  	s8 =	sadd.s32 $0x8000, s6;
	[sflag:s4] =	ssyncadd.s32 $0xFFFFC000  }
0x2b: {  	[spmem:s8] =	stream.linear.scatter [tilespmem:s5], [sflag:$0x3], $0x4000, $0x38;
	[tilespmem:$0x1C400] =	vst v63  }
0x2c: {  	_ =	swait.ge [sflag:s4], $0x4000  }
0x2d: {  	[sflag:s4] =	ssyncset.done $0x0  }
0x2e: {  	s9 =	sadd.s32 $0xC000, s6;
	[sflag:s4] =	ssyncadd.s32 $0xFFFFC000  }
0x2f: {  	[spmem:s9] =	stream.linear.scatter [tilespmem:s5], [sflag:$0x3], $0x4000, $0x38;
	[tilespmem:$0x1C400] =	vst v63  }
0x30: {  	_ =	swait.ge [sflag:s4], $0x4000  }
0x31: {  	[sflag:s4] =	ssyncset.done $0x0  }
0x32: {  	[sflag:s4] =	ssyncadd.s32 $0xFFFFC000  }
0x33: {  	[bflag:$0x0] =	sbarrier.arrive $0xFFFF  }
0x34: {  	s10 =	simm.s32 $0x400;
	s11 =	simm.s32 $0x1;
	s12 =	rddreg [dreg:$0x7]  }
0x35: {  	[tilespmem:s10], [sflag:$0x1] =	stream.linear.gather [hbm4b:s12+s3], $0x4000, $0x38;
	[tilespmem:$0x1C400] =	vst v63  }
0x36: {  	_ =	swait.ge [sflag:s11], $0x4000  }
0x37: {  	[sflag:s11] =	ssyncset.done $0x0  }
0x38: {  	s12 =	simm.s32 $0x80;
	[sflag:s11] =	ssyncadd.s32 $0xFFFFC000  }
0x39: {  	[spmem:s2] =	stream.indirect.scatter.add.f32 [tilespmem:s10], [sflag:$0x2], $0x80, s3, s12, $0xb8;
	[tilespmem:$0x1C400] =	vst v63  }
0x3a: {  	s13 =	simm.s32 $0x4400;
	s14 =	rddreg [dreg:$0x8]  }
0x3b: {  	[tilespmem:s13], [sflag:$0x1] =	stream.linear.gather [hbm4b:s14+s3], $0x4000, $0x38;
	[tilespmem:$0x1C400] =	vst v63  }
0x3c: {  	_ =	swait.ge [sflag:s11], $0x4000  }
0x3d: {  	[sflag:s11] =	ssyncset.done $0x0  }
0x3e: {  	s14 =	simm.s32 $0x2;
	[sflag:s11] =	ssyncadd.s32 $0xFFFFC000  }
0x3f: {  	[spmem:s2] =	stream.indirect.scatter.add.f32 [tilespmem:s13], [sflag:$0x2], $0x80, s12, s12, $0xb8;
	[tilespmem:$0x1C400] =	vst v63  }
0x40: {  	_ =	swait.ge [sflag:s14], $0x4000  }
0x41: {  	[sflag:s14] =	ssyncset.done $0x0  }
0x42: {  	s15 =	rddreg [dreg:$0x9];
	[sflag:s14] =	ssyncadd.s32 $0xFFFFC000  }
0x43: {  	[tilespmem:s10], [sflag:$0x1] =	stream.linear.gather [hbm4b:s15+s3], $0x4000, $0x38;
	[tilespmem:$0x1C400] =	vst v63  }
0x44: {  	_ =	swait.ge [sflag:s11], $0x4000  }
0x45: {  	[sflag:s11] =	ssyncset.done $0x0  }
0x46: {  	s15 =	simm.s32 $0x100;
	[sflag:s11] =	ssyncadd.s32 $0xFFFFC000  }
0x47: {  	[spmem:s2] =	stream.indirect.scatter.add.f32 [tilespmem:s10], [sflag:$0x2], $0x80, s15, s12, $0xb8;
	[tilespmem:$0x1C400] =	vst v63  }
0x48: {  	_ =	swait.ge [sflag:s14], $0x4000  }
0x49: {  	[sflag:s14] =	ssyncset.done $0x0  }
0x4a: {  	s16 =	rddreg [dreg:$0xa];
	[sflag:s14] =	ssyncadd.s32 $0xFFFFC000  }
0x4b: {  	[tilespmem:s13], [sflag:$0x1] =	stream.linear.gather [hbm4b:s16+s3], $0x4000, $0x38;
	[tilespmem:$0x1C400] =	vst v63  }
0x4c: {  	_ =	swait.ge [sflag:s11], $0x4000  }
0x4d: {  	[sflag:s11] =	ssyncset.done $0x0  }
0x4e: {  	s16 =	simm.s32 $0x180;
	[sflag:s11] =	ssyncadd.s32 $0xFFFFC000  }
0x4f: {  	[spmem:s2] =	stream.indirect.scatter.add.f32 [tilespmem:s13], [sflag:$0x2], $0x80, s16, s12, $0xb8;
	[tilespmem:$0x1C400] =	vst v63  }
0x50: {  	_ =	swait.ge [sflag:s14], $0x4000  }
0x51: {  	[sflag:s14] =	ssyncset.done $0x0  }
0x52: {  	s17 =	rddreg [dreg:$0xb];
	[sflag:s14] =	ssyncadd.s32 $0xFFFFC000  }
0x53: {  	[tilespmem:s10], [sflag:$0x1] =	stream.linear.gather [hbm4b:s17+s3], $0x4000, $0x38;
	[tilespmem:$0x1C400] =	vst v63  }
0x54: {  	_ =	swait.ge [sflag:s11], $0x4000  }
0x55: {  	[sflag:s11] =	ssyncset.done $0x0  }
0x56: {  	s17 =	simm.s32 $0x200;
	[sflag:s11] =	ssyncadd.s32 $0xFFFFC000  }
0x57: {  	[spmem:s2] =	stream.indirect.scatter.add.f32 [tilespmem:s10], [sflag:$0x2], $0x80, s17, s12, $0xb8;
	[tilespmem:$0x1C400] =	vst v63  }
0x58: {  	_ =	swait.ge [sflag:s14], $0x4000  }
0x59: {  	[sflag:s14] =	ssyncset.done $0x0  }
0x5a: {  	s18 =	rddreg [dreg:$0xc];
	[sflag:s14] =	ssyncadd.s32 $0xFFFFC000  }
0x5b: {  	[tilespmem:s13], [sflag:$0x1] =	stream.linear.gather [hbm4b:s18+s3], $0x4000, $0x38;
	[tilespmem:$0x1C400] =	vst v63  }
0x5c: {  	_ =	swait.ge [sflag:s11], $0x4000  }
0x5d: {  	[sflag:s11] =	ssyncset.done $0x0  }
0x5e: {  	s18 =	simm.s32 $0x280;
	[sflag:s11] =	ssyncadd.s32 $0xFFFFC000  }
0x5f: {  	[spmem:s2] =	stream.indirect.scatter.add.f32 [tilespmem:s13], [sflag:$0x2], $0x80, s18, s12, $0xb8;
	[tilespmem:$0x1C400] =	vst v63  }
0x60: {  	_ =	swait.ge [sflag:s14], $0x4000  }
0x61: {  	[sflag:s14] =	ssyncset.done $0x0  }
0x62: {  	s19 =	rddreg [dreg:$0xd];
	[sflag:s14] =	ssyncadd.s32 $0xFFFFC000  }
0x63: {  	[tilespmem:s10], [sflag:$0x1] =	stream.linear.gather [hbm4b:s19+s3], $0x4000, $0x38;
	[tilespmem:$0x1C400] =	vst v63  }
0x64: {  	_ =	swait.ge [sflag:s11], $0x4000  }
0x65: {  	[sflag:s11] =	ssyncset.done $0x0  }
0x66: {  	s19 =	simm.s32 $0x300;
	[sflag:s11] =	ssyncadd.s32 $0xFFFFC000  }
0x67: {  	[spmem:s2] =	stream.indirect.scatter.add.f32 [tilespmem:s10], [sflag:$0x2], $0x80, s19, s12, $0xb8;
	[tilespmem:$0x1C400] =	vst v63  }
0x68: {  	_ =	swait.ge [sflag:s14], $0x4000  }
0x69: {  	[sflag:s14] =	ssyncset.done $0x0  }
0x6a: {  	s20 =	rddreg [dreg:$0xe];
	[sflag:s14] =	ssyncadd.s32 $0xFFFFC000  }
0x6b: {  	[tilespmem:s13], [sflag:$0x1] =	stream.linear.gather [hbm4b:s20+s3], $0x4000, $0x38;
	[tilespmem:$0x1C400] =	vst v63  }
0x6c: {  	_ =	swait.ge [sflag:s11], $0x4000  }
0x6d: {  	[sflag:s11] =	ssyncset.done $0x0  }
0x6e: {  	s20 =	simm.s32 $0x380;
	[sflag:s11] =	ssyncadd.s32 $0xFFFFC000  }
0x6f: {  	[spmem:s2] =	stream.indirect.scatter.add.f32 [tilespmem:s13], [sflag:$0x2], $0x80, s20, s12, $0xb8;
	[tilespmem:$0x1C400] =	vst v63  }
0x70: {  	_ =	swait.ge [sflag:s14], $0x4000  }
0x71: {  	[sflag:s14] =	ssyncset.done $0x0  }
0x72: {  	[sflag:s14] =	ssyncadd.s32 $0xFFFFC000  }
0x73: {  	_ =	swait.ge [sflag:s14], $0x4000  }
0x74: {  	[sflag:s14] =	ssyncset.done $0x0  }
0x75: {  	[sflag:s14] =	ssyncadd.s32 $0xFFFFC000  }
0x76: {  	[bflag:$0x0] =	sbarrier.arrive $0xFFFF  }
0x77: {  	[tilespmem:s10], [sflag:$0x3] =	stream.linear.gather [spmem:s6], $0x4000, $0x38;
	[tilespmem:$0x1C400] =	vst v63  }
0x78: {  	_ =	swait.ge [sflag:s4], $0x4000  }
0x79: {  	[sflag:s4] =	ssyncset.done $0x0  }
0x7a: {  	s0 =	rddreg [dreg:$0xf];
	[sflag:s4] =	ssyncadd.s32 $0xFFFFC000  }
0x7b: {  	[hbm4b:s0+s3] =	stream.linear.scatter [tilespmem:s10], [sflag:$0x3], $0x4000, $0x38;
	[tilespmem:$0x1C400] =	vst v63  }
0x7c: {  	_ =	swait.ge [sflag:s4], $0x4000  }
0x7d: {  	[sflag:s4] =	ssyncset.done $0x0  }
0x7e: {  	[sflag:s4] =	ssyncadd.s32 $0xFFFFC000  }
0x7f: {  	[spmem:s6] =	stream.linear.scatter [tilespmem:s5], [sflag:$0x3], $0x4000, $0x38;
	[tilespmem:$0x1C400] =	vst v63  }
0x80: {  	_ =	swait.ge [sflag:s4], $0x4000  }
0x81: {  	[sflag:s4] =	ssyncset.done $0x0  }
0x82: {  	[sflag:s4] =	ssyncadd.s32 $0xFFFFC000  }
0x83: {  	[tilespmem:s13], [sflag:$0x3] =	stream.linear.gather [spmem:s7], $0x4000, $0x38;
	[tilespmem:$0x1C400] =	vst v63  }
0x84: {  	_ =	swait.ge [sflag:s4], $0x4000  }
0x85: {  	[sflag:s4] =	ssyncset.done $0x0  }
0x86: {  	s0 =	rddreg [dreg:$0x10];
	[sflag:s4] =	ssyncadd.s32 $0xFFFFC000  }
0x87: {  	[hbm4b:s0+s3] =	stream.linear.scatter [tilespmem:s13], [sflag:$0x3], $0x4000, $0x38;
	[tilespmem:$0x1C400] =	vst v63  }
0x88: {  	_ =	swait.ge [sflag:s4], $0x4000  }
0x89: {  	[sflag:s4] =	ssyncset.done $0x0  }
0x8a: {  	[sflag:s4] =	ssyncadd.s32 $0xFFFFC000  }
0x8b: {  	[spmem:s7] =	stream.linear.scatter [tilespmem:s5], [sflag:$0x3], $0x4000, $0x38;
	[tilespmem:$0x1C400] =	vst v63  }
0x8c: {  	_ =	swait.ge [sflag:s4], $0x4000  }
0x8d: {  	[sflag:s4] =	ssyncset.done $0x0  }
0x8e: {  	[sflag:s4] =	ssyncadd.s32 $0xFFFFC000  }
0x8f: {  	[tilespmem:s10], [sflag:$0x3] =	stream.linear.gather [spmem:s8], $0x4000, $0x38;
	[tilespmem:$0x1C400] =	vst v63  }
0x90: {  	_ =	swait.ge [sflag:s4], $0x4000  }
0x91: {  	[sflag:s4] =	ssyncset.done $0x0  }
0x92: {  	s0 =	rddreg [dreg:$0x11];
	[sflag:s4] =	ssyncadd.s32 $0xFFFFC000  }
0x93: {  	[hbm4b:s0+s3] =	stream.linear.scatter [tilespmem:s10], [sflag:$0x3], $0x4000, $0x38;
	[tilespmem:$0x1C400] =	vst v63  }
0x94: {  	_ =	swait.ge [sflag:s4], $0x4000  }
0x95: {  	[sflag:s4] =	ssyncset.done $0x0  }
0x96: {  	[sflag:s4] =	ssyncadd.s32 $0xFFFFC000  }
0x97: {  	[spmem:s8] =	stream.linear.scatter [tilespmem:s5], [sflag:$0x3], $0x4000, $0x38;
	[tilespmem:$0x1C400] =	vst v63  }
0x98: {  	_ =	swait.ge [sflag:s4], $0x4000  }
0x99: {  	[sflag:s4] =	ssyncset.done $0x0  }
0x9a: {  	[sflag:s4] =	ssyncadd.s32 $0xFFFFC000  }
0x9b: {  	[tilespmem:s13], [sflag:$0x3] =	stream.linear.gather [spmem:s9], $0x4000, $0x38;
	[tilespmem:$0x1C400] =	vst v63  }
0x9c: {  	_ =	swait.ge [sflag:s4], $0x4000  }
0x9d: {  	[sflag:s4] =	ssyncset.done $0x0  }
0x9e: {  	s0 =	rddreg [dreg:$0x12];
	[sflag:s4] =	ssyncadd.s32 $0xFFFFC000  }
0x9f: {  	[hbm4b:s0+s3] =	stream.linear.scatter [tilespmem:s13], [sflag:$0x3], $0x4000, $0x38;
	[tilespmem:$0x1C400] =	vst v63  }
0xa0: {  	_ =	swait.ge [sflag:s4], $0x4000  }
0xa1: {  	[sflag:s4] =	ssyncset.done $0x0  }
0xa2: {  	[sflag:s4] =	ssyncadd.s32 $0xFFFFC000  }
0xa3: {  	[spmem:s9] =	stream.linear.scatter [tilespmem:s5], [sflag:$0x3], $0x4000, $0x38;
	[tilespmem:$0x1C400] =	vst v63  }
0xa4: {  	_ =	swait.ge [sflag:s4], $0x4000  }
0xa5: {  	[sflag:s4] =	ssyncset.done $0x0  }
0xa6: {  	[sflag:s4] =	ssyncadd.s32 $0xFFFFC000  }
0xa7: {  	[bflag:$0x0] =	sbarrier.arrive $0xFFFF  }
0xa8: {  	s0 =	rddreg [dreg:$0x13]  }
0xa9: {  	[tilespmem:s10], [sflag:$0x1] =	stream.linear.gather [hbm4b:s0+s3], $0x4000, $0x38;
	[tilespmem:$0x1C400] =	vst v63  }
0xaa: {  	_ =	swait.ge [sflag:s11], $0x4000  }
0xab: {  	[sflag:s11] =	ssyncset.done $0x0  }
0xac: {  	[sflag:s11] =	ssyncadd.s32 $0xFFFFC000  }
0xad: {  	[spmem:s2] =	stream.indirect.scatter.add.f32 [tilespmem:s10], [sflag:$0x2], $0x80, s3, s12, $0xb8;
	[tilespmem:$0x1C400] =	vst v63  }
0xae: {  	s0 =	rddreg [dreg:$0x14]  }
0xaf: {  	[tilespmem:s13], [sflag:$0x1] =	stream.linear.gather [hbm4b:s0+s3], $0x4000, $0x38;
	[tilespmem:$0x1C400] =	vst v63  }
0xb0: {  	_ =	swait.ge [sflag:s11], $0x4000  }
0xb1: {  	[sflag:s11] =	ssyncset.done $0x0  }
0xb2: {  	[sflag:s11] =	ssyncadd.s32 $0xFFFFC000  }
0xb3: {  	[spmem:s2] =	stream.indirect.scatter.add.f32 [tilespmem:s13], [sflag:$0x2], $0x80, s12, s12, $0xb8;
	[tilespmem:$0x1C400] =	vst v63  }
0xb4: {  	_ =	swait.ge [sflag:s14], $0x4000  }
0xb5: {  	[sflag:s14] =	ssyncset.done $0x0  }
0xb6: {  	s21 =	sadd.s32 s1, s21;
	[sflag:s14] =	ssyncadd.s32 $0xFFFFC000  }
0xb7: {  	[tilespmem:s10], [sflag:$0x1] =	stream.linear.gather [hbm4b:s21+s3], $0x4000, $0x38;
	[tilespmem:$0x1C400] =	vst v63  }
0xb8: {  	_ =	swait.ge [sflag:s11], $0x4000  }
0xb9: {  	[sflag:s11] =	ssyncset.done $0x0  }
0xba: {  	[sflag:s11] =	ssyncadd.s32 $0xFFFFC000  }
0xbb: {  	[spmem:s2] =	stream.indirect.scatter.add.f32 [tilespmem:s10], [sflag:$0x2], $0x80, s15, s12, $0xb8;
	[tilespmem:$0x1C400] =	vst v63  }
0xbc: {  	_ =	swait.ge [sflag:s14], $0x4000  }
0xbd: {  	[sflag:s14] =	ssyncset.done $0x0  }
0xbe: {  	s22 =	sadd.s32 s1, s22;
	[sflag:s14] =	ssyncadd.s32 $0xFFFFC000  }
0xbf: {  	[tilespmem:s13], [sflag:$0x1] =	stream.linear.gather [hbm4b:s22+s3], $0x4000, $0x38;
	[tilespmem:$0x1C400] =	vst v63  }
0xc0: {  	_ =	swait.ge [sflag:s11], $0x4000  }
0xc1: {  	[sflag:s11] =	ssyncset.done $0x0  }
0xc2: {  	[sflag:s11] =	ssyncadd.s32 $0xFFFFC000  }
0xc3: {  	[spmem:s2] =	stream.indirect.scatter.add.f32 [tilespmem:s13], [sflag:$0x2], $0x80, s16, s12, $0xb8;
	[tilespmem:$0x1C400] =	vst v63  }
0xc4: {  	_ =	swait.ge [sflag:s14], $0x4000  }
0xc5: {  	[sflag:s14] =	ssyncset.done $0x0  }
0xc6: {  	s23 =	sadd.s32 s1, s23;
	[sflag:s14] =	ssyncadd.s32 $0xFFFFC000  }
0xc7: {  	[tilespmem:s10], [sflag:$0x1] =	stream.linear.gather [hbm4b:s23+s3], $0x4000, $0x38;
	[tilespmem:$0x1C400] =	vst v63  }
0xc8: {  	_ =	swait.ge [sflag:s11], $0x4000  }
0xc9: {  	[sflag:s11] =	ssyncset.done $0x0  }
0xca: {  	[sflag:s11] =	ssyncadd.s32 $0xFFFFC000  }
0xcb: {  	[spmem:s2] =	stream.indirect.scatter.add.f32 [tilespmem:s10], [sflag:$0x2], $0x80, s17, s12, $0xb8;
	[tilespmem:$0x1C400] =	vst v63  }
0xcc: {  	_ =	swait.ge [sflag:s14], $0x4000  }
0xcd: {  	[sflag:s14] =	ssyncset.done $0x0  }
0xce: {  	s24 =	sadd.s32 s1, s24;
	[sflag:s14] =	ssyncadd.s32 $0xFFFFC000  }
0xcf: {  	[tilespmem:s13], [sflag:$0x1] =	stream.linear.gather [hbm4b:s24+s3], $0x4000, $0x38;
	[tilespmem:$0x1C400] =	vst v63  }
0xd0: {  	_ =	swait.ge [sflag:s11], $0x4000  }
0xd1: {  	[sflag:s11] =	ssyncset.done $0x0  }
0xd2: {  	[sflag:s11] =	ssyncadd.s32 $0xFFFFC000  }
0xd3: {  	[spmem:s2] =	stream.indirect.scatter.add.f32 [tilespmem:s13], [sflag:$0x2], $0x80, s18, s12, $0xb8;
	[tilespmem:$0x1C400] =	vst v63  }
0xd4: {  	_ =	swait.ge [sflag:s14], $0x4000  }
0xd5: {  	[sflag:s14] =	ssyncset.done $0x0  }
0xd6: {  	s25 =	sadd.s32 s1, s25;
	[sflag:s14] =	ssyncadd.s32 $0xFFFFC000  }
0xd7: {  	[tilespmem:s10], [sflag:$0x1] =	stream.linear.gather [hbm4b:s25+s3], $0x4000, $0x38;
	[tilespmem:$0x1C400] =	vst v63  }
0xd8: {  	_ =	swait.ge [sflag:s11], $0x4000  }
0xd9: {  	[sflag:s11] =	ssyncset.done $0x0  }
0xda: {  	[sflag:s11] =	ssyncadd.s32 $0xFFFFC000  }
0xdb: {  	[spmem:s2] =	stream.indirect.scatter.add.f32 [tilespmem:s10], [sflag:$0x2], $0x80, s19, s12, $0xb8;
	[tilespmem:$0x1C400] =	vst v63  }
0xdc: {  	_ =	swait.ge [sflag:s14], $0x4000  }
0xdd: {  	[sflag:s14] =	ssyncset.done $0x0  }
0xde: {  	s26 =	sadd.s32 s1, s26;
	[sflag:s14] =	ssyncadd.s32 $0xFFFFC000  }
0xdf: {  	[tilespmem:s13], [sflag:$0x1] =	stream.linear.gather [hbm4b:s26+s3], $0x4000, $0x38;
	[tilespmem:$0x1C400] =	vst v63  }
0xe0: {  	_ =	swait.ge [sflag:s11], $0x4000  }
0xe1: {  	[sflag:s11] =	ssyncset.done $0x0  }
0xe2: {  	[sflag:s11] =	ssyncadd.s32 $0xFFFFC000  }
0xe3: {  	[spmem:s2] =	stream.indirect.scatter.add.f32 [tilespmem:s13], [sflag:$0x2], $0x80, s20, s12, $0xb8;
	[tilespmem:$0x1C400] =	vst v63  }
0xe4: {  	_ =	swait.ge [sflag:s14], $0x4000  }
0xe5: {  	[sflag:s14] =	ssyncset.done $0x0  }
0xe6: {  	[sflag:s14] =	ssyncadd.s32 $0xFFFFC000  }
0xe7: {  	_ =	swait.ge [sflag:s14], $0x4000  }
0xe8: {  	[sflag:s14] =	ssyncset.done $0x0  }
0xe9: {  	[sflag:s14] =	ssyncadd.s32 $0xFFFFC000  }
0xea: {  	[bflag:$0x0] =	sbarrier.arrive $0xFFFF  }
0xeb: {  	[tilespmem:s10], [sflag:$0x3] =	stream.linear.gather [spmem:s6], $0x4000, $0x38;
	[tilespmem:$0x1C400] =	vst v63  }
0xec: {  	_ =	swait.ge [sflag:s4], $0x4000  }
0xed: {  	s1 =	rddreg [dreg:$0x0]  }
0xee: {  	[sflag:s4] =	ssyncset.done $0x0;
	s0 =	sadd.s32 $0x104000, s1  }
0xef: {  	[sflag:s4] =	ssyncadd.s32 $0xFFFFC000;
	s28 =	sadd.s32 s0, s28  }
0xf0: {  	[hbm4b:s28+s3] =	stream.linear.scatter [tilespmem:s10], [sflag:$0x3], $0x4000, $0x38;
	[tilespmem:$0x1C400] =	vst v63  }
0xf1: {  	_ =	swait.ge [sflag:s4], $0x4000  }
0xf2: {  	[sflag:s4] =	ssyncset.done $0x0  }
0xf3: {  	[sflag:s4] =	ssyncadd.s32 $0xFFFFC000  }
0xf4: {  	[tilespmem:s13], [sflag:$0x3] =	stream.linear.gather [spmem:s7], $0x4000, $0x38;
	[tilespmem:$0x1C400] =	vst v63  }
0xf5: {  	_ =	swait.ge [sflag:s4], $0x4000  }
0xf6: {  	[sflag:s4] =	ssyncset.done $0x0  }
0xf7: {  	s29 =	sadd.s32 s0, s29;
	[sflag:s4] =	ssyncadd.s32 $0xFFFFC000  }
0xf8: {  	[hbm4b:s29+s3] =	stream.linear.scatter [tilespmem:s13], [sflag:$0x3], $0x4000, $0x38;
	[tilespmem:$0x1C400] =	vst v63  }
0xf9: {  	_ =	swait.ge [sflag:s4], $0x4000  }
0xfa: {  	[sflag:s4] =	ssyncset.done $0x0  }
0xfb: {  	[sflag:s4] =	ssyncadd.s32 $0xFFFFC000  }
0xfc: {  	[tilespmem:s10], [sflag:$0x3] =	stream.linear.gather [spmem:s8], $0x4000, $0x38;
	[tilespmem:$0x1C400] =	vst v63  }
0xfd: {  	_ =	swait.ge [sflag:s4], $0x4000  }
0xfe: {  	s1 =	ssub.s32 $0x2, s31;
	[sflag:s4] =	ssyncset.done $0x0  }
0xff: {  	s30 =	sadd.s32 s0, s30;
	s31 =	sshrl.u32 s1, $0x1;
	[sflag:s4] =	ssyncadd.s32 $0xFFFFC000  }
0x100: {  	[hbm4b:s30+s3] =	stream.linear.scatter [tilespmem:s10], [sflag:$0x3], $0x4000, $0x38;
	[tilespmem:$0x1C400] =	vst v63  }
0x101: {  	s1 =	ssub.s32 s1, s31;
	_ =	swait.ge [sflag:s4], $0x4000  }
0x102: {  	s1 =	smax.u32 s1, $0x1;
	[sflag:s4] =	ssyncset.done $0x0  }
0x103: {  	p0 =	sne.s32 s1, $0x1;
	[sflag:s4] =	ssyncadd.s32 $0xFFFFC000  }
0x104: {  	[tilespmem:s13], [sflag:$0x3] =	stream.linear.gather [spmem:s9], $0x4000, $0x38;
	[tilespmem:$0x1C400] =	vst v63  }
.Ltmp0:
0x105: {  	_ =	swait.ge [sflag:s4], $0x4000;
	(pc) =	sbr.rel @!p0 .LBB2_2-.Ltmp0, $4  }
0x106: {  	[sflag:s4] =	ssyncset.done $0x0;
	s31 =	rddreg [dreg:$0x15]  }
0x107: {  	s31 =	sadd.s32 s0, s31;
	[sflag:s4] =	ssyncadd.s32 $0xFFFFC000  }
0x108: {  	[hbm4b:s31+s3] =	stream.linear.scatter [tilespmem:s13], [sflag:$0x3], $0x4000, $0x38;
	[tilespmem:$0x1C400] =	vst v63  }
0x109: {  	s0 =	sadd.s32 $0xFFFFFFFF, s1;
	_ =	swait.ge [sflag:s4], $0x4000  }
.LBB2_1:
0x10a: {  	[sflag:s4] =	ssyncset.done $0x0  }
0x10b: {  	s1 =	rddreg [dreg:$0x6];
	[sflag:s4] =	ssyncadd.s32 $0xFFFFC000  }
0x10c: {  	[tilespmem:s3], [sflag:$0x3] =	stream.linear.gather [hbm4b:s1+s3], $0x400, $0x38;
	[tilespmem:$0x1C400] =	vst v63  }
0x10d: {  	_ =	swait.ge [sflag:s4], $0x400  }
0x10e: {  	[sflag:s4] =	ssyncset.done $0x0  }
0x10f: {  	s1 =	rddreg [dreg:$0x5];
	[sflag:s4] =	ssyncadd.s32 $0xFFFFFC00  }
0x110: {  	[tilespmem:s5], [sflag:$0x3] =	stream.linear.gather [hbm4b:s1+s3], $0x4000, $0x38;
	[tilespmem:$0x1C400] =	vst v63  }
0x111: {  	_ =	swait.ge [sflag:s4], $0x4000  }
0x112: {  	[sflag:s4] =	ssyncset.done $0x0  }
0x113: {  	[sflag:s4] =	ssyncadd.s32 $0xFFFFC000  }
0x114: {  	[spmem:s6] =	stream.linear.scatter [tilespmem:s5], [sflag:$0x3], $0x4000, $0x38;
	[tilespmem:$0x1C400] =	vst v63  }
0x115: {  	_ =	swait.ge [sflag:s4], $0x4000  }
0x116: {  	[sflag:s4] =	ssyncset.done $0x0  }
0x117: {  	[sflag:s4] =	ssyncadd.s32 $0xFFFFC000  }
0x118: {  	[spmem:s7] =	stream.linear.scatter [tilespmem:s5], [sflag:$0x3], $0x4000, $0x38;
	[tilespmem:$0x1C400] =	vst v63  }
0x119: {  	_ =	swait.ge [sflag:s4], $0x4000  }
0x11a: {  	[sflag:s4] =	ssyncset.done $0x0  }
0x11b: {  	[sflag:s4] =	ssyncadd.s32 $0xFFFFC000  }
0x11c: {  	[spmem:s8] =	stream.linear.scatter [tilespmem:s5], [sflag:$0x3], $0x4000, $0x38;
	[tilespmem:$0x1C400] =	vst v63  }
0x11d: {  	_ =	swait.ge [sflag:s4], $0x4000  }
0x11e: {  	[sflag:s4] =	ssyncset.done $0x0  }
0x11f: {  	[sflag:s4] =	ssyncadd.s32 $0xFFFFC000  }
0x120: {  	[spmem:s9] =	stream.linear.scatter [tilespmem:s5], [sflag:$0x3], $0x4000, $0x38;
	[tilespmem:$0x1C400] =	vst v63  }
0x121: {  	_ =	swait.ge [sflag:s4], $0x4000  }
0x122: {  	[sflag:s4] =	ssyncset.done $0x0  }
0x123: {  	[sflag:s4] =	ssyncadd.s32 $0xFFFFC000  }
0x124: {  	[bflag:$0x0] =	sbarrier.arrive $0xFFFF  }
0x125: {  	s1 =	rddreg [dreg:$0x7]  }
0x126: {  	[tilespmem:s10], [sflag:$0x1] =	stream.linear.gather [hbm4b:s1+s3], $0x4000, $0x38;
	[tilespmem:$0x1C400] =	vst v63  }
0x127: {  	_ =	swait.ge [sflag:s11], $0x4000  }
0x128: {  	[sflag:s11] =	ssyncset.done $0x0  }
0x129: {  	[sflag:s11] =	ssyncadd.s32 $0xFFFFC000  }
0x12a: {  	[spmem:s2] =	stream.indirect.scatter.add.f32 [tilespmem:s10], [sflag:$0x2], $0x80, s3, s12, $0xb8;
	[tilespmem:$0x1C400] =	vst v63  }
0x12b: {  	s1 =	rddreg [dreg:$0x8]  }
0x12c: {  	[tilespmem:s13], [sflag:$0x1] =	stream.linear.gather [hbm4b:s1+s3], $0x4000, $0x38;
	[tilespmem:$0x1C400] =	vst v63  }
0x12d: {  	_ =	swait.ge [sflag:s11], $0x4000  }
0x12e: {  	[sflag:s11] =	ssyncset.done $0x0  }
0x12f: {  	[sflag:s11] =	ssyncadd.s32 $0xFFFFC000  }
0x130: {  	[spmem:s2] =	stream.indirect.scatter.add.f32 [tilespmem:s13], [sflag:$0x2], $0x80, s12, s12, $0xb8;
	[tilespmem:$0x1C400] =	vst v63  }
0x131: {  	_ =	swait.ge [sflag:s14], $0x4000  }
0x132: {  	[sflag:s14] =	ssyncset.done $0x0  }
0x133: {  	s1 =	rddreg [dreg:$0x9];
	[sflag:s14] =	ssyncadd.s32 $0xFFFFC000  }
0x134: {  	[tilespmem:s10], [sflag:$0x1] =	stream.linear.gather [hbm4b:s1+s3], $0x4000, $0x38;
	[tilespmem:$0x1C400] =	vst v63  }
0x135: {  	_ =	swait.ge [sflag:s11], $0x4000  }
0x136: {  	[sflag:s11] =	ssyncset.done $0x0  }
0x137: {  	[sflag:s11] =	ssyncadd.s32 $0xFFFFC000  }
0x138: {  	[spmem:s2] =	stream.indirect.scatter.add.f32 [tilespmem:s10], [sflag:$0x2], $0x80, s15, s12, $0xb8;
	[tilespmem:$0x1C400] =	vst v63  }
0x139: {  	_ =	swait.ge [sflag:s14], $0x4000  }
0x13a: {  	[sflag:s14] =	ssyncset.done $0x0  }
0x13b: {  	s1 =	rddreg [dreg:$0xa];
	[sflag:s14] =	ssyncadd.s32 $0xFFFFC000  }
0x13c: {  	[tilespmem:s13], [sflag:$0x1] =	stream.linear.gather [hbm4b:s1+s3], $0x4000, $0x38;
	[tilespmem:$0x1C400] =	vst v63  }
0x13d: {  	_ =	swait.ge [sflag:s11], $0x4000  }
0x13e: {  	[sflag:s11] =	ssyncset.done $0x0  }
0x13f: {  	[sflag:s11] =	ssyncadd.s32 $0xFFFFC000  }
0x140: {  	[spmem:s2] =	stream.indirect.scatter.add.f32 [tilespmem:s13], [sflag:$0x2], $0x80, s16, s12, $0xb8;
	[tilespmem:$0x1C400] =	vst v63  }
0x141: {  	_ =	swait.ge [sflag:s14], $0x4000  }
0x142: {  	[sflag:s14] =	ssyncset.done $0x0  }
0x143: {  	s1 =	rddreg [dreg:$0xb];
	[sflag:s14] =	ssyncadd.s32 $0xFFFFC000  }
0x144: {  	[tilespmem:s10], [sflag:$0x1] =	stream.linear.gather [hbm4b:s1+s3], $0x4000, $0x38;
	[tilespmem:$0x1C400] =	vst v63  }
0x145: {  	_ =	swait.ge [sflag:s11], $0x4000  }
0x146: {  	[sflag:s11] =	ssyncset.done $0x0  }
0x147: {  	[sflag:s11] =	ssyncadd.s32 $0xFFFFC000  }
0x148: {  	[spmem:s2] =	stream.indirect.scatter.add.f32 [tilespmem:s10], [sflag:$0x2], $0x80, s17, s12, $0xb8;
	[tilespmem:$0x1C400] =	vst v63  }
0x149: {  	_ =	swait.ge [sflag:s14], $0x4000  }
0x14a: {  	[sflag:s14] =	ssyncset.done $0x0  }
0x14b: {  	s1 =	rddreg [dreg:$0xc];
	[sflag:s14] =	ssyncadd.s32 $0xFFFFC000  }
0x14c: {  	[tilespmem:s13], [sflag:$0x1] =	stream.linear.gather [hbm4b:s1+s3], $0x4000, $0x38;
	[tilespmem:$0x1C400] =	vst v63  }
0x14d: {  	_ =	swait.ge [sflag:s11], $0x4000  }
0x14e: {  	[sflag:s11] =	ssyncset.done $0x0  }
0x14f: {  	[sflag:s11] =	ssyncadd.s32 $0xFFFFC000  }
0x150: {  	[spmem:s2] =	stream.indirect.scatter.add.f32 [tilespmem:s13], [sflag:$0x2], $0x80, s18, s12, $0xb8;
	[tilespmem:$0x1C400] =	vst v63  }
0x151: {  	_ =	swait.ge [sflag:s14], $0x4000  }
0x152: {  	[sflag:s14] =	ssyncset.done $0x0  }
0x153: {  	s1 =	rddreg [dreg:$0xd];
	[sflag:s14] =	ssyncadd.s32 $0xFFFFC000  }
0x154: {  	[tilespmem:s10], [sflag:$0x1] =	stream.linear.gather [hbm4b:s1+s3], $0x4000, $0x38;
	[tilespmem:$0x1C400] =	vst v63  }
0x155: {  	_ =	swait.ge [sflag:s11], $0x4000  }
0x156: {  	[sflag:s11] =	ssyncset.done $0x0  }
0x157: {  	[sflag:s11] =	ssyncadd.s32 $0xFFFFC000  }
0x158: {  	[spmem:s2] =	stream.indirect.scatter.add.f32 [tilespmem:s10], [sflag:$0x2], $0x80, s19, s12, $0xb8;
	[tilespmem:$0x1C400] =	vst v63  }
0x159: {  	_ =	swait.ge [sflag:s14], $0x4000  }
0x15a: {  	[sflag:s14] =	ssyncset.done $0x0  }
0x15b: {  	s1 =	rddreg [dreg:$0xe];
	[sflag:s14] =	ssyncadd.s32 $0xFFFFC000  }
0x15c: {  	[tilespmem:s13], [sflag:$0x1] =	stream.linear.gather [hbm4b:s1+s3], $0x4000, $0x38;
	[tilespmem:$0x1C400] =	vst v63  }
0x15d: {  	_ =	swait.ge [sflag:s11], $0x4000  }
0x15e: {  	[sflag:s11] =	ssyncset.done $0x0  }
0x15f: {  	[sflag:s11] =	ssyncadd.s32 $0xFFFFC000  }
0x160: {  	[spmem:s2] =	stream.indirect.scatter.add.f32 [tilespmem:s13], [sflag:$0x2], $0x80, s20, s12, $0xb8;
	[tilespmem:$0x1C400] =	vst v63  }
0x161: {  	_ =	swait.ge [sflag:s14], $0x4000  }
0x162: {  	[sflag:s14] =	ssyncset.done $0x0  }
0x163: {  	[sflag:s14] =	ssyncadd.s32 $0xFFFFC000  }
0x164: {  	_ =	swait.ge [sflag:s14], $0x4000  }
0x165: {  	[sflag:s14] =	ssyncset.done $0x0  }
0x166: {  	[sflag:s14] =	ssyncadd.s32 $0xFFFFC000  }
0x167: {  	[bflag:$0x0] =	sbarrier.arrive $0xFFFF  }
0x168: {  	[tilespmem:s10], [sflag:$0x3] =	stream.linear.gather [spmem:s6], $0x4000, $0x38;
	[tilespmem:$0x1C400] =	vst v63  }
0x169: {  	_ =	swait.ge [sflag:s4], $0x4000  }
0x16a: {  	[sflag:s4] =	ssyncset.done $0x0  }
0x16b: {  	s1 =	rddreg [dreg:$0xf];
	[sflag:s4] =	ssyncadd.s32 $0xFFFFC000  }
0x16c: {  	[hbm4b:s1+s3] =	stream.linear.scatter [tilespmem:s10], [sflag:$0x3], $0x4000, $0x38;
	[tilespmem:$0x1C400] =	vst v63  }
0x16d: {  	_ =	swait.ge [sflag:s4], $0x4000  }
0x16e: {  	[sflag:s4] =	ssyncset.done $0x0  }
0x16f: {  	[sflag:s4] =	ssyncadd.s32 $0xFFFFC000  }
0x170: {  	[spmem:s6] =	stream.linear.scatter [tilespmem:s5], [sflag:$0x3], $0x4000, $0x38;
	[tilespmem:$0x1C400] =	vst v63  }
0x171: {  	_ =	swait.ge [sflag:s4], $0x4000  }
0x172: {  	[sflag:s4] =	ssyncset.done $0x0  }
0x173: {  	[sflag:s4] =	ssyncadd.s32 $0xFFFFC000  }
0x174: {  	[tilespmem:s13], [sflag:$0x3] =	stream.linear.gather [spmem:s7], $0x4000, $0x38;
	[tilespmem:$0x1C400] =	vst v63  }
0x175: {  	_ =	swait.ge [sflag:s4], $0x4000  }
0x176: {  	[sflag:s4] =	ssyncset.done $0x0  }
0x177: {  	s1 =	rddreg [dreg:$0x10];
	[sflag:s4] =	ssyncadd.s32 $0xFFFFC000  }
0x178: {  	[hbm4b:s1+s3] =	stream.linear.scatter [tilespmem:s13], [sflag:$0x3], $0x4000, $0x38;
	[tilespmem:$0x1C400] =	vst v63  }
0x179: {  	_ =	swait.ge [sflag:s4], $0x4000  }
0x17a: {  	[sflag:s4] =	ssyncset.done $0x0  }
0x17b: {  	[sflag:s4] =	ssyncadd.s32 $0xFFFFC000  }
0x17c: {  	[spmem:s7] =	stream.linear.scatter [tilespmem:s5], [sflag:$0x3], $0x4000, $0x38;
	[tilespmem:$0x1C400] =	vst v63  }
0x17d: {  	_ =	swait.ge [sflag:s4], $0x4000  }
0x17e: {  	[sflag:s4] =	ssyncset.done $0x0  }
0x17f: {  	[sflag:s4] =	ssyncadd.s32 $0xFFFFC000  }
0x180: {  	[tilespmem:s10], [sflag:$0x3] =	stream.linear.gather [spmem:s8], $0x4000, $0x38;
	[tilespmem:$0x1C400] =	vst v63  }
0x181: {  	_ =	swait.ge [sflag:s4], $0x4000  }
0x182: {  	[sflag:s4] =	ssyncset.done $0x0  }
0x183: {  	s1 =	rddreg [dreg:$0x11];
	[sflag:s4] =	ssyncadd.s32 $0xFFFFC000  }
0x184: {  	[hbm4b:s1+s3] =	stream.linear.scatter [tilespmem:s10], [sflag:$0x3], $0x4000, $0x38;
	[tilespmem:$0x1C400] =	vst v63  }
0x185: {  	_ =	swait.ge [sflag:s4], $0x4000  }
0x186: {  	[sflag:s4] =	ssyncset.done $0x0  }
0x187: {  	[sflag:s4] =	ssyncadd.s32 $0xFFFFC000  }
0x188: {  	[spmem:s8] =	stream.linear.scatter [tilespmem:s5], [sflag:$0x3], $0x4000, $0x38;
	[tilespmem:$0x1C400] =	vst v63  }
0x189: {  	_ =	swait.ge [sflag:s4], $0x4000  }
0x18a: {  	[sflag:s4] =	ssyncset.done $0x0  }
0x18b: {  	[sflag:s4] =	ssyncadd.s32 $0xFFFFC000  }
0x18c: {  	[tilespmem:s13], [sflag:$0x3] =	stream.linear.gather [spmem:s9], $0x4000, $0x38;
	[tilespmem:$0x1C400] =	vst v63  }
0x18d: {  	_ =	swait.ge [sflag:s4], $0x4000  }
0x18e: {  	[sflag:s4] =	ssyncset.done $0x0  }
0x18f: {  	s1 =	rddreg [dreg:$0x12];
	[sflag:s4] =	ssyncadd.s32 $0xFFFFC000  }
0x190: {  	[hbm4b:s1+s3] =	stream.linear.scatter [tilespmem:s13], [sflag:$0x3], $0x4000, $0x38;
	[tilespmem:$0x1C400] =	vst v63  }
0x191: {  	_ =	swait.ge [sflag:s4], $0x4000  }
0x192: {  	[sflag:s4] =	ssyncset.done $0x0  }
0x193: {  	[sflag:s4] =	ssyncadd.s32 $0xFFFFC000  }
0x194: {  	[spmem:s9] =	stream.linear.scatter [tilespmem:s5], [sflag:$0x3], $0x4000, $0x38;
	[tilespmem:$0x1C400] =	vst v63  }
0x195: {  	_ =	swait.ge [sflag:s4], $0x4000  }
0x196: {  	[sflag:s4] =	ssyncset.done $0x0  }
0x197: {  	[sflag:s4] =	ssyncadd.s32 $0xFFFFC000  }
0x198: {  	[bflag:$0x0] =	sbarrier.arrive $0xFFFF  }
0x199: {  	s1 =	rddreg [dreg:$0x13]  }
0x19a: {  	[tilespmem:s10], [sflag:$0x1] =	stream.linear.gather [hbm4b:s1+s3], $0x4000, $0x38;
	[tilespmem:$0x1C400] =	vst v63  }
0x19b: {  	_ =	swait.ge [sflag:s11], $0x4000  }
0x19c: {  	[sflag:s11] =	ssyncset.done $0x0  }
0x19d: {  	[sflag:s11] =	ssyncadd.s32 $0xFFFFC000  }
0x19e: {  	[spmem:s2] =	stream.indirect.scatter.add.f32 [tilespmem:s10], [sflag:$0x2], $0x80, s3, s12, $0xb8;
	[tilespmem:$0x1C400] =	vst v63  }
0x19f: {  	s1 =	rddreg [dreg:$0x14]  }
0x1a0: {  	[tilespmem:s13], [sflag:$0x1] =	stream.linear.gather [hbm4b:s1+s3], $0x4000, $0x38;
	[tilespmem:$0x1C400] =	vst v63  }
0x1a1: {  	_ =	swait.ge [sflag:s11], $0x4000  }
0x1a2: {  	[sflag:s11] =	ssyncset.done $0x0  }
0x1a3: {  	[sflag:s11] =	ssyncadd.s32 $0xFFFFC000  }
0x1a4: {  	[spmem:s2] =	stream.indirect.scatter.add.f32 [tilespmem:s13], [sflag:$0x2], $0x80, s12, s12, $0xb8;
	[tilespmem:$0x1C400] =	vst v63  }
0x1a5: {  	_ =	swait.ge [sflag:s14], $0x4000  }
0x1a6: {  	[sflag:s14] =	ssyncset.done $0x0  }
0x1a7: {  	[sflag:s14] =	ssyncadd.s32 $0xFFFFC000  }
0x1a8: {  	[tilespmem:s10], [sflag:$0x1] =	stream.linear.gather [hbm4b:s21+s3], $0x4000, $0x38;
	[tilespmem:$0x1C400] =	vst v63  }
0x1a9: {  	_ =	swait.ge [sflag:s11], $0x4000  }
0x1aa: {  	[sflag:s11] =	ssyncset.done $0x0  }
0x1ab: {  	[sflag:s11] =	ssyncadd.s32 $0xFFFFC000  }
0x1ac: {  	[spmem:s2] =	stream.indirect.scatter.add.f32 [tilespmem:s10], [sflag:$0x2], $0x80, s15, s12, $0xb8;
	[tilespmem:$0x1C400] =	vst v63  }
0x1ad: {  	_ =	swait.ge [sflag:s14], $0x4000  }
0x1ae: {  	[sflag:s14] =	ssyncset.done $0x0  }
0x1af: {  	[sflag:s14] =	ssyncadd.s32 $0xFFFFC000  }
0x1b0: {  	[tilespmem:s13], [sflag:$0x1] =	stream.linear.gather [hbm4b:s22+s3], $0x4000, $0x38;
	[tilespmem:$0x1C400] =	vst v63  }
0x1b1: {  	_ =	swait.ge [sflag:s11], $0x4000  }
0x1b2: {  	[sflag:s11] =	ssyncset.done $0x0  }
0x1b3: {  	[sflag:s11] =	ssyncadd.s32 $0xFFFFC000  }
0x1b4: {  	[spmem:s2] =	stream.indirect.scatter.add.f32 [tilespmem:s13], [sflag:$0x2], $0x80, s16, s12, $0xb8;
	[tilespmem:$0x1C400] =	vst v63  }
0x1b5: {  	_ =	swait.ge [sflag:s14], $0x4000  }
0x1b6: {  	[sflag:s14] =	ssyncset.done $0x0  }
0x1b7: {  	[sflag:s14] =	ssyncadd.s32 $0xFFFFC000  }
0x1b8: {  	[tilespmem:s10], [sflag:$0x1] =	stream.linear.gather [hbm4b:s23+s3], $0x4000, $0x38;
	[tilespmem:$0x1C400] =	vst v63  }
0x1b9: {  	_ =	swait.ge [sflag:s11], $0x4000  }
0x1ba: {  	[sflag:s11] =	ssyncset.done $0x0  }
0x1bb: {  	[sflag:s11] =	ssyncadd.s32 $0xFFFFC000  }
0x1bc: {  	[spmem:s2] =	stream.indirect.scatter.add.f32 [tilespmem:s10], [sflag:$0x2], $0x80, s17, s12, $0xb8;
	[tilespmem:$0x1C400] =	vst v63  }
0x1bd: {  	_ =	swait.ge [sflag:s14], $0x4000  }
0x1be: {  	[sflag:s14] =	ssyncset.done $0x0  }
0x1bf: {  	[sflag:s14] =	ssyncadd.s32 $0xFFFFC000  }
0x1c0: {  	[tilespmem:s13], [sflag:$0x1] =	stream.linear.gather [hbm4b:s24+s3], $0x4000, $0x38;
	[tilespmem:$0x1C400] =	vst v63  }
0x1c1: {  	_ =	swait.ge [sflag:s11], $0x4000  }
0x1c2: {  	[sflag:s11] =	ssyncset.done $0x0  }
0x1c3: {  	[sflag:s11] =	ssyncadd.s32 $0xFFFFC000  }
0x1c4: {  	[spmem:s2] =	stream.indirect.scatter.add.f32 [tilespmem:s13], [sflag:$0x2], $0x80, s18, s12, $0xb8;
	[tilespmem:$0x1C400] =	vst v63  }
0x1c5: {  	_ =	swait.ge [sflag:s14], $0x4000  }
0x1c6: {  	[sflag:s14] =	ssyncset.done $0x0  }
0x1c7: {  	[sflag:s14] =	ssyncadd.s32 $0xFFFFC000  }
0x1c8: {  	[tilespmem:s10], [sflag:$0x1] =	stream.linear.gather [hbm4b:s25+s3], $0x4000, $0x38;
	[tilespmem:$0x1C400] =	vst v63  }
0x1c9: {  	_ =	swait.ge [sflag:s11], $0x4000  }
0x1ca: {  	[sflag:s11] =	ssyncset.done $0x0  }
0x1cb: {  	[sflag:s11] =	ssyncadd.s32 $0xFFFFC000  }
0x1cc: {  	[spmem:s2] =	stream.indirect.scatter.add.f32 [tilespmem:s10], [sflag:$0x2], $0x80, s19, s12, $0xb8;
	[tilespmem:$0x1C400] =	vst v63  }
0x1cd: {  	_ =	swait.ge [sflag:s14], $0x4000  }
0x1ce: {  	[sflag:s14] =	ssyncset.done $0x0  }
0x1cf: {  	[sflag:s14] =	ssyncadd.s32 $0xFFFFC000  }
0x1d0: {  	[tilespmem:s13], [sflag:$0x1] =	stream.linear.gather [hbm4b:s26+s3], $0x4000, $0x38;
	[tilespmem:$0x1C400] =	vst v63  }
0x1d1: {  	_ =	swait.ge [sflag:s11], $0x4000  }
0x1d2: {  	[sflag:s11] =	ssyncset.done $0x0  }
0x1d3: {  	[sflag:s11] =	ssyncadd.s32 $0xFFFFC000  }
0x1d4: {  	[spmem:s2] =	stream.indirect.scatter.add.f32 [tilespmem:s13], [sflag:$0x2], $0x80, s20, s12, $0xb8;
	[tilespmem:$0x1C400] =	vst v63  }
0x1d5: {  	_ =	swait.ge [sflag:s14], $0x4000  }
0x1d6: {  	[sflag:s14] =	ssyncset.done $0x0  }
0x1d7: {  	[sflag:s14] =	ssyncadd.s32 $0xFFFFC000  }
0x1d8: {  	_ =	swait.ge [sflag:s14], $0x4000  }
0x1d9: {  	[sflag:s14] =	ssyncset.done $0x0  }
0x1da: {  	[sflag:s14] =	ssyncadd.s32 $0xFFFFC000  }
0x1db: {  	[bflag:$0x0] =	sbarrier.arrive $0xFFFF  }
0x1dc: {  	[tilespmem:s10], [sflag:$0x3] =	stream.linear.gather [spmem:s6], $0x4000, $0x38;
	[tilespmem:$0x1C400] =	vst v63  }
0x1dd: {  	_ =	swait.ge [sflag:s4], $0x4000  }
0x1de: {  	[sflag:s4] =	ssyncset.done $0x0  }
0x1df: {  	[sflag:s4] =	ssyncadd.s32 $0xFFFFC000  }
0x1e0: {  	[hbm4b:s28+s3] =	stream.linear.scatter [tilespmem:s10], [sflag:$0x3], $0x4000, $0x38;
	[tilespmem:$0x1C400] =	vst v63  }
0x1e1: {  	_ =	swait.ge [sflag:s4], $0x4000  }
0x1e2: {  	[sflag:s4] =	ssyncset.done $0x0  }
0x1e3: {  	[sflag:s4] =	ssyncadd.s32 $0xFFFFC000  }
0x1e4: {  	[tilespmem:s13], [sflag:$0x3] =	stream.linear.gather [spmem:s7], $0x4000, $0x38;
	[tilespmem:$0x1C400] =	vst v63  }
0x1e5: {  	_ =	swait.ge [sflag:s4], $0x4000  }
0x1e6: {  	[sflag:s4] =	ssyncset.done $0x0  }
0x1e7: {  	[sflag:s4] =	ssyncadd.s32 $0xFFFFC000  }
0x1e8: {  	[hbm4b:s29+s3] =	stream.linear.scatter [tilespmem:s13], [sflag:$0x3], $0x4000, $0x38;
	[tilespmem:$0x1C400] =	vst v63  }
0x1e9: {  	_ =	swait.ge [sflag:s4], $0x4000  }
0x1ea: {  	[sflag:s4] =	ssyncset.done $0x0  }
0x1eb: {  	[sflag:s4] =	ssyncadd.s32 $0xFFFFC000  }
0x1ec: {  	[tilespmem:s10], [sflag:$0x3] =	stream.linear.gather [spmem:s8], $0x4000, $0x38;
	[tilespmem:$0x1C400] =	vst v63  }
0x1ed: {  	_ =	swait.ge [sflag:s4], $0x4000  }
0x1ee: {  	[sflag:s4] =	ssyncset.done $0x0  }
0x1ef: {  	[sflag:s4] =	ssyncadd.s32 $0xFFFFC000  }
0x1f0: {  	[hbm4b:s30+s3] =	stream.linear.scatter [tilespmem:s10], [sflag:$0x3], $0x4000, $0x38;
	[tilespmem:$0x1C400] =	vst v63  }
0x1f1: {  	_ =	swait.ge [sflag:s4], $0x4000  }
0x1f2: {  	[sflag:s4] =	ssyncset.done $0x0  }
0x1f3: {  	p0 =	sne.s32 s0, $0x1;
	[sflag:s4] =	ssyncadd.s32 $0xFFFFC000  }
0x1f4: {  	[tilespmem:s13], [sflag:$0x3] =	stream.linear.gather [spmem:s9], $0x4000, $0x38;
	[tilespmem:$0x1C400] =	vst v63  }
.Ltmp1:
0x1f5: {  	_ =	swait.ge [sflag:s4], $0x4000;
	(pc) =	sbr.rel @p0 .LBB2_1-.Ltmp1, $4  }
0x1f6: {  	[sflag:s4] =	ssyncset.done $0x0  }
0x1f7: {  	[sflag:s4] =	ssyncadd.s32 $0xFFFFC000  }
0x1f8: {  	[hbm4b:s31+s3] =	stream.linear.scatter [tilespmem:s13], [sflag:$0x3], $0x4000, $0x38;
	[tilespmem:$0x1C400] =	vst v63  }
0x1f9: {  	s0 =	sadd.s32 $0xFFFFFFFF, s0;
	_ =	swait.ge [sflag:s4], $0x4000  }
.LBB2_2:
0x1fa: {  	[sflag:s4] =	ssyncset.done $0x0  }
0x1fb: {  	[sflag:s4] =	ssyncadd.s32 $0xFFFFC000  }
0x1fc: {  	_ =	sfence.sel $0x180000  }
0x1fd: {  	[bflag:$0x0] =	sbarrier.arrive $0xFFFF  }
0x1fe: {  	_ =	strace $0x9000004A  }
0x1ff: {  	s0 =	stileid.u32;
	[bflag:$0x2] =	sbarrier.arrive $0xFFFF  }
0x200: {  	p0 =	sne.s32 s0, $0x0;
	s0 =	rddreg [dreg:$0x4]  }
0x201: {  	s0 =	sadd.s32 @!p0 $0x100000, s0  }
0x202: {  	[sflag:s0] =	ssyncadd.tile.s32 @!p0 $0x1;
	_ =	shalt  }
.Lfunc_end2:
_tile_overlayer_lowered:
.L_overlay_start_2:
0x203: {  	(tag) =	ssettag $0x2  }
0x204: {  	s0 =	rddreg [dreg:$0x0];
	s2 =	stileid.u32  }
0x205: {  	s1 =	rddreg [dreg:$0x1];
	p0 =	sne.s32 s2, $0x0  }
0x206: {  	s3 =	rddreg [dreg:$0x2];
	[bflag:$0x3] =	sbarrier.arrive $0xFFFF;
	s2 =	simm.s32 @!p0 $0x1C03  }
0x207: {  	[timem:s3], [sflag:s2] =	dma.local @!p0 [hbm:s0], s1  }
0x208: {  	s0 =	simm.s32 @!p0 $0x3  }
0x209: {  	_ =	swait.ge @!p0 [sflag:s0], s1  }
0x20a: {  	s1 =	ssub.s32 @!p0 $0x0, s1;
	[sflag:s0] =	ssyncset.done @!p0 $0x0  }
0x20b: {  	[sflag:s0] =	ssyncadd.s32 @!p0 s1  }
0x20c: {  	[bflag:$0x3] =	sbarrier.arrive $0xFFFF  }
0x20d: {  	_ =	shalt  }

// kernel: kernel.9.cloned.1.call-start
scs
__scs_entry_jumppad:
0x0: {  	(pc) =	sbr.rel $0x88, $3  }
0x1: {  	(tag) =	ssettag $0x0;
	lr =	simm.s32 $0x1  }
0x2: {  	[smem:$0x3F98] =	sst lr;
	_ =	strace $0xD0000000  }
0x3: {  	_ = 	snop  }
0x4: {  	_ = 	snop  }
0x5: {  	_ = 	snop  }
0x6: {  	_ = 	snop  }
0x7: {  	_ = 	snop  }
__scs_overlays_trampoline_lowered:
0x8: {  	[smem:$0x3FA7] =	sst s0  }
0x9: {  	[smem:$0x3FA8] =	sst s1  }
0xa: {  	[smem:$0x3FA9] =	sst s2  }
0xb: {  	[smem:$0x3FAA] =	sst s3  }
0xc: {  	[smem:$0x3FAB] =	sst s4  }
0xd: {  	[smem:$0x3FAC] =	sst s5  }
0xe: {  	[smem:$0x3FAD] =	sst s6  }
0xf: {  	[smem:$0x3FAE] =	sst s7  }
0x10: {  	[smem:$0x3FAF] =	sst s8  }
0x11: {  	[smem:$0x3FB0] =	sst s9;
	s0 =	simm.s32 @!p0 $0x0  }
0x12: {  	s1 =	sld [smem:$0x3F96];
	s0 =	simm.s32 @p0 $0x1  }
0x13: {  	[smem:$0x3FB1] =	sst s0;
	s0 =	simm.s32 @!p1 $0x0  }
0x14: {  	s2 =	sld [smem:$0x3F95];
	s0 =	simm.s32 @p1 $0x1  }
0x15: {  	[smem:$0x3FB2] =	sst s0;
	s0 =	simm.s32 @!p2 $0x0  }
0x16: {  	s3 =	sld [smem:$0x3FDB];
	s0 =	simm.s32 @p2 $0x1  }
0x17: {  	s4 =	simm.s32 $0x1BF5;
	[smem:$0x3FB4] =	sst s0  }
0x18: {  	s0 =	sld [smem:$0x3F97];
	_ =	swait.ge [sflag:s4], $0x0  }
0x19: {  	s7 =	sld [smem:$0x3F98]  }
0x1a: {  	s8 =	sadd.s32 $0xFFFFE003, lr  }
0x1b: {  	s9 =	sadd.s32 $0xFFFFFEF7, lr;
	s5 =	simm.s32 $0xFFFFFFFF;
	p2 =	slt.u32 s8, $0xFFFFF086  }
0x1c: {  	p1 =	slt.u32 s9, $0xF7A;
	s5 =	simm.s32 @!p2 $0x0  }
0x1d: {  	s5 =	simm.s32 @p1 $0x1;
	p0 =	seq.s32 s7, s2  }
0x1e: {  	s7 =	smul.u32 @!p0 $0xF7A, s2;
	p2 =	seq.s32 @!p0 s5, $0x0  }
0x1f: {  	s9 =	smul.u32 $0xF7A, s1;
	s8 =	simm.s32 @!p0 $0x1BF5;
	p2 =	por !p2, p0  }
0x20: {  	[sflag:s8] =	ssyncset.s32 @!p0 $0xFFFFF086;
	s6 =	sadd.s32 @!p0 s3, s7;
	s7 =	simm.s32 @!p0 $0x108  }
0x21: {  	s3 =	sadd.s32 s3, s9;
	s6 =	sadd.s32 @!p0 $0x88, s6;
	s7 =	simm.s32 @p2 $0x1082  }
0x22: {  	[simem:s7], [sflag:s8] =	dma.local @!p0 [hbm:s6], $0xF7A  }
0x23: {  	s9 =	sor.u32 $0xD0000000, s2;
	s6 =	simm.s32 $0x108;
	_ =	swait.ge @!p0 [sflag:s8], $0x0  }
0x24: {  	s3 =	sadd.s32 $0x88, s3;
	s6 =	simm.s32 @!p1 $0x1082;
	[sflag:s4] =	ssyncset.s32 $0xFFFFF086  }
0x25: {  	[simem:s6], [sflag:s4] =	dma.local [hbm:s3], $0xF7A  }
0x26: {  	[smem:$0x3F98] =	sst s1;
	(tag) =	ssettag s2;
	_ =	strace s9  }
0x27: {  	s1 =	sld [smem:$0x3FA8]  }
0x28: {  	s2 =	sld [smem:$0x3FA9]  }
0x29: {  	s4 =	sld [smem:$0x3FAB]  }
0x2a: {  	p0 =	seq.s32 s5, $0x0;
	s5 =	sld [smem:$0x3FAC]  }
0x2b: {  	s6 =	sld [smem:$0x3FAD]  }
0x2c: {  	s7 =	sld [smem:$0x3FAE]  }
0x2d: {  	s3 =	simm.s32 $0x108;
	s8 =	sld [smem:$0x3FAF]  }
0x2e: {  	s3 =	simm.s32 @!p0 $0x1082;
	s9 =	sld [smem:$0x3FB0]  }
0x2f: {  	lr =	sadd.s32 s0, s3;
	s0 =	sld [smem:$0x3FA7]  }
0x30: {  	s3 =	sld [smem:$0x3FAA]  }
0x31: {  	[smem:$0x3FB3] =	sst s10  }
0x32: {  	s10 =	sld [smem:$0x3FB1];
	_ =	sdelay $0x3  }
0x33: {  	p0 =	seq.s32 s10, $0x1;
	s10 =	sld [smem:$0x3FB3];
	_ =	sdelay $0x3  }
0x34: {  	[smem:$0x3FB3] =	sst s10  }
0x35: {  	s10 =	sld [smem:$0x3FB2];
	_ =	sdelay $0x3  }
0x36: {  	p1 =	seq.s32 s10, $0x1;
	s10 =	sld [smem:$0x3FB3];
	_ =	sdelay $0x3  }
0x37: {  	[smem:$0x3FB3] =	sst s10  }
0x38: {  	s10 =	sld [smem:$0x3FB4]  }
0x39: {  	_ = 	snop;
	(pc) =	sbr.ind lr, $3  }
0x3a: {  	_ = 	snop  }
0x3b: {  	_ = 	snop  }
0x3c: {  	p2 =	seq.s32 s10, $0x1;
	s10 =	sld [smem:$0x3FB3]  }
0x3d: {  	_ =	shalt  }
0x3e: {  	_ =	shalt  }
0x3f: {  	_ =	shalt  }
0x40: {  	_ =	shalt  }
0x41: {  	_ =	shalt  }
0x42: {  	_ =	shalt  }
0x43: {  	_ =	shalt  }
0x44: {  	_ =	shalt  }
0x45: {  	_ =	shalt  }
0x46: {  	_ =	shalt  }
0x47: {  	_ =	shalt  }
0x48: {  	_ =	shalt  }
0x49: {  	_ =	shalt  }
0x4a: {  	_ =	shalt  }
0x4b: {  	_ =	shalt  }
0x4c: {  	_ =	shalt  }
0x4d: {  	_ =	shalt  }
0x4e: {  	_ =	shalt  }
0x4f: {  	_ =	shalt  }
0x50: {  	_ =	shalt  }
0x51: {  	_ =	shalt  }
0x52: {  	_ =	shalt  }
0x53: {  	_ =	shalt  }
0x54: {  	_ =	shalt  }
0x55: {  	_ =	shalt  }
0x56: {  	_ =	shalt  }
0x57: {  	_ =	shalt  }
0x58: {  	_ =	shalt  }
0x59: {  	_ =	shalt  }
0x5a: {  	_ =	shalt  }
0x5b: {  	_ =	shalt  }
0x5c: {  	_ =	shalt  }
0x5d: {  	_ =	shalt  }
0x5e: {  	_ =	shalt  }
0x5f: {  	_ =	shalt  }
0x60: {  	_ =	shalt  }
0x61: {  	_ =	shalt  }
0x62: {  	_ =	shalt  }
0x63: {  	_ =	shalt  }
0x64: {  	_ =	shalt  }
0x65: {  	_ =	shalt  }
0x66: {  	_ =	shalt  }
0x67: {  	_ =	shalt  }
0x68: {  	_ =	shalt  }
0x69: {  	_ =	shalt  }
0x6a: {  	_ =	shalt  }
0x6b: {  	_ =	shalt  }
0x6c: {  	_ =	shalt  }
0x6d: {  	_ =	shalt  }
0x6e: {  	_ =	shalt  }
0x6f: {  	_ =	shalt  }
0x70: {  	_ =	shalt  }
0x71: {  	_ =	shalt  }
0x72: {  	_ =	shalt  }
0x73: {  	_ =	shalt  }
0x74: {  	_ =	shalt  }
0x75: {  	_ =	shalt  }
0x76: {  	_ =	shalt  }
0x77: {  	_ =	shalt  }
0x78: {  	_ =	shalt  }
0x79: {  	_ =	shalt  }
0x7a: {  	_ =	shalt  }
0x7b: {  	_ =	shalt  }
0x7c: {  	_ =	shalt  }
0x7d: {  	_ =	shalt  }
0x7e: {  	_ =	shalt  }
0x7f: {  	_ =	shalt  }
0x80: {  	_ =	shalt  }
0x81: {  	_ =	shalt  }
0x82: {  	_ =	shalt  }
0x83: {  	_ =	shalt  }
0x84: {  	_ =	shalt  }
0x85: {  	_ =	shalt  }
0x86: {  	_ =	shalt  }
0x87: {  	_ =	shalt  }
.Lfunc_end0:
.L_simem_size_0:
called_computation_lowered:
.L_overlay_start_0:
0x88: {  	s2 =	sld [smem:$0x3FD9]  }
0x89: {  	s3 =	sld [smem:$0x3FFE];
	_ =	sdelay $0x1  }
0x8a: {  	s1 =	srdreg.scid  }
0x8b: {  	s0 =	sand.u32 $0x1, s1  }
0x8c: {  	s14 =	sshll.u32 s0, $0xA;
	s2 =	sadd.s32 s3, s2  }
0x8d: {  	s2 =	sadd.s32 s2, s14  }
0x8e: {  	[smem:$0x3FBF] =	sst s2  }
0x8f: {  	_ = 	snop  }
0x90: {  	s2 =	sld [smem:$0x3FD0];
	_ =	sdelay $0x2  }
0x91: {  	s15 =	simm.s32 $0xA;
	s4 =	simm.s32 $0x10  }
0x92: {  	[smem:s4], [sflag:s15] =	dma.local [hbm:s2], $0x1  }
0x93: {  	_ =	swait.eq [sflag:s15], $0x1  }
0x94: {  	[sflag:s15] =	ssyncset.done $0x0  }
0x95: {  	s16 =	sld [smem:$0x10];
	[sflag:s15] =	ssyncadd.s32 $0xFFFFFFFF  }
0x96: {  	s17 =	sld [smem:$0x11];
	(tm) =	ssettm $0x1  }
0x97: {  	s18 =	sld [smem:$0x3FFB];
	_ =	sdelay $0x3  }
0x98: {  	_ =	strace s18  }
0x99: {  	s4 =	sld [smem:$0x3FFC];
	_ =	sdelay $0x3  }
0x9a: {  	_ =	strace s4  }
0x9b: {  	s4 =	sld [smem:$0x3FFD];
	_ =	sdelay $0x3  }
0x9c: {  	_ =	strace s4  }
0x9d: {  	_ =	strace $0x8FFFFFFF  }
0x9e: {  	s19 =	sld [smem:$0x3FDB];
	_ =	sdelay $0x1  }
0x9f: {  	s5 =	simm.s32 $_scs_section_size  }
0xa0: {  	s6 =	simm.s32 $_size__tile_overlayer_lowered;
	s7 =	simm.s32 $_tile_overlayer_lowered  }
0xa1: {  	s22 =	simm.s32 $0x1BFF;
	s21 =	sshll.u32 s7, $0x1;
	s4 =	sadd.s32 s5, s19  }
0xa2: {  	s8 =	simm.s32 $0x0;
	s20 =	sshll.u32 s6, $0x1;
	s6 =	sadd.s32 s21, s4  }
0xa3: {  	[timem:s8], [sflag:s22] =	dma.local [hbm:s6], s20  }
0xa4: {  	_ =	swait.ge [sflag:s22], s20  }
0xa5: {  	s5 =	ssub.s32 $0x0, s20;
	[sflag:s22] =	ssyncset.done $0x0  }
0xa6: {  	[sflag:s22] =	ssyncadd.s32 s5;
	_ =	sdelay $0x1  }
0xa7: {  	s23 =	simm.s32 $0x1B8B  }
0xa8: {  	_ =	swait.ge [sflag:s23], $0x1  }
0xa9: {  	[sflag:s23] =	ssyncset.done $0x0  }
0xaa: {  	s25 =	simm.s32 $0x1B8E;
	s24 =	sld [smem:$0x3FFE];
	[sflag:s23] =	ssyncadd.s32 $0xFFFFFFFF  }
0xab: {  	s26 =	simm.s32 $execute0_lowered;
	[smem:$0x3FD2] =	sst s25  }
0xac: {  	s6 =	sshll.u32 s26, $0x1;
	_ =	strace $0x80000046;
	[dreg:$0x1] =	wrdreg $0xFFFFFFFF  }
0xad: {  	s28 =	simm.s32 $_size_execute0_lowered;
	s4 =	sadd.s32 s4, s6;
	[dreg:$0x0] =	wrdreg $0x0  }
0xae: {  	s6 =	sshll.u32 s28, $0x1;
	[dreg:$0x2] =	wrdreg s4  }
0xaf: {  	[dreg:$0x3] =	wrdreg s6  }
0xb0: {  	[dreg:$0x4] =	wrdreg $0xC0  }
0xb1: {  	_ =	task [dreg:s8], $0x5FFFF  }
0xb2: {  	[dreg:$0x1] =	wrdreg $0xFFFFFFFF  }
0xb3: {  	[dreg:$0x0] =	wrdreg $0x60  }
0xb4: {  	[dreg:$0x2] =	wrdreg s17  }
0xb5: {  	[dreg:$0x3] =	wrdreg s16  }
0xb6: {  	[dreg:$0x4] =	wrdreg s24  }
0xb7: {  	[dreg:$0x5] =	wrdreg $0x9  }
0xb8: {  	_ =	task.clear_ibuf [dreg:s8], $0x6FFFF;
	_ =	strace $0x90000046  }
0xb9: {  	s29 =	simm.s32 $0x9;
	_ =	strace $0x80000048  }
0xba: {  	_ =	swait.ge [sflag:s29], $0x1  }
0xbb: {  	[sflag:s29] =	ssyncadd.s32 $0xFFFFFFFF  }
0xbc: {  	_ =	strace $0x90000048  }
0xbd: {  	_ =	sfence  }
0xbe: {  	s30 =	sld [smem:$0x0];
	_ =	sdelay $0x2  }
0xbf: {  	s31 =	sshll.u32 s1, $0xD;
	s1 =	sshrl.u32 s1, $0x2  }
0xc0: {  	s3 =	sand.u32 $0x4000, s31;
	s1 =	sadd.s32 s1, s30  }
0xc1: {  	s0 =	sor.u32 s3, s0;
	s1 =	sshll.u32 s1, $0x11  }
0xc2: {  	s0 =	sor.u32 s1, s0  }
0xc3: {  	s0 =	sadd.s32 $0x8F2B, s0  }
0xc4: {  	[sflag:s0] =	ssyncadd.remote.s32 $0x1  }
0xc5: {  	_ =	sfence.sel $0xFFFF  }
0xc6: {  	[dreg:$0x0] =	wrdreg $0xFFFFFFFF;
	(pc) =	sbr.abs _section_cstart, $3  }
0xc7: {  	[dreg:$0x1] =	wrdreg $0xFFFFFFFF  }
0xc8: {  	_ =	task.clear_ibuf [dreg:s8], $0x2FFFF;
	_ =	strace $0x9FFFFFFF  }
0xc9: {  	(tm) =	ssettm $0x7FFFFFFF  }
tec
execute0_lowered:
.L_overlay_start_1:
0x0: {  	(tag) =	ssettag $0x1  }
0x1: {  	s2 =	rddreg [dreg:$0x0];
	s0 =	srdreg.scid  }
0x2: {  	s4 =	rddreg [dreg:$0x1];
	s24 =	sand.u32 $0x1, s0  }
0x3: {  	s9 =	rddreg [dreg:$0x2];
	s1 =	stileid.u32;
	s5 =	sshll.u32 s24, $0x4  }
0x4: {  	s3 =	simm.s32 $0x0;
	s0 =	rddreg [dreg:$0x3];
	s10 =	sor.u32 s1, s5  }
0x5: {  	[smem:$0x7FF] =	sst s3;
	s5 =	sshll.u32 s10, $0x7  }
0x6: {  	_ =	strace $0x80000047;
	s4 =	sadd.s32 s4, s5;
	s5 =	simm.s32 $0x3  }
0x7: {  	[tilespmem:s3], [sflag:$0x3] =	stream.linear.gather [hbm4b:s4+s3], $0x400, $0x38;
	[tilespmem:$0x8400] =	vst v63  }
0x8: {  	_ =	swait.ge [sflag:s5], $0x400  }
0x9: {  	s6 =	simm.s32 $0x80;
	[sflag:s5] =	ssyncset.done $0x0  }
0xa: {  	s7 =	simm.s32 $0x400;
	s8 =	simm.s32 $0x1;
	[sflag:s5] =	ssyncadd.s32 $0xFFFFFC00  }
0xb: {  	[tilespmem:s7], [sflag:$0x1] =	stream.indirect.gather [hbm4b:s2+s6], $0x80, s3, s6, $0xb8;
	[tilespmem:$0x8400] =	vst v63  }
0xc: {  	_ =	swait.ge [sflag:s8], $0x4000  }
0xd: {  	s10 =	sshll.u32 s10, $0xE;
	[sflag:s8] =	ssyncset.done $0x0  }
0xe: {  	s25 =	sadd.s32 s10, s9;
	s9 =	simm.s32 $0x4400;
	[sflag:s8] =	ssyncadd.s32 $0xFFFFC000  }
0xf: {  	[tilespmem:s9], [sflag:$0x1] =	stream.indirect.gather [hbm4b:s2+s6], $0x80, s6, s6, $0xb8;
	[tilespmem:$0x8400] =	vst v63  }
0x10: {  	s10 =	sadd.s32 $0x4000, s25  }
0x11: {  	[hbm4b:s10+s3] =	stream.linear.scatter [tilespmem:s7], [sflag:$0x2], $0x4000, $0x38;
	[tilespmem:$0x8400] =	vst v63  }
0x12: {  	_ =	swait.ge [sflag:s8], $0x4000  }
0x13: {  	[sflag:s8] =	ssyncset.done $0x0  }
0x14: {  	s11 =	simm.s32 $0x2;
	[sflag:s8] =	ssyncadd.s32 $0xFFFFC000  }
0x15: {  	_ =	swait.ge [sflag:s11], $0x4000  }
0x16: {  	[sflag:s11] =	ssyncset.done $0x0  }
0x17: {  	s12 =	simm.s32 $0x100;
	[sflag:s11] =	ssyncadd.s32 $0xFFFFC000  }
0x18: {  	[tilespmem:s7], [sflag:$0x1] =	stream.indirect.gather [hbm4b:s2+s6], $0x80, s12, s6, $0xb8;
	[tilespmem:$0x8400] =	vst v63  }
0x19: {  	s13 =	sadd.s32 $0x4800, s25  }
0x1a: {  	[hbm4b:s13+s3] =	stream.linear.scatter [tilespmem:s9], [sflag:$0x2], $0x4000, $0x38;
	[tilespmem:$0x8400] =	vst v63  }
0x1b: {  	_ =	swait.ge [sflag:s8], $0x4000  }
0x1c: {  	[sflag:s8] =	ssyncset.done $0x0  }
0x1d: {  	[sflag:s8] =	ssyncadd.s32 $0xFFFFC000  }
0x1e: {  	_ =	swait.ge [sflag:s11], $0x4000  }
0x1f: {  	[sflag:s11] =	ssyncset.done $0x0  }
0x20: {  	s14 =	simm.s32 $0x180;
	[sflag:s11] =	ssyncadd.s32 $0xFFFFC000  }
0x21: {  	[tilespmem:s9], [sflag:$0x1] =	stream.indirect.gather [hbm4b:s2+s6], $0x80, s14, s6, $0xb8;
	[tilespmem:$0x8400] =	vst v63  }
0x22: {  	s15 =	sadd.s32 $0x5000, s25  }
0x23: {  	[hbm4b:s15+s3] =	stream.linear.scatter [tilespmem:s7], [sflag:$0x2], $0x4000, $0x38;
	[tilespmem:$0x8400] =	vst v63  }
0x24: {  	_ =	swait.ge [sflag:s8], $0x4000  }
0x25: {  	[sflag:s8] =	ssyncset.done $0x0  }
0x26: {  	[sflag:s8] =	ssyncadd.s32 $0xFFFFC000  }
0x27: {  	_ =	swait.ge [sflag:s11], $0x4000  }
0x28: {  	[sflag:s11] =	ssyncset.done $0x0  }
0x29: {  	s16 =	simm.s32 $0x200;
	[sflag:s11] =	ssyncadd.s32 $0xFFFFC000  }
0x2a: {  	[tilespmem:s7], [sflag:$0x1] =	stream.indirect.gather [hbm4b:s2+s6], $0x80, s16, s6, $0xb8;
	[tilespmem:$0x8400] =	vst v63  }
0x2b: {  	s17 =	sadd.s32 $0x5800, s25  }
0x2c: {  	[hbm4b:s17+s3] =	stream.linear.scatter [tilespmem:s9], [sflag:$0x2], $0x4000, $0x38;
	[tilespmem:$0x8400] =	vst v63  }
0x2d: {  	_ =	swait.ge [sflag:s8], $0x4000  }
0x2e: {  	[sflag:s8] =	ssyncset.done $0x0  }
0x2f: {  	[sflag:s8] =	ssyncadd.s32 $0xFFFFC000  }
0x30: {  	_ =	swait.ge [sflag:s11], $0x4000  }
0x31: {  	[sflag:s11] =	ssyncset.done $0x0  }
0x32: {  	s18 =	simm.s32 $0x280;
	[sflag:s11] =	ssyncadd.s32 $0xFFFFC000  }
0x33: {  	[tilespmem:s9], [sflag:$0x1] =	stream.indirect.gather [hbm4b:s2+s6], $0x80, s18, s6, $0xb8;
	[tilespmem:$0x8400] =	vst v63  }
0x34: {  	s19 =	sadd.s32 $0x6000, s25  }
0x35: {  	[hbm4b:s19+s3] =	stream.linear.scatter [tilespmem:s7], [sflag:$0x2], $0x4000, $0x38;
	[tilespmem:$0x8400] =	vst v63  }
0x36: {  	_ =	swait.ge [sflag:s8], $0x4000  }
0x37: {  	[sflag:s8] =	ssyncset.done $0x0  }
0x38: {  	[sflag:s8] =	ssyncadd.s32 $0xFFFFC000  }
0x39: {  	_ =	swait.ge [sflag:s11], $0x4000  }
0x3a: {  	[sflag:s11] =	ssyncset.done $0x0  }
0x3b: {  	s20 =	simm.s32 $0x300;
	[sflag:s11] =	ssyncadd.s32 $0xFFFFC000  }
0x3c: {  	[tilespmem:s7], [sflag:$0x1] =	stream.indirect.gather [hbm4b:s2+s6], $0x80, s20, s6, $0xb8;
	[tilespmem:$0x8400] =	vst v63  }
0x3d: {  	s21 =	sadd.s32 $0x6800, s25  }
0x3e: {  	[hbm4b:s21+s3] =	stream.linear.scatter [tilespmem:s9], [sflag:$0x2], $0x4000, $0x38;
	[tilespmem:$0x8400] =	vst v63  }
0x3f: {  	_ =	swait.ge [sflag:s8], $0x4000  }
0x40: {  	[sflag:s8] =	ssyncset.done $0x0  }
0x41: {  	[sflag:s8] =	ssyncadd.s32 $0xFFFFC000  }
0x42: {  	_ =	swait.ge [sflag:s11], $0x4000  }
0x43: {  	[sflag:s11] =	ssyncset.done $0x0  }
0x44: {  	s22 =	simm.s32 $0x380;
	s26 =	ssub.s32 $0x2, s24;
	[sflag:s11] =	ssyncadd.s32 $0xFFFFC000  }
0x45: {  	[tilespmem:s9], [sflag:$0x1] =	stream.indirect.gather [hbm4b:s2+s6], $0x80, s22, s6, $0xb8;
	[tilespmem:$0x8400] =	vst v63  }
0x46: {  	s31 =	sshrl.u32 s26, $0x1;
	s23 =	sadd.s32 $0x7000, s25  }
0x47: {  	[hbm4b:s23+s3] =	stream.linear.scatter [tilespmem:s7], [sflag:$0x2], $0x4000, $0x38;
	[tilespmem:$0x8400] =	vst v63  }
0x48: {  	s24 =	sadd.s32 $0x7800, s25;
	s25 =	ssub.s32 s26, s31;
	_ =	swait.ge [sflag:s8], $0x4000  }
0x49: {  	s25 =	smax.u32 s25, $0x1;
	[sflag:s8] =	ssyncset.done $0x0  }
0x4a: {  	p0 =	sne.s32 s25, $0x1;
	[sflag:s8] =	ssyncadd.s32 $0xFFFFC000  }
0x4b: {  	[hbm4b:s24+s3] =	stream.linear.scatter [tilespmem:s9], [sflag:$0x2], $0x4000, $0x38;
	[tilespmem:$0x8400] =	vst v63  }
.Ltmp0:
0x4c: {  	_ =	swait.ge [sflag:s11], $0x4000;
	(pc) =	sbr.rel @!p0 .LBB2_2-.Ltmp0, $4  }
0x4d: {  	[sflag:s11] =	ssyncset.done $0x0  }
0x4e: {  	[sflag:s11] =	ssyncadd.s32 $0xFFFFC000  }
0x4f: {  	_ =	swait.ge [sflag:s11], $0x4000  }
0x50: {  	s25 =	sadd.s32 $0xFFFFFFFF, s25;
	[sflag:s11] =	ssyncset.done $0x0  }
.LBB2_1:
0x51: {  	p0 =	sne.s32 s25, $0x1;
	s25 =	sadd.s32 $0xFFFFFFFF, s25;
	[sflag:s11] =	ssyncadd.s32 $0xFFFFC000  }
0x52: {  	[tilespmem:s3], [sflag:$0x3] =	stream.linear.gather [hbm4b:s4+s3], $0x400, $0x38;
	[tilespmem:$0x8400] =	vst v63  }
0x53: {  	_ =	swait.ge [sflag:s5], $0x400  }
0x54: {  	[sflag:s5] =	ssyncset.done $0x0  }
0x55: {  	[sflag:s5] =	ssyncadd.s32 $0xFFFFFC00  }
0x56: {  	[tilespmem:s7], [sflag:$0x1] =	stream.indirect.gather [hbm4b:s2+s6], $0x80, s3, s6, $0xb8;
	[tilespmem:$0x8400] =	vst v63  }
0x57: {  	_ =	swait.ge [sflag:s8], $0x4000  }
0x58: {  	[sflag:s8] =	ssyncset.done $0x0  }
0x59: {  	[sflag:s8] =	ssyncadd.s32 $0xFFFFC000  }
0x5a: {  	[tilespmem:s9], [sflag:$0x1] =	stream.indirect.gather [hbm4b:s2+s6], $0x80, s6, s6, $0xb8;
	[tilespmem:$0x8400] =	vst v63  }
0x5b: {  	_ = 	snop  }
0x5c: {  	[hbm4b:s10+s3] =	stream.linear.scatter [tilespmem:s7], [sflag:$0x2], $0x4000, $0x38;
	[tilespmem:$0x8400] =	vst v63  }
0x5d: {  	_ =	swait.ge [sflag:s8], $0x4000  }
0x5e: {  	[sflag:s8] =	ssyncset.done $0x0  }
0x5f: {  	[sflag:s8] =	ssyncadd.s32 $0xFFFFC000  }
0x60: {  	_ =	swait.ge [sflag:s11], $0x4000  }
0x61: {  	[sflag:s11] =	ssyncset.done $0x0  }
0x62: {  	[sflag:s11] =	ssyncadd.s32 $0xFFFFC000  }
0x63: {  	[tilespmem:s7], [sflag:$0x1] =	stream.indirect.gather [hbm4b:s2+s6], $0x80, s12, s6, $0xb8;
	[tilespmem:$0x8400] =	vst v63  }
0x64: {  	_ = 	snop  }
0x65: {  	[hbm4b:s13+s3] =	stream.linear.scatter [tilespmem:s9], [sflag:$0x2], $0x4000, $0x38;
	[tilespmem:$0x8400] =	vst v63  }
0x66: {  	_ =	swait.ge [sflag:s8], $0x4000  }
0x67: {  	[sflag:s8] =	ssyncset.done $0x0  }
0x68: {  	[sflag:s8] =	ssyncadd.s32 $0xFFFFC000  }
0x69: {  	_ =	swait.ge [sflag:s11], $0x4000  }
0x6a: {  	[sflag:s11] =	ssyncset.done $0x0  }
0x6b: {  	[sflag:s11] =	ssyncadd.s32 $0xFFFFC000  }
0x6c: {  	[tilespmem:s9], [sflag:$0x1] =	stream.indirect.gather [hbm4b:s2+s6], $0x80, s14, s6, $0xb8;
	[tilespmem:$0x8400] =	vst v63  }
0x6d: {  	_ = 	snop  }
0x6e: {  	[hbm4b:s15+s3] =	stream.linear.scatter [tilespmem:s7], [sflag:$0x2], $0x4000, $0x38;
	[tilespmem:$0x8400] =	vst v63  }
0x6f: {  	_ =	swait.ge [sflag:s8], $0x4000  }
0x70: {  	[sflag:s8] =	ssyncset.done $0x0  }
0x71: {  	[sflag:s8] =	ssyncadd.s32 $0xFFFFC000  }
0x72: {  	_ =	swait.ge [sflag:s11], $0x4000  }
0x73: {  	[sflag:s11] =	ssyncset.done $0x0  }
0x74: {  	[sflag:s11] =	ssyncadd.s32 $0xFFFFC000  }
0x75: {  	[tilespmem:s7], [sflag:$0x1] =	stream.indirect.gather [hbm4b:s2+s6], $0x80, s16, s6, $0xb8;
	[tilespmem:$0x8400] =	vst v63  }
0x76: {  	_ = 	snop  }
0x77: {  	[hbm4b:s17+s3] =	stream.linear.scatter [tilespmem:s9], [sflag:$0x2], $0x4000, $0x38;
	[tilespmem:$0x8400] =	vst v63  }
0x78: {  	_ =	swait.ge [sflag:s8], $0x4000  }
0x79: {  	[sflag:s8] =	ssyncset.done $0x0  }
0x7a: {  	[sflag:s8] =	ssyncadd.s32 $0xFFFFC000  }
0x7b: {  	_ =	swait.ge [sflag:s11], $0x4000  }
0x7c: {  	[sflag:s11] =	ssyncset.done $0x0  }
0x7d: {  	[sflag:s11] =	ssyncadd.s32 $0xFFFFC000  }
0x7e: {  	[tilespmem:s9], [sflag:$0x1] =	stream.indirect.gather [hbm4b:s2+s6], $0x80, s18, s6, $0xb8;
	[tilespmem:$0x8400] =	vst v63  }
0x7f: {  	_ = 	snop  }
0x80: {  	[hbm4b:s19+s3] =	stream.linear.scatter [tilespmem:s7], [sflag:$0x2], $0x4000, $0x38;
	[tilespmem:$0x8400] =	vst v63  }
0x81: {  	_ =	swait.ge [sflag:s8], $0x4000  }
0x82: {  	[sflag:s8] =	ssyncset.done $0x0  }
0x83: {  	[sflag:s8] =	ssyncadd.s32 $0xFFFFC000  }
0x84: {  	_ =	swait.ge [sflag:s11], $0x4000  }
0x85: {  	[sflag:s11] =	ssyncset.done $0x0  }
0x86: {  	[sflag:s11] =	ssyncadd.s32 $0xFFFFC000  }
0x87: {  	[tilespmem:s7], [sflag:$0x1] =	stream.indirect.gather [hbm4b:s2+s6], $0x80, s20, s6, $0xb8;
	[tilespmem:$0x8400] =	vst v63  }
0x88: {  	_ = 	snop  }
0x89: {  	[hbm4b:s21+s3] =	stream.linear.scatter [tilespmem:s9], [sflag:$0x2], $0x4000, $0x38;
	[tilespmem:$0x8400] =	vst v63  }
0x8a: {  	_ =	swait.ge [sflag:s8], $0x4000  }
0x8b: {  	[sflag:s8] =	ssyncset.done $0x0  }
0x8c: {  	[sflag:s8] =	ssyncadd.s32 $0xFFFFC000  }
0x8d: {  	_ =	swait.ge [sflag:s11], $0x4000  }
0x8e: {  	[sflag:s11] =	ssyncset.done $0x0  }
0x8f: {  	[sflag:s11] =	ssyncadd.s32 $0xFFFFC000  }
0x90: {  	[tilespmem:s9], [sflag:$0x1] =	stream.indirect.gather [hbm4b:s2+s6], $0x80, s22, s6, $0xb8;
	[tilespmem:$0x8400] =	vst v63  }
0x91: {  	_ = 	snop  }
0x92: {  	[hbm4b:s23+s3] =	stream.linear.scatter [tilespmem:s7], [sflag:$0x2], $0x4000, $0x38;
	[tilespmem:$0x8400] =	vst v63  }
0x93: {  	_ =	swait.ge [sflag:s8], $0x4000  }
0x94: {  	[sflag:s8] =	ssyncset.done $0x0  }
0x95: {  	[sflag:s8] =	ssyncadd.s32 $0xFFFFC000  }
0x96: {  	[hbm4b:s24+s3] =	stream.linear.scatter [tilespmem:s9], [sflag:$0x2], $0x4000, $0x38;
	[tilespmem:$0x8400] =	vst v63  }
.Ltmp1:
0x97: {  	_ =	swait.ge [sflag:s11], $0x4000;
	(pc) =	sbr.rel @p0 .LBB2_1-.Ltmp1, $4  }
0x98: {  	[sflag:s11] =	ssyncset.done $0x0  }
0x99: {  	[sflag:s11] =	ssyncadd.s32 $0xFFFFC000  }
0x9a: {  	_ =	swait.ge [sflag:s11], $0x4000  }
0x9b: {  	[sflag:s11] =	ssyncset.done $0x0  }
.LBB2_2:
0x9c: {  	[sflag:s11] =	ssyncadd.s32 $0xFFFFC000  }
0x9d: {  	_ =	sfence.sel $0x180000  }
0x9e: {  	[bflag:$0x0] =	sbarrier.arrive $0xFFFF  }
0x9f: {  	p0 =	sne.s32 s1, $0x0;
	_ =	strace $0x90000047  }
0xa0: {  	s0 =	sadd.s32 @!p0 $0x100000, s0;
	[bflag:$0x2] =	sbarrier.arrive $0xFFFF  }
0xa1: {  	[sflag:s0] =	ssyncadd.tile.s32 @!p0 $0x1;
	_ =	shalt  }
.Lfunc_end2:
_tile_overlayer_lowered:
.L_overlay_start_2:
0xa2: {  	(tag) =	ssettag $0x2  }
0xa3: {  	s0 =	rddreg [dreg:$0x0];
	s2 =	stileid.u32  }
0xa4: {  	s1 =	rddreg [dreg:$0x1];
	p0 =	sne.s32 s2, $0x0  }
0xa5: {  	s3 =	rddreg [dreg:$0x2];
	[bflag:$0x3] =	sbarrier.arrive $0xFFFF;
	s2 =	simm.s32 @!p0 $0x1C03  }
0xa6: {  	[timem:s3], [sflag:s2] =	dma.local @!p0 [hbm:s0], s1  }
0xa7: {  	s0 =	simm.s32 @!p0 $0x3  }
0xa8: {  	_ =	swait.ge @!p0 [sflag:s0], s1  }
0xa9: {  	s1 =	ssub.s32 @!p0 $0x0, s1;
	[sflag:s0] =	ssyncset.done @!p0 $0x0  }
0xaa: {  	[sflag:s0] =	ssyncadd.s32 @!p0 s1  }
0xab: {  	[bflag:$0x3] =	sbarrier.arrive $0xFFFF  }
0xac: {  	_ =	shalt  }

</sc_bundles>
